<compile_context>
chip_gen: v7x
topology: tpu7x:2x2x1
jax: 0.10.2.dev20260603
libtpu: 0.0.44.dev20260713+nightly
codegen_flags: <defaults>
</compile_context>

<pallas_src>
import functools

import jax
import jax.numpy as jnp
from jax import lax
from jax.experimental import pallas as pl
from jax.experimental.pallas import tpu as pltpu
from jax.experimental.pallas import tpu_sc as plsc

N = 10000
E = 320000
D_IN = 128
HEADS = 8
HID = 16
F1 = HEADS * HID
NCLS = 64
EPS = 1e-16

NC = 2
NS = 16
NW = NC * NS
EPW = E // NW
CH = 80
NCHUNK = EPW // CH
ROWS_PT = N // NS
ZCH = 125

BN = 1000
GRID = N // BN


def _tc1_body(x_ref, w_ref, as_ref, ad_ref, h_ref, asrc_ref, adst_ref):
    xb = x_ref[...]
    h = jnp.dot(xb, w_ref[...], preferred_element_type=jnp.float32)
    h_ref[...] = h
    cols_s = []
    cols_d = []
    for hh in range(HEADS):
        seg = h[:, hh * HID:(hh + 1) * HID]
        cols_s.append(jnp.sum(seg * as_ref[hh, :][None, :], axis=1, keepdims=True))
        cols_d.append(jnp.sum(seg * ad_ref[hh, :][None, :], axis=1, keepdims=True))
    zpad = jnp.zeros((xb.shape[0], 16 - HEADS), jnp.float32)
    asrc_ref[...] = jnp.concatenate(cols_s + [zpad], axis=1)
    adst_ref[...] = jnp.concatenate(cols_d + [zpad], axis=1)


def _tc1(x, w1, att_src1, att_dst1):
    return pl.pallas_call(
        _tc1_body,
        grid=(GRID,),
        in_specs=[
            pl.BlockSpec((BN, D_IN), lambda i: (i, 0)),
            pl.BlockSpec((D_IN, F1), lambda i: (0, 0)),
            pl.BlockSpec((HEADS, HID), lambda i: (0, 0)),
            pl.BlockSpec((HEADS, HID), lambda i: (0, 0)),
        ],
        out_specs=[
            pl.BlockSpec((BN, F1), lambda i: (i, 0)),
            pl.BlockSpec((BN, 16), lambda i: (i, 0)),
            pl.BlockSpec((BN, 16), lambda i: (i, 0)),
        ],
        out_shape=[
            jax.ShapeDtypeStruct((N, F1), jnp.float32),
            jax.ShapeDtypeStruct((N, 16), jnp.float32),
            jax.ShapeDtypeStruct((N, 16), jnp.float32),
        ],
    )(x, w1, att_src1, att_dst1)


def _tc2_body(p0_ref, p1_ref, d0_ref, d1_ref, w_ref, b1_ref, as_ref, ad_ref,
              h2_ref, asrc_ref, adst_ref):
    s = p0_ref[...] + p1_ref[...]
    den = d0_ref[...] + d1_ref[...]
    parts = []
    for hh in range(HEADS):
        dh = den[:, hh:hh + 1] + EPS
        parts.append(s[:, hh * HID:(hh + 1) * HID] / dh)
    x2 = jnp.concatenate(parts, axis=1) + b1_ref[...]
    x2 = jnp.maximum(x2, 0.0)
    h2 = jnp.dot(x2, w_ref[...], preferred_element_type=jnp.float32)
    h2_ref[...] = h2
    zpad = jnp.zeros((x2.shape[0], 15), jnp.float32)
    asrc_ref[...] = jnp.concatenate(
        [jnp.sum(h2 * as_ref[...], axis=1, keepdims=True), zpad], axis=1)
    adst_ref[...] = jnp.concatenate(
        [jnp.sum(h2 * ad_ref[...], axis=1, keepdims=True), zpad], axis=1)


def _tc2(p0, p1, d0, d1, w2, b1, att_src2, att_dst2):
    return pl.pallas_call(
        _tc2_body,
        grid=(GRID,),
        in_specs=[
            pl.BlockSpec((BN, F1), lambda i: (i, 0)),
            pl.BlockSpec((BN, F1), lambda i: (i, 0)),
            pl.BlockSpec((BN, 16), lambda i: (i, 0)),
            pl.BlockSpec((BN, 16), lambda i: (i, 0)),
            pl.BlockSpec((F1, NCLS), lambda i: (0, 0)),
            pl.BlockSpec((1, F1), lambda i: (0, 0)),
            pl.BlockSpec((1, NCLS), lambda i: (0, 0)),
            pl.BlockSpec((1, NCLS), lambda i: (0, 0)),
        ],
        out_specs=[
            pl.BlockSpec((BN, NCLS), lambda i: (i, 0)),
            pl.BlockSpec((BN, 16), lambda i: (i, 0)),
            pl.BlockSpec((BN, 16), lambda i: (i, 0)),
        ],
        out_shape=[
            jax.ShapeDtypeStruct((N, NCLS), jnp.float32),
            jax.ShapeDtypeStruct((N, 16), jnp.float32),
            jax.ShapeDtypeStruct((N, 16), jnp.float32),
        ],
    )(p0, p1, d0, d1, w2, b1, att_src2, att_dst2)


def _tc3_body(q0_ref, q1_ref, e0_ref, e1_ref, b2_ref, out_ref):
    s = q0_ref[...] + q1_ref[...]
    den = e0_ref[...][:, 0:1] + e1_ref[...][:, 0:1] + EPS
    out_ref[...] = s / den + b2_ref[...]


def _tc3(q0, q1, e0, e1, b2):
    return pl.pallas_call(
        _tc3_body,
        grid=(GRID,),
        in_specs=[
            pl.BlockSpec((BN, NCLS), lambda i: (i, 0)),
            pl.BlockSpec((BN, NCLS), lambda i: (i, 0)),
            pl.BlockSpec((BN, 16), lambda i: (i, 0)),
            pl.BlockSpec((BN, 16), lambda i: (i, 0)),
            pl.BlockSpec((1, NCLS), lambda i: (0, 0)),
        ],
        out_specs=pl.BlockSpec((BN, NCLS), lambda i: (i, 0)),
        out_shape=jax.ShapeDtypeStruct((N, NCLS), jnp.float32),
    )(q0, q1, e0, e1, b2)


@functools.lru_cache(maxsize=None)
def _make_sc_layer(F, heads):
    nq = F // 16
    mesh = plsc.VectorSubcoreMesh(core_axis_name="c", subcore_axis_name="s")

    @functools.partial(
        pl.kernel,
        out_type=(
            jax.ShapeDtypeStruct((NC, N, F), jnp.float32),
            jax.ShapeDtypeStruct((NC, N, 16), jnp.float32),
        ),
        mesh=mesh,
        compiler_params=pltpu.CompilerParams(use_tc_tiling_on_sc=False),
        scratch_types=[
            pltpu.VMEM((CH,), jnp.int32),
            pltpu.VMEM((CH,), jnp.int32),
            pltpu.VMEM((CH, 16), jnp.float32),
            pltpu.VMEM((CH, 16), jnp.float32),
            pltpu.VMEM((CH, F), jnp.float32),
            pltpu.VMEM((ROWS_PT, 16), jnp.float32),
            pltpu.VMEM((ZCH, F), jnp.float32),
            pltpu.VMEM_SHARED((N, F), jnp.float32),
            pltpu.VMEM_SHARED((N, 16), jnp.float32),
            pltpu.SemaphoreType.DMA,
            pltpu.SemaphoreType.DMA,
            pltpu.SemaphoreType.DMA,
        ],
    )
    def sck(h_hbm, asrc_hbm, adst_hbm, src_hbm, dst_hbm,
            outp_hbm, denp_hbm,
            srcv, dstv, av, bv, hv, dbuf, fbuf, out_sh, den_sh,
            gsem, hsem, ssem):
        cid = lax.axis_index("c")
        sid = lax.axis_index("s")
        wid = sid * NC + cid
        tbase = sid * ROWS_PT

        def zrow_f(r, carry):
            for q in range(nq):
                fbuf[r, pl.ds(q * 16, 16)] = jnp.zeros((16,), jnp.float32)
            return carry

        lax.fori_loop(0, ZCH, zrow_f, 0)

        def zrow_d(r, carry):
            dbuf[r, :] = jnp.zeros((16,), jnp.float32)
            return carry

        lax.fori_loop(0, ROWS_PT, zrow_d, 0)
        for k in range(ROWS_PT // ZCH):
            pltpu.sync_copy(fbuf, out_sh.at[pl.ds(tbase + k * ZCH, ZCH)])
        pltpu.sync_copy(dbuf, den_sh.at[pl.ds(tbase, ROWS_PT)])
        plsc.subcore_barrier()

        ebase = wid * EPW

        def chunk_body(i, carry):
            off = pl.multiple_of(ebase + i * CH, 8)
            i1 = pltpu.async_copy(src_hbm.at[pl.ds(off, CH)], srcv, gsem)
            i2 = pltpu.async_copy(dst_hbm.at[pl.ds(off, CH)], dstv, gsem)
            i1.wait()
            i2.wait()
            g3 = pltpu.async_copy(h_hbm.at[srcv], hv, hsem)
            g1 = pltpu.async_copy(asrc_hbm.at[srcv], av, gsem)
            g2 = pltpu.async_copy(adst_hbm.at[dstv], bv, gsem)
            g1.wait()
            g2.wait()

            def ex_body(c, inner):
                al = av[c, :] + bv[c, :]
                al = jnp.where(al > 0.0, al, 0.2 * al)
                bv[c, :] = jnp.exp(al)
                return inner

            lax.fori_loop(0, CH, ex_body, 0, unroll=4)
            s1 = pltpu.async_copy(bv, den_sh.at[dstv], ssem, add=True)
            g3.wait()

            def scale_body(c, inner):
                exv = bv[c, :]
                for q in range(nq):
                    sc = exv[q * heads // nq]
                    hv[c, pl.ds(q * 16, 16)] = hv[c, pl.ds(q * 16, 16)] * sc
                return inner

            lax.fori_loop(0, CH, scale_body, 0, unroll=4)
            s2 = pltpu.async_copy(hv, out_sh.at[dstv], ssem, add=True)
            s1.wait()
            s2.wait()
            return carry

        lax.fori_loop(0, NCHUNK, chunk_body, 0)
        plsc.subcore_barrier()

        for k in range(ROWS_PT // ZCH):
            pltpu.sync_copy(out_sh.at[pl.ds(tbase + k * ZCH, ZCH)], fbuf)
            pltpu.sync_copy(fbuf, outp_hbm.at[cid, pl.ds(tbase + k * ZCH, ZCH)])
        pltpu.sync_copy(den_sh.at[pl.ds(tbase, ROWS_PT)], dbuf)
        pltpu.sync_copy(dbuf, denp_hbm.at[cid, pl.ds(tbase, ROWS_PT)])

    return sck


def kernel(inputs, edge_index, W1, att_src1, att_dst1, b1,
           W2, att_src2, att_dst2, b2):
    src = edge_index[0]
    dst = edge_index[1]

    h1, asrc1, adst1 = _tc1(inputs, W1, att_src1, att_dst1)
    outp1, denp1 = _make_sc_layer(F1, HEADS)(h1, asrc1, adst1, src, dst)

    h2, asrc2, adst2 = _tc2(outp1[0], outp1[1], denp1[0], denp1[1],
                            W2, b1.reshape(1, F1), att_src2, att_dst2)
    outp2, denp2 = _make_sc_layer(NCLS, 1)(h2, asrc2, adst2, src, dst)

    return _tc3(outp2[0], outp2[1], denp2[0], denp2[1], b2.reshape(1, NCLS))

# --- scband reference (transcript-rebuilt; emitter-appended) ---
"""Pipeline reference for scband-gat2-79671643340944 (READ-ONLY COPY).

The authoritative reference and input builder live on the scoring server;
editing this copy changes nothing except your own understanding.
"""

import jax, jax.numpy as jnp
import numpy as np

N_NODES = 10000
N_EDGES = 320000
D_IN = 128
HEADS = 8
HID = 16
N_CLASSES = 64


def gat_conv(x, edge_index, W, att_src, att_dst, bias, heads, out_ch, concat):
    N = x.shape[0]
    h = (x @ W).reshape(N, heads, out_ch)
    src = edge_index[0]
    dst = edge_index[1]
    a_src = (h * att_src[None]).sum(-1)  # [N, heads]
    a_dst = (h * att_dst[None]).sum(-1)  # [N, heads]
    alpha = a_src[src] + a_dst[dst]      # [E, heads]
    alpha = jnp.where(alpha > 0, alpha, 0.2 * alpha)  # leaky_relu 0.2
    amax = jax.ops.segment_max(alpha, dst, num_segments=N)
    amax = jnp.where(jnp.isfinite(amax), amax, 0.0)
    ex = jnp.exp(alpha - amax[dst])
    denom = jax.ops.segment_sum(ex, dst, num_segments=N)
    att = ex / (denom[dst] + 1e-16)
    msg = h[src] * att[:, :, None]       # [E, heads, out_ch]
    out = jax.ops.segment_sum(msg, dst, num_segments=N)  # [N, heads, out_ch]
    if concat:
        out = out.reshape(N, heads * out_ch)
    else:
        out = out.mean(axis=1)
    return out + bias


def setup_inputs(seed: int = 0) -> dict:
    key = jax.random.key(seed)
    ks = jax.random.split(key, 12)
    inputs = jax.random.normal(ks[0], (N_NODES, D_IN), dtype=jnp.float32)
    edge_index = jax.random.randint(ks[1], (2, N_EDGES), 0, N_NODES, dtype=jnp.int64 if jax.config.jax_enable_x64 else jnp.int32).astype(jnp.int32)
    s1 = 1.0 / np.sqrt(D_IN)
    W1 = jax.random.uniform(ks[2], (D_IN, HEADS * HID), jnp.float32, -s1, s1)
    att_src1 = jax.random.uniform(ks[3], (HEADS, HID), jnp.float32, -s1, s1)
    att_dst1 = jax.random.uniform(ks[4], (HEADS, HID), jnp.float32, -s1, s1)
    b1 = jnp.zeros((HEADS * HID,), jnp.float32)
    s2 = 1.0 / np.sqrt(HEADS * HID)
    W2 = jax.random.uniform(ks[5], (HEADS * HID, N_CLASSES), jnp.float32, -s2, s2)
    att_src2 = jax.random.uniform(ks[6], (1, N_CLASSES), jnp.float32, -s2, s2)
    att_dst2 = jax.random.uniform(ks[7], (1, N_CLASSES), jnp.float32, -s2, s2)
    b2 = jnp.zeros((N_CLASSES,), jnp.float32)
    return {"inputs": inputs, "edge_index": edge_index, "W1": W1, "att_src1": att_src1, "att_dst1": att_dst1, "b1": b1, "W2": W2, "att_src2": att_src2, "att_dst2": att_dst2, "b2": b2}


def reference(inputs, edge_index, W1, att_src1, att_dst1, b1, W2, att_src2, att_dst2, b2):
    x = gat_conv(inputs, edge_index, W1, att_src1, att_dst1, b1, HEADS, HID, True)
    x = jax.nn.relu(x)
    x = gat_conv(x, edge_index, W2, att_src2, att_dst2, b2, 1, N_CLASSES, True)
    return x

if __name__ == "__main__":
    import jax
    _d = setup_inputs()
    print(jax.jit(kernel)(*tuple(_d.values())))

</pallas_src>

<mosaic_0001>
#map = affine_map<(d0, d1) -> (0, 0)>
#map1 = affine_map<(d0, d1) -> (0)>
#map2 = affine_map<(d0, d1) -> (0, 0, 0)>
module attributes {stable_mosaic.version = 14 : i64} {
  func.func @sck(%arg0: i32, %arg1: i32, %arg2: memref<10000x128xf32, #tpu.memory_space<hbm>>, %arg3: memref<10000x16xf32, #tpu.memory_space<hbm>>, %arg4: memref<10000x16xf32, #tpu.memory_space<hbm>>, %arg5: memref<320000xi32, #tpu.memory_space<hbm>>, %arg6: memref<320000xi32, #tpu.memory_space<hbm>>, %arg7: memref<2x10000x128xf32, #tpu.memory_space<hbm>>, %arg8: memref<2x10000x16xf32, #tpu.memory_space<hbm>>, %arg9: memref<80xi32, #tpu.memory_space<vmem>>, %arg10: memref<80xi32, #tpu.memory_space<vmem>>, %arg11: memref<80x16xf32, #tpu.memory_space<vmem>>, %arg12: memref<80x16xf32, #tpu.memory_space<vmem>>, %arg13: memref<80x128xf32, #tpu.memory_space<vmem>>, %arg14: memref<625x16xf32, #tpu.memory_space<vmem>>, %arg15: memref<125x128xf32, #tpu.memory_space<vmem>>, %arg16: memref<10000x128xf32, #tpu.memory_space<vmem_shared>>, %arg17: memref<10000x16xf32, #tpu.memory_space<vmem_shared>>, %arg18: memref<!tpu.dma_semaphore, #tpu.memory_space<semaphore_mem>>, %arg19: memref<!tpu.dma_semaphore, #tpu.memory_space<semaphore_mem>>, %arg20: memref<!tpu.dma_semaphore, #tpu.memory_space<semaphore_mem>>) attributes {dimension_semantics = [#tpu.dimension_semantics<core_parallel>, #tpu.dimension_semantics<subcore_parallel>], iteration_bounds = array<i64: 2, 16>, scalar_prefetch = 0 : i64, scratch_operands = 12 : i64, tpu.core_type = #tpu.core_type<sc_vector_subcore>, window_params = [{transform_indices = #map}, {transform_indices = #map}, {transform_indices = #map}, {transform_indices = #map1}, {transform_indices = #map1}, {transform_indices = #map2}, {transform_indices = #map2}]} {
    %mul3A = arith.constant 2 : i32
    %mul3A_0 = arith.muli %arg1, %mul3A : i32
    %add3A = arith.addi %mul3A_0, %arg0 : i32
    %mul3A_1 = arith.constant 625 : i32
    %mul3A_2 = arith.muli %arg1, %mul3A_1 : i32
    %scan3A = arith.constant 0 : i32
    %scan3A_3 = arith.constant 0 : i32
    %scan3A_4 = arith.constant 125 : i32
    %scan3A_5 = arith.addi %scan3A_3, %scan3A_4 : i32
    %scan3A_6 = arith.constant 1 : i32
    scf.for %scan3A_53 = %scan3A_3 to %scan3A_5 step %scan3A_6  : i32 {
      %broadcast_in_dim3A = arith.constant 0.000000e+00 : f32
      %broadcast_in_dim3A_54 = vector.broadcast %broadcast_in_dim3A : f32 to vector<16xf32>
      %swap3A = arith.index_cast %scan3A_53 : i32 to index
      %swap3A_55 = arith.constant 0 : index
      %swap3A_56 = tpu.vector_load %arg15[%swap3A, %swap3A_55] {strides = array<i32>} : memref<125x128xf32, #tpu.memory_space<vmem>>, vector<1x16xf32>,
      %swap3A_57 = vector.shape_cast %swap3A_56 : vector<1x16xf32> to vector<16xf32>
      %swap3A_58 = vector.shape_cast %broadcast_in_dim3A_54 : vector<16xf32> to vector<1x16xf32>
      tpu.vector_store %arg15[%swap3A, %swap3A_55], %swap3A_58 {strides = array<i32>} : memref<125x128xf32, #tpu.memory_space<vmem>>, vector<1x16xf32>,
      %broadcast_in_dim3A_59 = arith.constant 0.000000e+00 : f32
      %broadcast_in_dim3A_60 = vector.broadcast %broadcast_in_dim3A_59 : f32 to vector<16xf32>
      %swap3A_61 = arith.index_cast %scan3A_53 : i32 to index
      %swap3A_62 = arith.constant 16 : index
      %swap3A_63 = tpu.vector_load %arg15[%swap3A_61, %swap3A_62] {strides = array<i32>} : memref<125x128xf32, #tpu.memory_space<vmem>>, vector<1x16xf32>,
      %swap3A_64 = vector.shape_cast %swap3A_63 : vector<1x16xf32> to vector<16xf32>
      %swap3A_65 = vector.shape_cast %broadcast_in_dim3A_60 : vector<16xf32> to vector<1x16xf32>
      tpu.vector_store %arg15[%swap3A_61, %swap3A_62], %swap3A_65 {strides = array<i32>} : memref<125x128xf32, #tpu.memory_space<vmem>>, vector<1x16xf32>,
      %broadcast_in_dim3A_66 = arith.constant 0.000000e+00 : f32
      %broadcast_in_dim3A_67 = vector.broadcast %broadcast_in_dim3A_66 : f32 to vector<16xf32>
      %swap3A_68 = arith.index_cast %scan3A_53 : i32 to index
      %swap3A_69 = arith.constant 32 : index
      %swap3A_70 = tpu.vector_load %arg15[%swap3A_68, %swap3A_69] {strides = array<i32>} : memref<125x128xf32, #tpu.memory_space<vmem>>, vector<1x16xf32>,
      %swap3A_71 = vector.shape_cast %swap3A_70 : vector<1x16xf32> to vector<16xf32>
      %swap3A_72 = vector.shape_cast %broadcast_in_dim3A_67 : vector<16xf32> to vector<1x16xf32>
      tpu.vector_store %arg15[%swap3A_68, %swap3A_69], %swap3A_72 {strides = array<i32>} : memref<125x128xf32, #tpu.memory_space<vmem>>, vector<1x16xf32>,
      %broadcast_in_dim3A_73 = arith.constant 0.000000e+00 : f32
      %broadcast_in_dim3A_74 = vector.broadcast %broadcast_in_dim3A_73 : f32 to vector<16xf32>
      %swap3A_75 = arith.index_cast %scan3A_53 : i32 to index
      %swap3A_76 = arith.constant 48 : index
      %swap3A_77 = tpu.vector_load %arg15[%swap3A_75, %swap3A_76] {strides = array<i32>} : memref<125x128xf32, #tpu.memory_space<vmem>>, vector<1x16xf32>,
      %swap3A_78 = vector.shape_cast %swap3A_77 : vector<1x16xf32> to vector<16xf32>
      %swap3A_79 = vector.shape_cast %broadcast_in_dim3A_74 : vector<16xf32> to vector<1x16xf32>
      tpu.vector_store %arg15[%swap3A_75, %swap3A_76], %swap3A_79 {strides = array<i32>} : memref<125x128xf32, #tpu.memory_space<vmem>>, vector<1x16xf32>,
      %broadcast_in_dim3A_80 = arith.constant 0.000000e+00 : f32
      %broadcast_in_dim3A_81 = vector.broadcast %broadcast_in_dim3A_80 : f32 to vector<16xf32>
      %swap3A_82 = arith.index_cast %scan3A_53 : i32 to index
      %swap3A_83 = arith.constant 64 : index
      %swap3A_84 = tpu.vector_load %arg15[%swap3A_82, %swap3A_83] {strides = array<i32>} : memref<125x128xf32, #tpu.memory_space<vmem>>, vector<1x16xf32>,
      %swap3A_85 = vector.shape_cast %swap3A_84 : vector<1x16xf32> to vector<16xf32>
      %swap3A_86 = vector.shape_cast %broadcast_in_dim3A_81 : vector<16xf32> to vector<1x16xf32>
      tpu.vector_store %arg15[%swap3A_82, %swap3A_83], %swap3A_86 {strides = array<i32>} : memref<125x128xf32, #tpu.memory_space<vmem>>, vector<1x16xf32>,
      %broadcast_in_dim3A_87 = arith.constant 0.000000e+00 : f32
      %broadcast_in_dim3A_88 = vector.broadcast %broadcast_in_dim3A_87 : f32 to vector<16xf32>
      %swap3A_89 = arith.index_cast %scan3A_53 : i32 to index
      %swap3A_90 = arith.constant 80 : index
      %swap3A_91 = tpu.vector_load %arg15[%swap3A_89, %swap3A_90] {strides = array<i32>} : memref<125x128xf32, #tpu.memory_space<vmem>>, vector<1x16xf32>,
      %swap3A_92 = vector.shape_cast %swap3A_91 : vector<1x16xf32> to vector<16xf32>
      %swap3A_93 = vector.shape_cast %broadcast_in_dim3A_88 : vector<16xf32> to vector<1x16xf32>
      tpu.vector_store %arg15[%swap3A_89, %swap3A_90], %swap3A_93 {strides = array<i32>} : memref<125x128xf32, #tpu.memory_space<vmem>>, vector<1x16xf32>,
      %broadcast_in_dim3A_94 = arith.constant 0.000000e+00 : f32
      %broadcast_in_dim3A_95 = vector.broadcast %broadcast_in_dim3A_94 : f32 to vector<16xf32>
      %swap3A_96 = arith.index_cast %scan3A_53 : i32 to index
      %swap3A_97 = arith.constant 96 : index
      %swap3A_98 = tpu.vector_load %arg15[%swap3A_96, %swap3A_97] {strides = array<i32>} : memref<125x128xf32, #tpu.memory_space<vmem>>, vector<1x16xf32>,
      %swap3A_99 = vector.shape_cast %swap3A_98 : vector<1x16xf32> to vector<16xf32>
      %swap3A_100 = vector.shape_cast %broadcast_in_dim3A_95 : vector<16xf32> to vector<1x16xf32>
      tpu.vector_store %arg15[%swap3A_96, %swap3A_97], %swap3A_100 {strides = array<i32>} : memref<125x128xf32, #tpu.memory_space<vmem>>, vector<1x16xf32>,
      %broadcast_in_dim3A_101 = arith.constant 0.000000e+00 : f32
      %broadcast_in_dim3A_102 = vector.broadcast %broadcast_in_dim3A_101 : f32 to vector<16xf32>
      %swap3A_103 = arith.index_cast %scan3A_53 : i32 to index
      %swap3A_104 = arith.constant 112 : index
      %swap3A_105 = tpu.vector_load %arg15[%swap3A_103, %swap3A_104] {strides = array<i32>} : memref<125x128xf32, #tpu.memory_space<vmem>>, vector<1x16xf32>,
      %swap3A_106 = vector.shape_cast %swap3A_105 : vector<1x16xf32> to vector<16xf32>
      %swap3A_107 = vector.shape_cast %broadcast_in_dim3A_102 : vector<16xf32> to vector<1x16xf32>
      tpu.vector_store %arg15[%swap3A_103, %swap3A_104], %swap3A_107 {strides = array<i32>} : memref<125x128xf32, #tpu.memory_space<vmem>>, vector<1x16xf32>,
    }
    %scan3A_7 = arith.constant 125 : i32
    %scan3A_8 = arith.constant 0 : i32
    %scan3A_9 = arith.constant 0 : i32
    %scan3A_10 = arith.constant 625 : i32
    %scan3A_11 = arith.addi %scan3A_9, %scan3A_10 : i32
    %scan3A_12 = arith.constant 1 : i32
    scf.for %scan3A_53 = %scan3A_9 to %scan3A_11 step %scan3A_12  : i32 {
      %broadcast_in_dim3A = arith.constant 0.000000e+00 : f32
      %broadcast_in_dim3A_54 = vector.broadcast %broadcast_in_dim3A : f32 to vector<16xf32>
      %swap3A = arith.index_cast %scan3A_53 : i32 to index
      %swap3A_55 = arith.constant 0 : index
      %swap3A_56 = tpu.vector_load %arg14[%swap3A, %swap3A_55] {strides = array<i32>} : memref<625x16xf32, #tpu.memory_space<vmem>>, vector<1x16xf32>,
      %swap3A_57 = vector.shape_cast %swap3A_56 : vector<1x16xf32> to vector<16xf32>
      %swap3A_58 = vector.shape_cast %broadcast_in_dim3A_54 : vector<16xf32> to vector<1x16xf32>
      tpu.vector_store %arg14[%swap3A, %swap3A_55], %swap3A_58 {strides = array<i32>} : memref<625x16xf32, #tpu.memory_space<vmem>>, vector<1x16xf32>,
    }
    %scan3A_13 = arith.constant 625 : i32
    %add3A_14 = arith.constant 0 : i32
    %add3A_15 = arith.addi %mul3A_2, %add3A_14 : i32
    "tpu.region"() ({
      %run_scoped3A = tpu.sem_alloc : memref<!tpu.dma_semaphore, #tpu.memory_space<semaphore_mem>>
      %dma_start3A = arith.constant 0 : i32
      %dma_start3A_53 = tpu.memref_slice %arg16[%add3A_15, %dma_start3A] : memref<10000x128xf32, #tpu.memory_space<vmem_shared>> -> memref<125x128xf32, #tpu.memory_space<vmem_shared>>
      %dma_start3A_54 = arith.constant 0 : i32
      %dma_start3A_55 = tpu.memref_slice %arg16[%add3A_15, %dma_start3A_54] : memref<10000x128xf32, #tpu.memory_space<vmem_shared>> -> memref<125x128xf32, #tpu.memory_space<vmem_shared>>
      tpu.enqueue_dma source(%arg15 : memref<125x128xf32, #tpu.memory_space<vmem>>) target(%dma_start3A_55 : memref<125x128xf32, #tpu.memory_space<vmem_shared>>) target_semaphore(%run_scoped3A : memref<!tpu.dma_semaphore, #tpu.memory_space<semaphore_mem>>)
      %dma_wait3A = arith.constant 0 : i32
      %dma_wait3A_56 = tpu.memref_slice %arg16[%add3A_15, %dma_wait3A] : memref<10000x128xf32, #tpu.memory_space<vmem_shared>> -> memref<125x128xf32, #tpu.memory_space<vmem_shared>>
      %dma_wait3A_57 = arith.constant 0 : i32
      %dma_wait3A_58 = tpu.memref_slice %arg16[%add3A_15, %dma_wait3A_57] : memref<10000x128xf32, #tpu.memory_space<vmem_shared>> -> memref<125x128xf32, #tpu.memory_space<vmem_shared>>
      tpu.wait_dma2 semaphore(%run_scoped3A : memref<!tpu.dma_semaphore, #tpu.memory_space<semaphore_mem>>) src(%arg15 : memref<125x128xf32, #tpu.memory_space<vmem>>) dst(%dma_wait3A_58 : memref<125x128xf32, #tpu.memory_space<vmem_shared>>)
      tpu.yield
    }) : () -> ()
    %add3A_16 = arith.constant 125 : i32
    %add3A_17 = arith.addi %mul3A_2, %add3A_16 : i32
    "tpu.region"() ({
      %run_scoped3A = tpu.sem_alloc : memref<!tpu.dma_semaphore, #tpu.memory_space<semaphore_mem>>
      %dma_start3A = arith.constant 0 : i32
      %dma_start3A_53 = tpu.memref_slice %arg16[%add3A_17, %dma_start3A] : memref<10000x128xf32, #tpu.memory_space<vmem_shared>> -> memref<125x128xf32, #tpu.memory_space<vmem_shared>>
      %dma_start3A_54 = arith.constant 0 : i32
      %dma_start3A_55 = tpu.memref_slice %arg16[%add3A_17, %dma_start3A_54] : memref<10000x128xf32, #tpu.memory_space<vmem_shared>> -> memref<125x128xf32, #tpu.memory_space<vmem_shared>>
      tpu.enqueue_dma source(%arg15 : memref<125x128xf32, #tpu.memory_space<vmem>>) target(%dma_start3A_55 : memref<125x128xf32, #tpu.memory_space<vmem_shared>>) target_semaphore(%run_scoped3A : memref<!tpu.dma_semaphore, #tpu.memory_space<semaphore_mem>>)
      %dma_wait3A = arith.constant 0 : i32
      %dma_wait3A_56 = tpu.memref_slice %arg16[%add3A_17, %dma_wait3A] : memref<10000x128xf32, #tpu.memory_space<vmem_shared>> -> memref<125x128xf32, #tpu.memory_space<vmem_shared>>
      %dma_wait3A_57 = arith.constant 0 : i32
      %dma_wait3A_58 = tpu.memref_slice %arg16[%add3A_17, %dma_wait3A_57] : memref<10000x128xf32, #tpu.memory_space<vmem_shared>> -> memref<125x128xf32, #tpu.memory_space<vmem_shared>>
      tpu.wait_dma2 semaphore(%run_scoped3A : memref<!tpu.dma_semaphore, #tpu.memory_space<semaphore_mem>>) src(%arg15 : memref<125x128xf32, #tpu.memory_space<vmem>>) dst(%dma_wait3A_58 : memref<125x128xf32, #tpu.memory_space<vmem_shared>>)
      tpu.yield
    }) : () -> ()
    %add3A_18 = arith.constant 250 : i32
    %add3A_19 = arith.addi %mul3A_2, %add3A_18 : i32
    "tpu.region"() ({
      %run_scoped3A = tpu.sem_alloc : memref<!tpu.dma_semaphore, #tpu.memory_space<semaphore_mem>>
      %dma_start3A = arith.constant 0 : i32
      %dma_start3A_53 = tpu.memref_slice %arg16[%add3A_19, %dma_start3A] : memref<10000x128xf32, #tpu.memory_space<vmem_shared>> -> memref<125x128xf32, #tpu.memory_space<vmem_shared>>
      %dma_start3A_54 = arith.constant 0 : i32
      %dma_start3A_55 = tpu.memref_slice %arg16[%add3A_19, %dma_start3A_54] : memref<10000x128xf32, #tpu.memory_space<vmem_shared>> -> memref<125x128xf32, #tpu.memory_space<vmem_shared>>
      tpu.enqueue_dma source(%arg15 : memref<125x128xf32, #tpu.memory_space<vmem>>) target(%dma_start3A_55 : memref<125x128xf32, #tpu.memory_space<vmem_shared>>) target_semaphore(%run_scoped3A : memref<!tpu.dma_semaphore, #tpu.memory_space<semaphore_mem>>)
      %dma_wait3A = arith.constant 0 : i32
      %dma_wait3A_56 = tpu.memref_slice %arg16[%add3A_19, %dma_wait3A] : memref<10000x128xf32, #tpu.memory_space<vmem_shared>> -> memref<125x128xf32, #tpu.memory_space<vmem_shared>>
      %dma_wait3A_57 = arith.constant 0 : i32
      %dma_wait3A_58 = tpu.memref_slice %arg16[%add3A_19, %dma_wait3A_57] : memref<10000x128xf32, #tpu.memory_space<vmem_shared>> -> memref<125x128xf32, #tpu.memory_space<vmem_shared>>
      tpu.wait_dma2 semaphore(%run_scoped3A : memref<!tpu.dma_semaphore, #tpu.memory_space<semaphore_mem>>) src(%arg15 : memref<125x128xf32, #tpu.memory_space<vmem>>) dst(%dma_wait3A_58 : memref<125x128xf32, #tpu.memory_space<vmem_shared>>)
      tpu.yield
    }) : () -> ()
    %add3A_20 = arith.constant 375 : i32
    %add3A_21 = arith.addi %mul3A_2, %add3A_20 : i32
    "tpu.region"() ({
      %run_scoped3A = tpu.sem_alloc : memref<!tpu.dma_semaphore, #tpu.memory_space<semaphore_mem>>
      %dma_start3A = arith.constant 0 : i32
      %dma_start3A_53 = tpu.memref_slice %arg16[%add3A_21, %dma_start3A] : memref<10000x128xf32, #tpu.memory_space<vmem_shared>> -> memref<125x128xf32, #tpu.memory_space<vmem_shared>>
      %dma_start3A_54 = arith.constant 0 : i32
      %dma_start3A_55 = tpu.memref_slice %arg16[%add3A_21, %dma_start3A_54] : memref<10000x128xf32, #tpu.memory_space<vmem_shared>> -> memref<125x128xf32, #tpu.memory_space<vmem_shared>>
      tpu.enqueue_dma source(%arg15 : memref<125x128xf32, #tpu.memory_space<vmem>>) target(%dma_start3A_55 : memref<125x128xf32, #tpu.memory_space<vmem_shared>>) target_semaphore(%run_scoped3A : memref<!tpu.dma_semaphore, #tpu.memory_space<semaphore_mem>>)
      %dma_wait3A = arith.constant 0 : i32
      %dma_wait3A_56 = tpu.memref_slice %arg16[%add3A_21, %dma_wait3A] : memref<10000x128xf32, #tpu.memory_space<vmem_shared>> -> memref<125x128xf32, #tpu.memory_space<vmem_shared>>
      %dma_wait3A_57 = arith.constant 0 : i32
      %dma_wait3A_58 = tpu.memref_slice %arg16[%add3A_21, %dma_wait3A_57] : memref<10000x128xf32, #tpu.memory_space<vmem_shared>> -> memref<125x128xf32, #tpu.memory_space<vmem_shared>>
      tpu.wait_dma2 semaphore(%run_scoped3A : memref<!tpu.dma_semaphore, #tpu.memory_space<semaphore_mem>>) src(%arg15 : memref<125x128xf32, #tpu.memory_space<vmem>>) dst(%dma_wait3A_58 : memref<125x128xf32, #tpu.memory_space<vmem_shared>>)
      tpu.yield
    }) : () -> ()
    %add3A_22 = arith.constant 500 : i32
    %add3A_23 = arith.addi %mul3A_2, %add3A_22 : i32
    "tpu.region"() ({
      %run_scoped3A = tpu.sem_alloc : memref<!tpu.dma_semaphore, #tpu.memory_space<semaphore_mem>>
      %dma_start3A = arith.constant 0 : i32
      %dma_start3A_53 = tpu.memref_slice %arg16[%add3A_23, %dma_start3A] : memref<10000x128xf32, #tpu.memory_space<vmem_shared>> -> memref<125x128xf32, #tpu.memory_space<vmem_shared>>
      %dma_start3A_54 = arith.constant 0 : i32
      %dma_start3A_55 = tpu.memref_slice %arg16[%add3A_23, %dma_start3A_54] : memref<10000x128xf32, #tpu.memory_space<vmem_shared>> -> memref<125x128xf32, #tpu.memory_space<vmem_shared>>
      tpu.enqueue_dma source(%arg15 : memref<125x128xf32, #tpu.memory_space<vmem>>) target(%dma_start3A_55 : memref<125x128xf32, #tpu.memory_space<vmem_shared>>) target_semaphore(%run_scoped3A : memref<!tpu.dma_semaphore, #tpu.memory_space<semaphore_mem>>)
      %dma_wait3A = arith.constant 0 : i32
      %dma_wait3A_56 = tpu.memref_slice %arg16[%add3A_23, %dma_wait3A] : memref<10000x128xf32, #tpu.memory_space<vmem_shared>> -> memref<125x128xf32, #tpu.memory_space<vmem_shared>>
      %dma_wait3A_57 = arith.constant 0 : i32
      %dma_wait3A_58 = tpu.memref_slice %arg16[%add3A_23, %dma_wait3A_57] : memref<10000x128xf32, #tpu.memory_space<vmem_shared>> -> memref<125x128xf32, #tpu.memory_space<vmem_shared>>
      tpu.wait_dma2 semaphore(%run_scoped3A : memref<!tpu.dma_semaphore, #tpu.memory_space<semaphore_mem>>) src(%arg15 : memref<125x128xf32, #tpu.memory_space<vmem>>) dst(%dma_wait3A_58 : memref<125x128xf32, #tpu.memory_space<vmem_shared>>)
      tpu.yield
    }) : () -> ()
    "tpu.region"() ({
      %run_scoped3A = tpu.sem_alloc : memref<!tpu.dma_semaphore, #tpu.memory_space<semaphore_mem>>
      %dma_start3A = arith.constant 0 : i32
      %dma_start3A_53 = tpu.memref_slice %arg17[%mul3A_2, %dma_start3A] : memref<10000x16xf32, #tpu.memory_space<vmem_shared>> -> memref<625x16xf32, #tpu.memory_space<vmem_shared>>
      %dma_start3A_54 = arith.constant 0 : i32
      %dma_start3A_55 = tpu.memref_slice %arg17[%mul3A_2, %dma_start3A_54] : memref<10000x16xf32, #tpu.memory_space<vmem_shared>> -> memref<625x16xf32, #tpu.memory_space<vmem_shared>>
      tpu.enqueue_dma source(%arg14 : memref<625x16xf32, #tpu.memory_space<vmem>>) target(%dma_start3A_55 : memref<625x16xf32, #tpu.memory_space<vmem_shared>>) target_semaphore(%run_scoped3A : memref<!tpu.dma_semaphore, #tpu.memory_space<semaphore_mem>>)
      %dma_wait3A = arith.constant 0 : i32
      %dma_wait3A_56 = tpu.memref_slice %arg17[%mul3A_2, %dma_wait3A] : memref<10000x16xf32, #tpu.memory_space<vmem_shared>> -> memref<625x16xf32, #tpu.memory_space<vmem_shared>>
      %dma_wait3A_57 = arith.constant 0 : i32
      %dma_wait3A_58 = tpu.memref_slice %arg17[%mul3A_2, %dma_wait3A_57] : memref<10000x16xf32, #tpu.memory_space<vmem_shared>> -> memref<625x16xf32, #tpu.memory_space<vmem_shared>>
      tpu.wait_dma2 semaphore(%run_scoped3A : memref<!tpu.dma_semaphore, #tpu.memory_space<semaphore_mem>>) src(%arg14 : memref<625x16xf32, #tpu.memory_space<vmem>>) dst(%dma_wait3A_58 : memref<625x16xf32, #tpu.memory_space<vmem_shared>>)
      tpu.yield
    }) : () -> ()
    %barrier3A = arith.constant 0 : index
    tpu.barrier barrier_id(%barrier3A)
    %mul3A_24 = arith.constant 10000 : i32
    %mul3A_25 = arith.muli %add3A, %mul3A_24 : i32
    %scan3A_26 = arith.constant 0 : i32
    %scan3A_27 = arith.constant 0 : i32
    %scan3A_28 = arith.constant 125 : i32
    %scan3A_29 = arith.addi %scan3A_27, %scan3A_28 : i32
    %scan3A_30 = arith.constant 1 : i32
    scf.for %scan3A_53 = %scan3A_27 to %scan3A_29 step %scan3A_30  : i32 {
      %mul3A_54 = arith.constant 80 : i32
      %mul3A_55 = arith.muli %scan3A_53, %mul3A_54 : i32
      %add3A_56 = arith.addi %mul3A_25, %mul3A_55 : i32
      %multiple_of3A = tpu.assume_multiple %add3A_56, 8 : i32
      %dma_start3A = tpu.memref_slice %arg5[%multiple_of3A] : memref<320000xi32, #tpu.memory_space<hbm>> -> memref<80xi32, #tpu.memory_space<hbm>>
      %dma_start3A_57 = tpu.memref_slice %arg5[%multiple_of3A] : memref<320000xi32, #tpu.memory_space<hbm>> -> memref<80xi32, #tpu.memory_space<hbm>>
      tpu.enqueue_dma source(%dma_start3A_57 : memref<80xi32, #tpu.memory_space<hbm>>) target(%arg9 : memref<80xi32, #tpu.memory_space<vmem>>) target_semaphore(%arg18 : memref<!tpu.dma_semaphore, #tpu.memory_space<semaphore_mem>>)
      %dma_start3A_58 = tpu.memref_slice %arg6[%multiple_of3A] : memref<320000xi32, #tpu.memory_space<hbm>> -> memref<80xi32, #tpu.memory_space<hbm>>
      %dma_start3A_59 = tpu.memref_slice %arg6[%multiple_of3A] : memref<320000xi32, #tpu.memory_space<hbm>> -> memref<80xi32, #tpu.memory_space<hbm>>
      tpu.enqueue_dma source(%dma_start3A_59 : memref<80xi32, #tpu.memory_space<hbm>>) target(%arg10 : memref<80xi32, #tpu.memory_space<vmem>>) target_semaphore(%arg18 : memref<!tpu.dma_semaphore, #tpu.memory_space<semaphore_mem>>)
      %dma_wait3A = tpu.memref_slice %arg5[%multiple_of3A] : memref<320000xi32, #tpu.memory_space<hbm>> -> memref<80xi32, #tpu.memory_space<hbm>>
      %dma_wait3A_60 = tpu.memref_slice %arg5[%multiple_of3A] : memref<320000xi32, #tpu.memory_space<hbm>> -> memref<80xi32, #tpu.memory_space<hbm>>
      tpu.wait_dma2 semaphore(%arg18 : memref<!tpu.dma_semaphore, #tpu.memory_space<semaphore_mem>>) src(%dma_wait3A_60 : memref<80xi32, #tpu.memory_space<hbm>>) dst(%arg9 : memref<80xi32, #tpu.memory_space<vmem>>)
      %dma_wait3A_61 = tpu.memref_slice %arg6[%multiple_of3A] : memref<320000xi32, #tpu.memory_space<hbm>> -> memref<80xi32, #tpu.memory_space<hbm>>
      %dma_wait3A_62 = tpu.memref_slice %arg6[%multiple_of3A] : memref<320000xi32, #tpu.memory_space<hbm>> -> memref<80xi32, #tpu.memory_space<hbm>>
      tpu.wait_dma2 semaphore(%arg18 : memref<!tpu.dma_semaphore, #tpu.memory_space<semaphore_mem>>) src(%dma_wait3A_62 : memref<80xi32, #tpu.memory_space<hbm>>) dst(%arg10 : memref<80xi32, #tpu.memory_space<vmem>>)
      %dma_start3A_63 = arith.constant 0 : i32
      %dma_start3A_64 = arith.constant 0 : i32
      %dma_start3A_65 = tpu.memref_slice %arg2[%dma_start3A_63, %dma_start3A_64] : memref<10000x128xf32, #tpu.memory_space<hbm>> -> memref<10000x128xf32, #tpu.memory_space<hbm>>
      tpu.enqueue_indirect_dma source(%dma_start3A_65 : memref<10000x128xf32, #tpu.memory_space<hbm>>) target(%arg13 : memref<80x128xf32, #tpu.memory_space<vmem>>) offsets(%arg9 : memref<80xi32, #tpu.memory_space<vmem>>) semaphore(%arg19 : memref<!tpu.dma_semaphore, #tpu.memory_space<semaphore_mem>>)
      %dma_start3A_66 = arith.constant 0 : i32
      %dma_start3A_67 = arith.constant 0 : i32
      %dma_start3A_68 = tpu.memref_slice %arg3[%dma_start3A_66, %dma_start3A_67] : memref<10000x16xf32, #tpu.memory_space<hbm>> -> memref<10000x16xf32, #tpu.memory_space<hbm>>
      tpu.enqueue_indirect_dma source(%dma_start3A_68 : memref<10000x16xf32, #tpu.memory_space<hbm>>) target(%arg11 : memref<80x16xf32, #tpu.memory_space<vmem>>) offsets(%arg9 : memref<80xi32, #tpu.memory_space<vmem>>) semaphore(%arg18 : memref<!tpu.dma_semaphore, #tpu.memory_space<semaphore_mem>>)
      %dma_start3A_69 = arith.constant 0 : i32
      %dma_start3A_70 = arith.constant 0 : i32
      %dma_start3A_71 = tpu.memref_slice %arg4[%dma_start3A_69, %dma_start3A_70] : memref<10000x16xf32, #tpu.memory_space<hbm>> -> memref<10000x16xf32, #tpu.memory_space<hbm>>
      tpu.enqueue_indirect_dma source(%dma_start3A_71 : memref<10000x16xf32, #tpu.memory_space<hbm>>) target(%arg12 : memref<80x16xf32, #tpu.memory_space<vmem>>) offsets(%arg10 : memref<80xi32, #tpu.memory_space<vmem>>) semaphore(%arg18 : memref<!tpu.dma_semaphore, #tpu.memory_space<semaphore_mem>>)
      %dma_wait3A_72 = arith.constant 0 : i32
      %dma_wait3A_73 = arith.constant 0 : i32
      %dma_wait3A_74 = tpu.memref_slice %arg3[%dma_wait3A_72, %dma_wait3A_73] : memref<10000x16xf32, #tpu.memory_space<hbm>> -> memref<10000x16xf32, #tpu.memory_space<hbm>>
      tpu.wait_indirect_dma semaphore(%arg18 : memref<!tpu.dma_semaphore, #tpu.memory_space<semaphore_mem>>) src(%dma_wait3A_74 : memref<10000x16xf32, #tpu.memory_space<hbm>>) dst(%arg11 : memref<80x16xf32, #tpu.memory_space<vmem>>)
      %dma_wait3A_75 = arith.constant 0 : i32
      %dma_wait3A_76 = arith.constant 0 : i32
      %dma_wait3A_77 = tpu.memref_slice %arg4[%dma_wait3A_75, %dma_wait3A_76] : memref<10000x16xf32, #tpu.memory_space<hbm>> -> memref<10000x16xf32, #tpu.memory_space<hbm>>
      tpu.wait_indirect_dma semaphore(%arg18 : memref<!tpu.dma_semaphore, #tpu.memory_space<semaphore_mem>>) src(%dma_wait3A_77 : memref<10000x16xf32, #tpu.memory_space<hbm>>) dst(%arg12 : memref<80x16xf32, #tpu.memory_space<vmem>>)
      %scan3A_78 = arith.constant 0 : i32
      %scan3A_79 = arith.constant 0 : i32
      %scan3A_80 = arith.constant 80 : i32
      %scan3A_81 = arith.addi %scan3A_79, %scan3A_80 : i32
      %scan3A_82 = arith.constant 4 : i32
      scf.for %scan3A_105 = %scan3A_79 to %scan3A_81 step %scan3A_82  : i32 {
        %get3A = arith.index_cast %scan3A_105 : i32 to index
        %get3A_106 = arith.constant 0 : index
        %get3A_107 = tpu.vector_load %arg11[%get3A, %get3A_106] {strides = array<i32>} : memref<80x16xf32, #tpu.memory_space<vmem>>, vector<1x16xf32>,
        %get3A_108 = vector.shape_cast %get3A_107 : vector<1x16xf32> to vector<16xf32>
        %get3A_109 = arith.index_cast %scan3A_105 : i32 to index
        %get3A_110 = arith.constant 0 : index
        %get3A_111 = tpu.vector_load %arg12[%get3A_109, %get3A_110] {strides = array<i32>} : memref<80x16xf32, #tpu.memory_space<vmem>>, vector<1x16xf32>,
        %get3A_112 = vector.shape_cast %get3A_111 : vector<1x16xf32> to vector<16xf32>
        %add3A_113 = arith.addf %get3A_108, %get3A_112 : vector<16xf32>
        %gt3A = arith.constant 0.000000e+00 : f32
        %gt3A_114 = vector.broadcast %gt3A : f32 to vector<16xf32>
        %gt3A_115 = arith.cmpf ogt, %add3A_113, %gt3A_114 : vector<16xf32>
        %mul3A_116 = arith.constant 2.000000e-01 : f32
        %mul3A_117 = vector.broadcast %mul3A_116 : f32 to vector<16xf32>
        %mul3A_118 = arith.mulf %mul3A_117, %add3A_113 : vector<16xf32>
        %select_n3A = arith.select %gt3A_115, %add3A_113, %mul3A_118 : vector<16xi1>, vector<16xf32>
        %exp3A = math.exp %select_n3A : vector<16xf32>
        %swap3A = arith.index_cast %scan3A_105 : i32 to index
        %swap3A_119 = arith.constant 0 : index
        %swap3A_120 = tpu.vector_load %arg12[%swap3A, %swap3A_119] {strides = array<i32>} : memref<80x16xf32, #tpu.memory_space<vmem>>, vector<1x16xf32>,
        %swap3A_121 = vector.shape_cast %swap3A_120 : vector<1x16xf32> to vector<16xf32>
        %swap3A_122 = vector.shape_cast %exp3A : vector<16xf32> to vector<1x16xf32>
        tpu.vector_store %arg12[%swap3A, %swap3A_119], %swap3A_122 {strides = array<i32>} : memref<80x16xf32, #tpu.memory_space<vmem>>, vector<1x16xf32>,
        %scan3A_123 = arith.constant 1 : i32
        %scan3A_124 = arith.addi %scan3A_105, %scan3A_123 : i32
        %get3A_125 = arith.index_cast %scan3A_124 : i32 to index
        %get3A_126 = arith.constant 0 : index
        %get3A_127 = tpu.vector_load %arg11[%get3A_125, %get3A_126] {strides = array<i32>} : memref<80x16xf32, #tpu.memory_space<vmem>>, vector<1x16xf32>,
        %get3A_128 = vector.shape_cast %get3A_127 : vector<1x16xf32> to vector<16xf32>
        %get3A_129 = arith.index_cast %scan3A_124 : i32 to index
        %get3A_130 = arith.constant 0 : index
        %get3A_131 = tpu.vector_load %arg12[%get3A_129, %get3A_130] {strides = array<i32>} : memref<80x16xf32, #tpu.memory_space<vmem>>, vector<1x16xf32>,
        %get3A_132 = vector.shape_cast %get3A_131 : vector<1x16xf32> to vector<16xf32>
        %add3A_133 = arith.addf %get3A_128, %get3A_132 : vector<16xf32>
        %gt3A_134 = arith.constant 0.000000e+00 : f32
        %gt3A_135 = vector.broadcast %gt3A_134 : f32 to vector<16xf32>
        %gt3A_136 = arith.cmpf ogt, %add3A_133, %gt3A_135 : vector<16xf32>
        %mul3A_137 = arith.constant 2.000000e-01 : f32
        %mul3A_138 = vector.broadcast %mul3A_137 : f32 to vector<16xf32>
        %mul3A_139 = arith.mulf %mul3A_138, %add3A_133 : vector<16xf32>
        %select_n3A_140 = arith.select %gt3A_136, %add3A_133, %mul3A_139 : vector<16xi1>, vector<16xf32>
        %exp3A_141 = math.exp %select_n3A_140 : vector<16xf32>
        %swap3A_142 = arith.index_cast %scan3A_124 : i32 to index
        %swap3A_143 = arith.constant 0 : index
        %swap3A_144 = tpu.vector_load %arg12[%swap3A_142, %swap3A_143] {strides = array<i32>} : memref<80x16xf32, #tpu.memory_space<vmem>>, vector<1x16xf32>,
        %swap3A_145 = vector.shape_cast %swap3A_144 : vector<1x16xf32> to vector<16xf32>
        %swap3A_146 = vector.shape_cast %exp3A_141 : vector<16xf32> to vector<1x16xf32>
        tpu.vector_store %arg12[%swap3A_142, %swap3A_143], %swap3A_146 {strides = array<i32>} : memref<80x16xf32, #tpu.memory_space<vmem>>, vector<1x16xf32>,
        %scan3A_147 = arith.constant 2 : i32
        %scan3A_148 = arith.addi %scan3A_105, %scan3A_147 : i32
        %get3A_149 = arith.index_cast %scan3A_148 : i32 to index
        %get3A_150 = arith.constant 0 : index
        %get3A_151 = tpu.vector_load %arg11[%get3A_149, %get3A_150] {strides = array<i32>} : memref<80x16xf32, #tpu.memory_space<vmem>>, vector<1x16xf32>,
        %get3A_152 = vector.shape_cast %get3A_151 : vector<1x16xf32> to vector<16xf32>
        %get3A_153 = arith.index_cast %scan3A_148 : i32 to index
        %get3A_154 = arith.constant 0 : index
        %get3A_155 = tpu.vector_load %arg12[%get3A_153, %get3A_154] {strides = array<i32>} : memref<80x16xf32, #tpu.memory_space<vmem>>, vector<1x16xf32>,
        %get3A_156 = vector.shape_cast %get3A_155 : vector<1x16xf32> to vector<16xf32>
        %add3A_157 = arith.addf %get3A_152, %get3A_156 : vector<16xf32>
        %gt3A_158 = arith.constant 0.000000e+00 : f32
        %gt3A_159 = vector.broadcast %gt3A_158 : f32 to vector<16xf32>
        %gt3A_160 = arith.cmpf ogt, %add3A_157, %gt3A_159 : vector<16xf32>
        %mul3A_161 = arith.constant 2.000000e-01 : f32
        %mul3A_162 = vector.broadcast %mul3A_161 : f32 to vector<16xf32>
        %mul3A_163 = arith.mulf %mul3A_162, %add3A_157 : vector<16xf32>
        %select_n3A_164 = arith.select %gt3A_160, %add3A_157, %mul3A_163 : vector<16xi1>, vector<16xf32>
        %exp3A_165 = math.exp %select_n3A_164 : vector<16xf32>
        %swap3A_166 = arith.index_cast %scan3A_148 : i32 to index
        %swap3A_167 = arith.constant 0 : index
        %swap3A_168 = tpu.vector_load %arg12[%swap3A_166, %swap3A_167] {strides = array<i32>} : memref<80x16xf32, #tpu.memory_space<vmem>>, vector<1x16xf32>,
        %swap3A_169 = vector.shape_cast %swap3A_168 : vector<1x16xf32> to vector<16xf32>
        %swap3A_170 = vector.shape_cast %exp3A_165 : vector<16xf32> to vector<1x16xf32>
        tpu.vector_store %arg12[%swap3A_166, %swap3A_167], %swap3A_170 {strides = array<i32>} : memref<80x16xf32, #tpu.memory_space<vmem>>, vector<1x16xf32>,
        %scan3A_171 = arith.constant 3 : i32
        %scan3A_172 = arith.addi %scan3A_105, %scan3A_171 : i32
        %get3A_173 = arith.index_cast %scan3A_172 : i32 to index
        %get3A_174 = arith.constant 0 : index
        %get3A_175 = tpu.vector_load %arg11[%get3A_173, %get3A_174] {strides = array<i32>} : memref<80x16xf32, #tpu.memory_space<vmem>>, vector<1x16xf32>,
        %get3A_176 = vector.shape_cast %get3A_175 : vector<1x16xf32> to vector<16xf32>
        %get3A_177 = arith.index_cast %scan3A_172 : i32 to index
        %get3A_178 = arith.constant 0 : index
        %get3A_179 = tpu.vector_load %arg12[%get3A_177, %get3A_178] {strides = array<i32>} : memref<80x16xf32, #tpu.memory_space<vmem>>, vector<1x16xf32>,
        %get3A_180 = vector.shape_cast %get3A_179 : vector<1x16xf32> to vector<16xf32>
        %add3A_181 = arith.addf %get3A_176, %get3A_180 : vector<16xf32>
        %gt3A_182 = arith.constant 0.000000e+00 : f32
        %gt3A_183 = vector.broadcast %gt3A_182 : f32 to vector<16xf32>
        %gt3A_184 = arith.cmpf ogt, %add3A_181, %gt3A_183 : vector<16xf32>
        %mul3A_185 = arith.constant 2.000000e-01 : f32
        %mul3A_186 = vector.broadcast %mul3A_185 : f32 to vector<16xf32>
        %mul3A_187 = arith.mulf %mul3A_186, %add3A_181 : vector<16xf32>
        %select_n3A_188 = arith.select %gt3A_184, %add3A_181, %mul3A_187 : vector<16xi1>, vector<16xf32>
        %exp3A_189 = math.exp %select_n3A_188 : vector<16xf32>
        %swap3A_190 = arith.index_cast %scan3A_172 : i32 to index
        %swap3A_191 = arith.constant 0 : index
        %swap3A_192 = tpu.vector_load %arg12[%swap3A_190, %swap3A_191] {strides = array<i32>} : memref<80x16xf32, #tpu.memory_space<vmem>>, vector<1x16xf32>,
        %swap3A_193 = vector.shape_cast %swap3A_192 : vector<1x16xf32> to vector<16xf32>
        %swap3A_194 = vector.shape_cast %exp3A_189 : vector<16xf32> to vector<1x16xf32>
        tpu.vector_store %arg12[%swap3A_190, %swap3A_191], %swap3A_194 {strides = array<i32>} : memref<80x16xf32, #tpu.memory_space<vmem>>, vector<1x16xf32>,
      }
      %scan3A_83 = arith.constant 80 : i32
      %dma_start3A_84 = arith.constant 0 : i32
      %dma_start3A_85 = arith.constant 0 : i32
      %dma_start3A_86 = tpu.memref_slice %arg17[%dma_start3A_84, %dma_start3A_85] : memref<10000x16xf32, #tpu.memory_space<vmem_shared>> -> memref<10000x16xf32, #tpu.memory_space<vmem_shared>>
      tpu.enqueue_indirect_dma source(%arg12 : memref<80x16xf32, #tpu.memory_space<vmem>>) target(%dma_start3A_86 : memref<10000x16xf32, #tpu.memory_space<vmem_shared>>) offsets(%arg10 : memref<80xi32, #tpu.memory_space<vmem>>) semaphore(%arg20 : memref<!tpu.dma_semaphore, #tpu.memory_space<semaphore_mem>>) {add = true}
      %dma_wait3A_87 = arith.constant 0 : i32
      %dma_wait3A_88 = arith.constant 0 : i32
      %dma_wait3A_89 = tpu.memref_slice %arg2[%dma_wait3A_87, %dma_wait3A_88] : memref<10000x128xf32, #tpu.memory_space<hbm>> -> memref<10000x128xf32, #tpu.memory_space<hbm>>
      tpu.wait_indirect_dma semaphore(%arg19 : memref<!tpu.dma_semaphore, #tpu.memory_space<semaphore_mem>>) src(%dma_wait3A_89 : memref<10000x128xf32, #tpu.memory_space<hbm>>) dst(%arg13 : memref<80x128xf32, #tpu.memory_space<vmem>>)
      %scan3A_90 = arith.constant 0 : i32
      %scan3A_91 = arith.constant 0 : i32
      %scan3A_92 = arith.constant 80 : i32
      %scan3A_93 = arith.addi %scan3A_91, %scan3A_92 : i32
      %scan3A_94 = arith.constant 4 : i32
      scf.for %scan3A_105 = %scan3A_91 to %scan3A_93 step %scan3A_94  : i32 {
        %get3A = arith.index_cast %scan3A_105 : i32 to index
        %get3A_106 = arith.constant 0 : index
        %get3A_107 = tpu.vector_load %arg12[%get3A, %get3A_106] {strides = array<i32>} : memref<80x16xf32, #tpu.memory_space<vmem>>, vector<1x16xf32>,
        %get3A_108 = vector.shape_cast %get3A_107 : vector<1x16xf32> to vector<16xf32>
        %slice3A = vector.extract_strided_slice %get3A_108 {offsets = [0], sizes = [1], strides = [1]} : vector<16xf32> to vector<1xf32>
        %squeeze3A = vector.extract %slice3A[0] : f32 from vector<1xf32>
        %get3A_109 = arith.index_cast %scan3A_105 : i32 to index
        %get3A_110 = arith.constant 0 : index
        %get3A_111 = tpu.vector_load %arg13[%get3A_109, %get3A_110] {strides = array<i32>} : memref<80x128xf32, #tpu.memory_space<vmem>>, vector<1x16xf32>,
        %get3A_112 = vector.shape_cast %get3A_111 : vector<1x16xf32> to vector<16xf32>
        %mul3A_113 = vector.broadcast %squeeze3A : f32 to vector<16xf32>
        %mul3A_114 = arith.mulf %get3A_112, %mul3A_113 : vector<16xf32>
        %swap3A = arith.index_cast %scan3A_105 : i32 to index
        %swap3A_115 = arith.constant 0 : index
        %swap3A_116 = tpu.vector_load %arg13[%swap3A, %swap3A_115] {strides = array<i32>} : memref<80x128xf32, #tpu.memory_space<vmem>>, vector<1x16xf32>,
        %swap3A_117 = vector.shape_cast %swap3A_116 : vector<1x16xf32> to vector<16xf32>
        %swap3A_118 = vector.shape_cast %mul3A_114 : vector<16xf32> to vector<1x16xf32>
        tpu.vector_store %arg13[%swap3A, %swap3A_115], %swap3A_118 {strides = array<i32>} : memref<80x128xf32, #tpu.memory_space<vmem>>, vector<1x16xf32>,
        %slice3A_119 = vector.extract_strided_slice %get3A_108 {offsets = [1], sizes = [1], strides = [1]} : vector<16xf32> to vector<1xf32>
        %squeeze3A_120 = vector.extract %slice3A_119[0] : f32 from vector<1xf32>
        %get3A_121 = arith.index_cast %scan3A_105 : i32 to index
        %get3A_122 = arith.constant 16 : index
        %get3A_123 = tpu.vector_load %arg13[%get3A_121, %get3A_122] {strides = array<i32>} : memref<80x128xf32, #tpu.memory_space<vmem>>, vector<1x16xf32>,
        %get3A_124 = vector.shape_cast %get3A_123 : vector<1x16xf32> to vector<16xf32>
        %mul3A_125 = vector.broadcast %squeeze3A_120 : f32 to vector<16xf32>
        %mul3A_126 = arith.mulf %get3A_124, %mul3A_125 : vector<16xf32>
        %swap3A_127 = arith.index_cast %scan3A_105 : i32 to index
        %swap3A_128 = arith.constant 16 : index
        %swap3A_129 = tpu.vector_load %arg13[%swap3A_127, %swap3A_128] {strides = array<i32>} : memref<80x128xf32, #tpu.memory_space<vmem>>, vector<1x16xf32>,
        %swap3A_130 = vector.shape_cast %swap3A_129 : vector<1x16xf32> to vector<16xf32>
        %swap3A_131 = vector.shape_cast %mul3A_126 : vector<16xf32> to vector<1x16xf32>
        tpu.vector_store %arg13[%swap3A_127, %swap3A_128], %swap3A_131 {strides = array<i32>} : memref<80x128xf32, #tpu.memory_space<vmem>>, vector<1x16xf32>,
        %slice3A_132 = vector.extract_strided_slice %get3A_108 {offsets = [2], sizes = [1], strides = [1]} : vector<16xf32> to vector<1xf32>
        %squeeze3A_133 = vector.extract %slice3A_132[0] : f32 from vector<1xf32>
        %get3A_134 = arith.index_cast %scan3A_105 : i32 to index
        %get3A_135 = arith.constant 32 : index
        %get3A_136 = tpu.vector_load %arg13[%get3A_134, %get3A_135] {strides = array<i32>} : memref<80x128xf32, #tpu.memory_space<vmem>>, vector<1x16xf32>,
        %get3A_137 = vector.shape_cast %get3A_136 : vector<1x16xf32> to vector<16xf32>
        %mul3A_138 = vector.broadcast %squeeze3A_133 : f32 to vector<16xf32>
        %mul3A_139 = arith.mulf %get3A_137, %mul3A_138 : vector<16xf32>
        %swap3A_140 = arith.index_cast %scan3A_105 : i32 to index
        %swap3A_141 = arith.constant 32 : index
        %swap3A_142 = tpu.vector_load %arg13[%swap3A_140, %swap3A_141] {strides = array<i32>} : memref<80x128xf32, #tpu.memory_space<vmem>>, vector<1x16xf32>,
        %swap3A_143 = vector.shape_cast %swap3A_142 : vector<1x16xf32> to vector<16xf32>
        %swap3A_144 = vector.shape_cast %mul3A_139 : vector<16xf32> to vector<1x16xf32>
        tpu.vector_store %arg13[%swap3A_140, %swap3A_141], %swap3A_144 {strides = array<i32>} : memref<80x128xf32, #tpu.memory_space<vmem>>, vector<1x16xf32>,
        %slice3A_145 = vector.extract_strided_slice %get3A_108 {offsets = [3], sizes = [1], strides = [1]} : vector<16xf32> to vector<1xf32>
        %squeeze3A_146 = vector.extract %slice3A_145[0] : f32 from vector<1xf32>
        %get3A_147 = arith.index_cast %scan3A_105 : i32 to index
        %get3A_148 = arith.constant 48 : index
        %get3A_149 = tpu.vector_load %arg13[%get3A_147, %get3A_148] {strides = array<i32>} : memref<80x128xf32, #tpu.memory_space<vmem>>, vector<1x16xf32>,
        %get3A_150 = vector.shape_cast %get3A_149 : vector<1x16xf32> to vector<16xf32>
        %mul3A_151 = vector.broadcast %squeeze3A_146 : f32 to vector<16xf32>
        %mul3A_152 = arith.mulf %get3A_150, %mul3A_151 : vector<16xf32>
        %swap3A_153 = arith.index_cast %scan3A_105 : i32 to index
        %swap3A_154 = arith.constant 48 : index
        %swap3A_155 = tpu.vector_load %arg13[%swap3A_153, %swap3A_154] {strides = array<i32>} : memref<80x128xf32, #tpu.memory_space<vmem>>, vector<1x16xf32>,
        %swap3A_156 = vector.shape_cast %swap3A_155 : vector<1x16xf32> to vector<16xf32>
        %swap3A_157 = vector.shape_cast %mul3A_152 : vector<16xf32> to vector<1x16xf32>
        tpu.vector_store %arg13[%swap3A_153, %swap3A_154], %swap3A_157 {strides = array<i32>} : memref<80x128xf32, #tpu.memory_space<vmem>>, vector<1x16xf32>,
        %slice3A_158 = vector.extract_strided_slice %get3A_108 {offsets = [4], sizes = [1], strides = [1]} : vector<16xf32> to vector<1xf32>
        %squeeze3A_159 = vector.extract %slice3A_158[0] : f32 from vector<1xf32>
        %get3A_160 = arith.index_cast %scan3A_105 : i32 to index
        %get3A_161 = arith.constant 64 : index
        %get3A_162 = tpu.vector_load %arg13[%get3A_160, %get3A_161] {strides = array<i32>} : memref<80x128xf32, #tpu.memory_space<vmem>>, vector<1x16xf32>,
        %get3A_163 = vector.shape_cast %get3A_162 : vector<1x16xf32> to vector<16xf32>
        %mul3A_164 = vector.broadcast %squeeze3A_159 : f32 to vector<16xf32>
        %mul3A_165 = arith.mulf %get3A_163, %mul3A_164 : vector<16xf32>
        %swap3A_166 = arith.index_cast %scan3A_105 : i32 to index
        %swap3A_167 = arith.constant 64 : index
        %swap3A_168 = tpu.vector_load %arg13[%swap3A_166, %swap3A_167] {strides = array<i32>} : memref<80x128xf32, #tpu.memory_space<vmem>>, vector<1x16xf32>,
        %swap3A_169 = vector.shape_cast %swap3A_168 : vector<1x16xf32> to vector<16xf32>
        %swap3A_170 = vector.shape_cast %mul3A_165 : vector<16xf32> to vector<1x16xf32>
        tpu.vector_store %arg13[%swap3A_166, %swap3A_167], %swap3A_170 {strides = array<i32>} : memref<80x128xf32, #tpu.memory_space<vmem>>, vector<1x16xf32>,
        %slice3A_171 = vector.extract_strided_slice %get3A_108 {offsets = [5], sizes = [1], strides = [1]} : vector<16xf32> to vector<1xf32>
        %squeeze3A_172 = vector.extract %slice3A_171[0] : f32 from vector<1xf32>
        %get3A_173 = arith.index_cast %scan3A_105 : i32 to index
        %get3A_174 = arith.constant 80 : index
        %get3A_175 = tpu.vector_load %arg13[%get3A_173, %get3A_174] {strides = array<i32>} : memref<80x128xf32, #tpu.memory_space<vmem>>, vector<1x16xf32>,
        %get3A_176 = vector.shape_cast %get3A_175 : vector<1x16xf32> to vector<16xf32>
        %mul3A_177 = vector.broadcast %squeeze3A_172 : f32 to vector<16xf32>
        %mul3A_178 = arith.mulf %get3A_176, %mul3A_177 : vector<16xf32>
        %swap3A_179 = arith.index_cast %scan3A_105 : i32 to index
        %swap3A_180 = arith.constant 80 : index
        %swap3A_181 = tpu.vector_load %arg13[%swap3A_179, %swap3A_180] {strides = array<i32>} : memref<80x128xf32, #tpu.memory_space<vmem>>, vector<1x16xf32>,
        %swap3A_182 = vector.shape_cast %swap3A_181 : vector<1x16xf32> to vector<16xf32>
        %swap3A_183 = vector.shape_cast %mul3A_178 : vector<16xf32> to vector<1x16xf32>
        tpu.vector_store %arg13[%swap3A_179, %swap3A_180], %swap3A_183 {strides = array<i32>} : memref<80x128xf32, #tpu.memory_space<vmem>>, vector<1x16xf32>,
        %slice3A_184 = vector.extract_strided_slice %get3A_108 {offsets = [6], sizes = [1], strides = [1]} : vector<16xf32> to vector<1xf32>
        %squeeze3A_185 = vector.extract %slice3A_184[0] : f32 from vector<1xf32>
        %get3A_186 = arith.index_cast %scan3A_105 : i32 to index
        %get3A_187 = arith.constant 96 : index
        %get3A_188 = tpu.vector_load %arg13[%get3A_186, %get3A_187] {strides = array<i32>} : memref<80x128xf32, #tpu.memory_space<vmem>>, vector<1x16xf32>,
        %get3A_189 = vector.shape_cast %get3A_188 : vector<1x16xf32> to vector<16xf32>
        %mul3A_190 = vector.broadcast %squeeze3A_185 : f32 to vector<16xf32>
        %mul3A_191 = arith.mulf %get3A_189, %mul3A_190 : vector<16xf32>
        %swap3A_192 = arith.index_cast %scan3A_105 : i32 to index
        %swap3A_193 = arith.constant 96 : index
        %swap3A_194 = tpu.vector_load %arg13[%swap3A_192, %swap3A_193] {strides = array<i32>} : memref<80x128xf32, #tpu.memory_space<vmem>>, vector<1x16xf32>,
        %swap3A_195 = vector.shape_cast %swap3A_194 : vector<1x16xf32> to vector<16xf32>
        %swap3A_196 = vector.shape_cast %mul3A_191 : vector<16xf32> to vector<1x16xf32>
        tpu.vector_store %arg13[%swap3A_192, %swap3A_193], %swap3A_196 {strides = array<i32>} : memref<80x128xf32, #tpu.memory_space<vmem>>, vector<1x16xf32>,
        %slice3A_197 = vector.extract_strided_slice %get3A_108 {offsets = [7], sizes = [1], strides = [1]} : vector<16xf32> to vector<1xf32>
        %squeeze3A_198 = vector.extract %slice3A_197[0] : f32 from vector<1xf32>
        %get3A_199 = arith.index_cast %scan3A_105 : i32 to index
        %get3A_200 = arith.constant 112 : index
        %get3A_201 = tpu.vector_load %arg13[%get3A_199, %get3A_200] {strides = array<i32>} : memref<80x128xf32, #tpu.memory_space<vmem>>, vector<1x16xf32>,
        %get3A_202 = vector.shape_cast %get3A_201 : vector<1x16xf32> to vector<16xf32>
        %mul3A_203 = vector.broadcast %squeeze3A_198 : f32 to vector<16xf32>
        %mul3A_204 = arith.mulf %get3A_202, %mul3A_203 : vector<16xf32>
        %swap3A_205 = arith.index_cast %scan3A_105 : i32 to index
        %swap3A_206 = arith.constant 112 : index
        %swap3A_207 = tpu.vector_load %arg13[%swap3A_205, %swap3A_206] {strides = array<i32>} : memref<80x128xf32, #tpu.memory_space<vmem>>, vector<1x16xf32>,
        %swap3A_208 = vector.shape_cast %swap3A_207 : vector<1x16xf32> to vector<16xf32>
        %swap3A_209 = vector.shape_cast %mul3A_204 : vector<16xf32> to vector<1x16xf32>
        tpu.vector_store %arg13[%swap3A_205, %swap3A_206], %swap3A_209 {strides = array<i32>} : memref<80x128xf32, #tpu.memory_space<vmem>>, vector<1x16xf32>,
        %scan3A_210 = arith.constant 1 : i32
        %scan3A_211 = arith.addi %scan3A_105, %scan3A_210 : i32
        %get3A_212 = arith.index_cast %scan3A_211 : i32 to index
        %get3A_213 = arith.constant 0 : index
        %get3A_214 = tpu.vector_load %arg12[%get3A_212, %get3A_213] {strides = array<i32>} : memref<80x16xf32, #tpu.memory_space<vmem>>, vector<1x16xf32>,
        %get3A_215 = vector.shape_cast %get3A_214 : vector<1x16xf32> to vector<16xf32>
        %slice3A_216 = vector.extract_strided_slice %get3A_215 {offsets = [0], sizes = [1], strides = [1]} : vector<16xf32> to vector<1xf32>
        %squeeze3A_217 = vector.extract %slice3A_216[0] : f32 from vector<1xf32>
        %get3A_218 = arith.index_cast %scan3A_211 : i32 to index
        %get3A_219 = arith.constant 0 : index
        %get3A_220 = tpu.vector_load %arg13[%get3A_218, %get3A_219] {strides = array<i32>} : memref<80x128xf32, #tpu.memory_space<vmem>>, vector<1x16xf32>,
        %get3A_221 = vector.shape_cast %get3A_220 : vector<1x16xf32> to vector<16xf32>
        %mul3A_222 = vector.broadcast %squeeze3A_217 : f32 to vector<16xf32>
        %mul3A_223 = arith.mulf %get3A_221, %mul3A_222 : vector<16xf32>
        %swap3A_224 = arith.index_cast %scan3A_211 : i32 to index
        %swap3A_225 = arith.constant 0 : index
        %swap3A_226 = tpu.vector_load %arg13[%swap3A_224, %swap3A_225] {strides = array<i32>} : memref<80x128xf32, #tpu.memory_space<vmem>>, vector<1x16xf32>,
        %swap3A_227 = vector.shape_cast %swap3A_226 : vector<1x16xf32> to vector<16xf32>
        %swap3A_228 = vector.shape_cast %mul3A_223 : vector<16xf32> to vector<1x16xf32>
        tpu.vector_store %arg13[%swap3A_224, %swap3A_225], %swap3A_228 {strides = array<i32>} : memref<80x128xf32, #tpu.memory_space<vmem>>, vector<1x16xf32>,
        %slice3A_229 = vector.extract_strided_slice %get3A_215 {offsets = [1], sizes = [1], strides = [1]} : vector<16xf32> to vector<1xf32>
        %squeeze3A_230 = vector.extract %slice3A_229[0] : f32 from vector<1xf32>
        %get3A_231 = arith.index_cast %scan3A_211 : i32 to index
        %get3A_232 = arith.constant 16 : index
        %get3A_233 = tpu.vector_load %arg13[%get3A_231, %get3A_232] {strides = array<i32>} : memref<80x128xf32, #tpu.memory_space<vmem>>, vector<1x16xf32>,
        %get3A_234 = vector.shape_cast %get3A_233 : vector<1x16xf32> to vector<16xf32>
        %mul3A_235 = vector.broadcast %squeeze3A_230 : f32 to vector<16xf32>
        %mul3A_236 = arith.mulf %get3A_234, %mul3A_235 : vector<16xf32>
        %swap3A_237 = arith.index_cast %scan3A_211 : i32 to index
        %swap3A_238 = arith.constant 16 : index
        %swap3A_239 = tpu.vector_load %arg13[%swap3A_237, %swap3A_238] {strides = array<i32>} : memref<80x128xf32, #tpu.memory_space<vmem>>, vector<1x16xf32>,
        %swap3A_240 = vector.shape_cast %swap3A_239 : vector<1x16xf32> to vector<16xf32>
        %swap3A_241 = vector.shape_cast %mul3A_236 : vector<16xf32> to vector<1x16xf32>
        tpu.vector_store %arg13[%swap3A_237, %swap3A_238], %swap3A_241 {strides = array<i32>} : memref<80x128xf32, #tpu.memory_space<vmem>>, vector<1x16xf32>,
        %slice3A_242 = vector.extract_strided_slice %get3A_215 {offsets = [2], sizes = [1], strides = [1]} : vector<16xf32> to vector<1xf32>
        %squeeze3A_243 = vector.extract %slice3A_242[0] : f32 from vector<1xf32>
        %get3A_244 = arith.index_cast %scan3A_211 : i32 to index
        %get3A_245 = arith.constant 32 : index
        %get3A_246 = tpu.vector_load %arg13[%get3A_244, %get3A_245] {strides = array<i32>} : memref<80x128xf32, #tpu.memory_space<vmem>>, vector<1x16xf32>,
        %get3A_247 = vector.shape_cast %get3A_246 : vector<1x16xf32> to vector<16xf32>
        %mul3A_248 = vector.broadcast %squeeze3A_243 : f32 to vector<16xf32>
        %mul3A_249 = arith.mulf %get3A_247, %mul3A_248 : vector<16xf32>
        %swap3A_250 = arith.index_cast %scan3A_211 : i32 to index
        %swap3A_251 = arith.constant 32 : index
        %swap3A_252 = tpu.vector_load %arg13[%swap3A_250, %swap3A_251] {strides = array<i32>} : memref<80x128xf32, #tpu.memory_space<vmem>>, vector<1x16xf32>,
        %swap3A_253 = vector.shape_cast %swap3A_252 : vector<1x16xf32> to vector<16xf32>
        %swap3A_254 = vector.shape_cast %mul3A_249 : vector<16xf32> to vector<1x16xf32>
        tpu.vector_store %arg13[%swap3A_250, %swap3A_251], %swap3A_254 {strides = array<i32>} : memref<80x128xf32, #tpu.memory_space<vmem>>, vector<1x16xf32>,
        %slice3A_255 = vector.extract_strided_slice %get3A_215 {offsets = [3], sizes = [1], strides = [1]} : vector<16xf32> to vector<1xf32>
        %squeeze3A_256 = vector.extract %slice3A_255[0] : f32 from vector<1xf32>
        %get3A_257 = arith.index_cast %scan3A_211 : i32 to index
        %get3A_258 = arith.constant 48 : index
        %get3A_259 = tpu.vector_load %arg13[%get3A_257, %get3A_258] {strides = array<i32>} : memref<80x128xf32, #tpu.memory_space<vmem>>, vector<1x16xf32>,
        %get3A_260 = vector.shape_cast %get3A_259 : vector<1x16xf32> to vector<16xf32>
        %mul3A_261 = vector.broadcast %squeeze3A_256 : f32 to vector<16xf32>
        %mul3A_262 = arith.mulf %get3A_260, %mul3A_261 : vector<16xf32>
        %swap3A_263 = arith.index_cast %scan3A_211 : i32 to index
        %swap3A_264 = arith.constant 48 : index
        %swap3A_265 = tpu.vector_load %arg13[%swap3A_263, %swap3A_264] {strides = array<i32>} : memref<80x128xf32, #tpu.memory_space<vmem>>, vector<1x16xf32>,
        %swap3A_266 = vector.shape_cast %swap3A_265 : vector<1x16xf32> to vector<16xf32>
        %swap3A_267 = vector.shape_cast %mul3A_262 : vector<16xf32> to vector<1x16xf32>
        tpu.vector_store %arg13[%swap3A_263, %swap3A_264], %swap3A_267 {strides = array<i32>} : memref<80x128xf32, #tpu.memory_space<vmem>>, vector<1x16xf32>,
        %slice3A_268 = vector.extract_strided_slice %get3A_215 {offsets = [4], sizes = [1], strides = [1]} : vector<16xf32> to vector<1xf32>
        %squeeze3A_269 = vector.extract %slice3A_268[0] : f32 from vector<1xf32>
        %get3A_270 = arith.index_cast %scan3A_211 : i32 to index
        %get3A_271 = arith.constant 64 : index
        %get3A_272 = tpu.vector_load %arg13[%get3A_270, %get3A_271] {strides = array<i32>} : memref<80x128xf32, #tpu.memory_space<vmem>>, vector<1x16xf32>,
        %get3A_273 = vector.shape_cast %get3A_272 : vector<1x16xf32> to vector<16xf32>
        %mul3A_274 = vector.broadcast %squeeze3A_269 : f32 to vector<16xf32>
        %mul3A_275 = arith.mulf %get3A_273, %mul3A_274 : vector<16xf32>
        %swap3A_276 = arith.index_cast %scan3A_211 : i32 to index
        %swap3A_277 = arith.constant 64 : index
        %swap3A_278 = tpu.vector_load %arg13[%swap3A_276, %swap3A_277] {strides = array<i32>} : memref<80x128xf32, #tpu.memory_space<vmem>>, vector<1x16xf32>,
        %swap3A_279 = vector.shape_cast %swap3A_278 : vector<1x16xf32> to vector<16xf32>
        %swap3A_280 = vector.shape_cast %mul3A_275 : vector<16xf32> to vector<1x16xf32>
        tpu.vector_store %arg13[%swap3A_276, %swap3A_277], %swap3A_280 {strides = array<i32>} : memref<80x128xf32, #tpu.memory_space<vmem>>, vector<1x16xf32>,
        %slice3A_281 = vector.extract_strided_slice %get3A_215 {offsets = [5], sizes = [1], strides = [1]} : vector<16xf32> to vector<1xf32>
        %squeeze3A_282 = vector.extract %slice3A_281[0] : f32 from vector<1xf32>
        %get3A_283 = arith.index_cast %scan3A_211 : i32 to index
        %get3A_284 = arith.constant 80 : index
        %get3A_285 = tpu.vector_load %arg13[%get3A_283, %get3A_284] {strides = array<i32>} : memref<80x128xf32, #tpu.memory_space<vmem>>, vector<1x16xf32>,
        %get3A_286 = vector.shape_cast %get3A_285 : vector<1x16xf32> to vector<16xf32>
        %mul3A_287 = vector.broadcast %squeeze3A_282 : f32 to vector<16xf32>
        %mul3A_288 = arith.mulf %get3A_286, %mul3A_287 : vector<16xf32>
        %swap3A_289 = arith.index_cast %scan3A_211 : i32 to index
        %swap3A_290 = arith.constant 80 : index
        %swap3A_291 = tpu.vector_load %arg13[%swap3A_289, %swap3A_290] {strides = array<i32>} : memref<80x128xf32, #tpu.memory_space<vmem>>, vector<1x16xf32>,
        %swap3A_292 = vector.shape_cast %swap3A_291 : vector<1x16xf32> to vector<16xf32>
        %swap3A_293 = vector.shape_cast %mul3A_288 : vector<16xf32> to vector<1x16xf32>
        tpu.vector_store %arg13[%swap3A_289, %swap3A_290], %swap3A_293 {strides = array<i32>} : memref<80x128xf32, #tpu.memory_space<vmem>>, vector<1x16xf32>,
        %slice3A_294 = vector.extract_strided_slice %get3A_215 {offsets = [6], sizes = [1], strides = [1]} : vector<16xf32> to vector<1xf32>
        %squeeze3A_295 = vector.extract %slice3A_294[0] : f32 from vector<1xf32>
        %get3A_296 = arith.index_cast %scan3A_211 : i32 to index
        %get3A_297 = arith.constant 96 : index
        %get3A_298 = tpu.vector_load %arg13[%get3A_296, %get3A_297] {strides = array<i32>} : memref<80x128xf32, #tpu.memory_space<vmem>>, vector<1x16xf32>,
        %get3A_299 = vector.shape_cast %get3A_298 : vector<1x16xf32> to vector<16xf32>
        %mul3A_300 = vector.broadcast %squeeze3A_295 : f32 to vector<16xf32>
        %mul3A_301 = arith.mulf %get3A_299, %mul3A_300 : vector<16xf32>
        %swap3A_302 = arith.index_cast %scan3A_211 : i32 to index
        %swap3A_303 = arith.constant 96 : index
        %swap3A_304 = tpu.vector_load %arg13[%swap3A_302, %swap3A_303] {strides = array<i32>} : memref<80x128xf32, #tpu.memory_space<vmem>>, vector<1x16xf32>,
        %swap3A_305 = vector.shape_cast %swap3A_304 : vector<1x16xf32> to vector<16xf32>
        %swap3A_306 = vector.shape_cast %mul3A_301 : vector<16xf32> to vector<1x16xf32>
        tpu.vector_store %arg13[%swap3A_302, %swap3A_303], %swap3A_306 {strides = array<i32>} : memref<80x128xf32, #tpu.memory_space<vmem>>, vector<1x16xf32>,
        %slice3A_307 = vector.extract_strided_slice %get3A_215 {offsets = [7], sizes = [1], strides = [1]} : vector<16xf32> to vector<1xf32>
        %squeeze3A_308 = vector.extract %slice3A_307[0] : f32 from vector<1xf32>
        %get3A_309 = arith.index_cast %scan3A_211 : i32 to index
        %get3A_310 = arith.constant 112 : index
        %get3A_311 = tpu.vector_load %arg13[%get3A_309, %get3A_310] {strides = array<i32>} : memref<80x128xf32, #tpu.memory_space<vmem>>, vector<1x16xf32>,
        %get3A_312 = vector.shape_cast %get3A_311 : vector<1x16xf32> to vector<16xf32>
        %mul3A_313 = vector.broadcast %squeeze3A_308 : f32 to vector<16xf32>
        %mul3A_314 = arith.mulf %get3A_312, %mul3A_313 : vector<16xf32>
        %swap3A_315 = arith.index_cast %scan3A_211 : i32 to index
        %swap3A_316 = arith.constant 112 : index
        %swap3A_317 = tpu.vector_load %arg13[%swap3A_315, %swap3A_316] {strides = array<i32>} : memref<80x128xf32, #tpu.memory_space<vmem>>, vector<1x16xf32>,
        %swap3A_318 = vector.shape_cast %swap3A_317 : vector<1x16xf32> to vector<16xf32>
        %swap3A_319 = vector.shape_cast %mul3A_314 : vector<16xf32> to vector<1x16xf32>
        tpu.vector_store %arg13[%swap3A_315, %swap3A_316], %swap3A_319 {strides = array<i32>} : memref<80x128xf32, #tpu.memory_space<vmem>>, vector<1x16xf32>,
        %scan3A_320 = arith.constant 2 : i32
        %scan3A_321 = arith.addi %scan3A_105, %scan3A_320 : i32
        %get3A_322 = arith.index_cast %scan3A_321 : i32 to index
        %get3A_323 = arith.constant 0 : index
        %get3A_324 = tpu.vector_load %arg12[%get3A_322, %get3A_323] {strides = array<i32>} : memref<80x16xf32, #tpu.memory_space<vmem>>, vector<1x16xf32>,
        %get3A_325 = vector.shape_cast %get3A_324 : vector<1x16xf32> to vector<16xf32>
        %slice3A_326 = vector.extract_strided_slice %get3A_325 {offsets = [0], sizes = [1], strides = [1]} : vector<16xf32> to vector<1xf32>
        %squeeze3A_327 = vector.extract %slice3A_326[0] : f32 from vector<1xf32>
        %get3A_328 = arith.index_cast %scan3A_321 : i32 to index
        %get3A_329 = arith.constant 0 : index
        %get3A_330 = tpu.vector_load %arg13[%get3A_328, %get3A_329] {strides = array<i32>} : memref<80x128xf32, #tpu.memory_space<vmem>>, vector<1x16xf32>,
        %get3A_331 = vector.shape_cast %get3A_330 : vector<1x16xf32> to vector<16xf32>
        %mul3A_332 = vector.broadcast %squeeze3A_327 : f32 to vector<16xf32>
        %mul3A_333 = arith.mulf %get3A_331, %mul3A_332 : vector<16xf32>
        %swap3A_334 = arith.index_cast %scan3A_321 : i32 to index
        %swap3A_335 = arith.constant 0 : index
        %swap3A_336 = tpu.vector_load %arg13[%swap3A_334, %swap3A_335] {strides = array<i32>} : memref<80x128xf32, #tpu.memory_space<vmem>>, vector<1x16xf32>,
        %swap3A_337 = vector.shape_cast %swap3A_336 : vector<1x16xf32> to vector<16xf32>
        %swap3A_338 = vector.shape_cast %mul3A_333 : vector<16xf32> to vector<1x16xf32>
        tpu.vector_store %arg13[%swap3A_334, %swap3A_335], %swap3A_338 {strides = array<i32>} : memref<80x128xf32, #tpu.memory_space<vmem>>, vector<1x16xf32>,
        %slice3A_339 = vector.extract_strided_slice %get3A_325 {offsets = [1], sizes = [1], strides = [1]} : vector<16xf32> to vector<1xf32>
        %squeeze3A_340 = vector.extract %slice3A_339[0] : f32 from vector<1xf32>
        %get3A_341 = arith.index_cast %scan3A_321 : i32 to index
        %get3A_342 = arith.constant 16 : index
        %get3A_343 = tpu.vector_load %arg13[%get3A_341, %get3A_342] {strides = array<i32>} : memref<80x128xf32, #tpu.memory_space<vmem>>, vector<1x16xf32>,
        %get3A_344 = vector.shape_cast %get3A_343 : vector<1x16xf32> to vector<16xf32>
        %mul3A_345 = vector.broadcast %squeeze3A_340 : f32 to vector<16xf32>
        %mul3A_346 = arith.mulf %get3A_344, %mul3A_345 : vector<16xf32>
        %swap3A_347 = arith.index_cast %scan3A_321 : i32 to index
        %swap3A_348 = arith.constant 16 : index
        %swap3A_349 = tpu.vector_load %arg13[%swap3A_347, %swap3A_348] {strides = array<i32>} : memref<80x128xf32, #tpu.memory_space<vmem>>, vector<1x16xf32>,
        %swap3A_350 = vector.shape_cast %swap3A_349 : vector<1x16xf32> to vector<16xf32>
        %swap3A_351 = vector.shape_cast %mul3A_346 : vector<16xf32> to vector<1x16xf32>
        tpu.vector_store %arg13[%swap3A_347, %swap3A_348], %swap3A_351 {strides = array<i32>} : memref<80x128xf32, #tpu.memory_space<vmem>>, vector<1x16xf32>,
        %slice3A_352 = vector.extract_strided_slice %get3A_325 {offsets = [2], sizes = [1], strides = [1]} : vector<16xf32> to vector<1xf32>
        %squeeze3A_353 = vector.extract %slice3A_352[0] : f32 from vector<1xf32>
        %get3A_354 = arith.index_cast %scan3A_321 : i32 to index
        %get3A_355 = arith.constant 32 : index
        %get3A_356 = tpu.vector_load %arg13[%get3A_354, %get3A_355] {strides = array<i32>} : memref<80x128xf32, #tpu.memory_space<vmem>>, vector<1x16xf32>,
        %get3A_357 = vector.shape_cast %get3A_356 : vector<1x16xf32> to vector<16xf32>
        %mul3A_358 = vector.broadcast %squeeze3A_353 : f32 to vector<16xf32>
        %mul3A_359 = arith.mulf %get3A_357, %mul3A_358 : vector<16xf32>
        %swap3A_360 = arith.index_cast %scan3A_321 : i32 to index
        %swap3A_361 = arith.constant 32 : index
        %swap3A_362 = tpu.vector_load %arg13[%swap3A_360, %swap3A_361] {strides = array<i32>} : memref<80x128xf32, #tpu.memory_space<vmem>>, vector<1x16xf32>,
        %swap3A_363 = vector.shape_cast %swap3A_362 : vector<1x16xf32> to vector<16xf32>
        %swap3A_364 = vector.shape_cast %mul3A_359 : vector<16xf32> to vector<1x16xf32>
        tpu.vector_store %arg13[%swap3A_360, %swap3A_361], %swap3A_364 {strides = array<i32>} : memref<80x128xf32, #tpu.memory_space<vmem>>, vector<1x16xf32>,
        %slice3A_365 = vector.extract_strided_slice %get3A_325 {offsets = [3], sizes = [1], strides = [1]} : vector<16xf32> to vector<1xf32>
        %squeeze3A_366 = vector.extract %slice3A_365[0] : f32 from vector<1xf32>
        %get3A_367 = arith.index_cast %scan3A_321 : i32 to index
        %get3A_368 = arith.constant 48 : index
        %get3A_369 = tpu.vector_load %arg13[%get3A_367, %get3A_368] {strides = array<i32>} : memref<80x128xf32, #tpu.memory_space<vmem>>, vector<1x16xf32>,
        %get3A_370 = vector.shape_cast %get3A_369 : vector<1x16xf32> to vector<16xf32>
        %mul3A_371 = vector.broadcast %squeeze3A_366 : f32 to vector<16xf32>
        %mul3A_372 = arith.mulf %get3A_370, %mul3A_371 : vector<16xf32>
        %swap3A_373 = arith.index_cast %scan3A_321 : i32 to index
        %swap3A_374 = arith.constant 48 : index
        %swap3A_375 = tpu.vector_load %arg13[%swap3A_373, %swap3A_374] {strides = array<i32>} : memref<80x128xf32, #tpu.memory_space<vmem>>, vector<1x16xf32>,
        %swap3A_376 = vector.shape_cast %swap3A_375 : vector<1x16xf32> to vector<16xf32>
        %swap3A_377 = vector.shape_cast %mul3A_372 : vector<16xf32> to vector<1x16xf32>
        tpu.vector_store %arg13[%swap3A_373, %swap3A_374], %swap3A_377 {strides = array<i32>} : memref<80x128xf32, #tpu.memory_space<vmem>>, vector<1x16xf32>,
        %slice3A_378 = vector.extract_strided_slice %get3A_325 {offsets = [4], sizes = [1], strides = [1]} : vector<16xf32> to vector<1xf32>
        %squeeze3A_379 = vector.extract %slice3A_378[0] : f32 from vector<1xf32>
        %get3A_380 = arith.index_cast %scan3A_321 : i32 to index
        %get3A_381 = arith.constant 64 : index
        %get3A_382 = tpu.vector_load %arg13[%get3A_380, %get3A_381] {strides = array<i32>} : memref<80x128xf32, #tpu.memory_space<vmem>>, vector<1x16xf32>,
        %get3A_383 = vector.shape_cast %get3A_382 : vector<1x16xf32> to vector<16xf32>
        %mul3A_384 = vector.broadcast %squeeze3A_379 : f32 to vector<16xf32>
        %mul3A_385 = arith.mulf %get3A_383, %mul3A_384 : vector<16xf32>
        %swap3A_386 = arith.index_cast %scan3A_321 : i32 to index
        %swap3A_387 = arith.constant 64 : index
        %swap3A_388 = tpu.vector_load %arg13[%swap3A_386, %swap3A_387] {strides = array<i32>} : memref<80x128xf32, #tpu.memory_space<vmem>>, vector<1x16xf32>,
        %swap3A_389 = vector.shape_cast %swap3A_388 : vector<1x16xf32> to vector<16xf32>
        %swap3A_390 = vector.shape_cast %mul3A_385 : vector<16xf32> to vector<1x16xf32>
        tpu.vector_store %arg13[%swap3A_386, %swap3A_387], %swap3A_390 {strides = array<i32>} : memref<80x128xf32, #tpu.memory_space<vmem>>, vector<1x16xf32>,
        %slice3A_391 = vector.extract_strided_slice %get3A_325 {offsets = [5], sizes = [1], strides = [1]} : vector<16xf32> to vector<1xf32>
        %squeeze3A_392 = vector.extract %slice3A_391[0] : f32 from vector<1xf32>
        %get3A_393 = arith.index_cast %scan3A_321 : i32 to index
        %get3A_394 = arith.constant 80 : index
        %get3A_395 = tpu.vector_load %arg13[%get3A_393, %get3A_394] {strides = array<i32>} : memref<80x128xf32, #tpu.memory_space<vmem>>, vector<1x16xf32>,
        %get3A_396 = vector.shape_cast %get3A_395 : vector<1x16xf32> to vector<16xf32>
        %mul3A_397 = vector.broadcast %squeeze3A_392 : f32 to vector<16xf32>
        %mul3A_398 = arith.mulf %get3A_396, %mul3A_397 : vector<16xf32>
        %swap3A_399 = arith.index_cast %scan3A_321 : i32 to index
        %swap3A_400 = arith.constant 80 : index
        %swap3A_401 = tpu.vector_load %arg13[%swap3A_399, %swap3A_400] {strides = array<i32>} : memref<80x128xf32, #tpu.memory_space<vmem>>, vector<1x16xf32>,
        %swap3A_402 = vector.shape_cast %swap3A_401 : vector<1x16xf32> to vector<16xf32>
        %swap3A_403 = vector.shape_cast %mul3A_398 : vector<16xf32> to vector<1x16xf32>
        tpu.vector_store %arg13[%swap3A_399, %swap3A_400], %swap3A_403 {strides = array<i32>} : memref<80x128xf32, #tpu.memory_space<vmem>>, vector<1x16xf32>,
        %slice3A_404 = vector.extract_strided_slice %get3A_325 {offsets = [6], sizes = [1], strides = [1]} : vector<16xf32> to vector<1xf32>
        %squeeze3A_405 = vector.extract %slice3A_404[0] : f32 from vector<1xf32>
        %get3A_406 = arith.index_cast %scan3A_321 : i32 to index
        %get3A_407 = arith.constant 96 : index
        %get3A_408 = tpu.vector_load %arg13[%get3A_406, %get3A_407] {strides = array<i32>} : memref<80x128xf32, #tpu.memory_space<vmem>>, vector<1x16xf32>,
        %get3A_409 = vector.shape_cast %get3A_408 : vector<1x16xf32> to vector<16xf32>
        %mul3A_410 = vector.broadcast %squeeze3A_405 : f32 to vector<16xf32>
        %mul3A_411 = arith.mulf %get3A_409, %mul3A_410 : vector<16xf32>
        %swap3A_412 = arith.index_cast %scan3A_321 : i32 to index
        %swap3A_413 = arith.constant 96 : index
        %swap3A_414 = tpu.vector_load %arg13[%swap3A_412, %swap3A_413] {strides = array<i32>} : memref<80x128xf32, #tpu.memory_space<vmem>>, vector<1x16xf32>,
        %swap3A_415 = vector.shape_cast %swap3A_414 : vector<1x16xf32> to vector<16xf32>
        %swap3A_416 = vector.shape_cast %mul3A_411 : vector<16xf32> to vector<1x16xf32>
        tpu.vector_store %arg13[%swap3A_412, %swap3A_413], %swap3A_416 {strides = array<i32>} : memref<80x128xf32, #tpu.memory_space<vmem>>, vector<1x16xf32>,
        %slice3A_417 = vector.extract_strided_slice %get3A_325 {offsets = [7], sizes = [1], strides = [1]} : vector<16xf32> to vector<1xf32>
        %squeeze3A_418 = vector.extract %slice3A_417[0] : f32 from vector<1xf32>
        %get3A_419 = arith.index_cast %scan3A_321 : i32 to index
        %get3A_420 = arith.constant 112 : index
        %get3A_421 = tpu.vector_load %arg13[%get3A_419, %get3A_420] {strides = array<i32>} : memref<80x128xf32, #tpu.memory_space<vmem>>, vector<1x16xf32>,
        %get3A_422 = vector.shape_cast %get3A_421 : vector<1x16xf32> to vector<16xf32>
        %mul3A_423 = vector.broadcast %squeeze3A_418 : f32 to vector<16xf32>
        %mul3A_424 = arith.mulf %get3A_422, %mul3A_423 : vector<16xf32>
        %swap3A_425 = arith.index_cast %scan3A_321 : i32 to index
        %swap3A_426 = arith.constant 112 : index
        %swap3A_427 = tpu.vector_load %arg13[%swap3A_425, %swap3A_426] {strides = array<i32>} : memref<80x128xf32, #tpu.memory_space<vmem>>, vector<1x16xf32>,
        %swap3A_428 = vector.shape_cast %swap3A_427 : vector<1x16xf32> to vector<16xf32>
        %swap3A_429 = vector.shape_cast %mul3A_424 : vector<16xf32> to vector<1x16xf32>
        tpu.vector_store %arg13[%swap3A_425, %swap3A_426], %swap3A_429 {strides = array<i32>} : memref<80x128xf32, #tpu.memory_space<vmem>>, vector<1x16xf32>,
        %scan3A_430 = arith.constant 3 : i32
        %scan3A_431 = arith.addi %scan3A_105, %scan3A_430 : i32
        %get3A_432 = arith.index_cast %scan3A_431 : i32 to index
        %get3A_433 = arith.constant 0 : index
        %get3A_434 = tpu.vector_load %arg12[%get3A_432, %get3A_433] {strides = array<i32>} : memref<80x16xf32, #tpu.memory_space<vmem>>, vector<1x16xf32>,
        %get3A_435 = vector.shape_cast %get3A_434 : vector<1x16xf32> to vector<16xf32>
        %slice3A_436 = vector.extract_strided_slice %get3A_435 {offsets = [0], sizes = [1], strides = [1]} : vector<16xf32> to vector<1xf32>
        %squeeze3A_437 = vector.extract %slice3A_436[0] : f32 from vector<1xf32>
        %get3A_438 = arith.index_cast %scan3A_431 : i32 to index
        %get3A_439 = arith.constant 0 : index
        %get3A_440 = tpu.vector_load %arg13[%get3A_438, %get3A_439] {strides = array<i32>} : memref<80x128xf32, #tpu.memory_space<vmem>>, vector<1x16xf32>,
        %get3A_441 = vector.shape_cast %get3A_440 : vector<1x16xf32> to vector<16xf32>
        %mul3A_442 = vector.broadcast %squeeze3A_437 : f32 to vector<16xf32>
        %mul3A_443 = arith.mulf %get3A_441, %mul3A_442 : vector<16xf32>
        %swap3A_444 = arith.index_cast %scan3A_431 : i32 to index
        %swap3A_445 = arith.constant 0 : index
        %swap3A_446 = tpu.vector_load %arg13[%swap3A_444, %swap3A_445] {strides = array<i32>} : memref<80x128xf32, #tpu.memory_space<vmem>>, vector<1x16xf32>,
        %swap3A_447 = vector.shape_cast %swap3A_446 : vector<1x16xf32> to vector<16xf32>
        %swap3A_448 = vector.shape_cast %mul3A_443 : vector<16xf32> to vector<1x16xf32>
        tpu.vector_store %arg13[%swap3A_444, %swap3A_445], %swap3A_448 {strides = array<i32>} : memref<80x128xf32, #tpu.memory_space<vmem>>, vector<1x16xf32>,
        %slice3A_449 = vector.extract_strided_slice %get3A_435 {offsets = [1], sizes = [1], strides = [1]} : vector<16xf32> to vector<1xf32>
        %squeeze3A_450 = vector.extract %slice3A_449[0] : f32 from vector<1xf32>
        %get3A_451 = arith.index_cast %scan3A_431 : i32 to index
        %get3A_452 = arith.constant 16 : index
        %get3A_453 = tpu.vector_load %arg13[%get3A_451, %get3A_452] {strides = array<i32>} : memref<80x128xf32, #tpu.memory_space<vmem>>, vector<1x16xf32>,
        %get3A_454 = vector.shape_cast %get3A_453 : vector<1x16xf32> to vector<16xf32>
        %mul3A_455 = vector.broadcast %squeeze3A_450 : f32 to vector<16xf32>
        %mul3A_456 = arith.mulf %get3A_454, %mul3A_455 : vector<16xf32>
        %swap3A_457 = arith.index_cast %scan3A_431 : i32 to index
        %swap3A_458 = arith.constant 16 : index
        %swap3A_459 = tpu.vector_load %arg13[%swap3A_457, %swap3A_458] {strides = array<i32>} : memref<80x128xf32, #tpu.memory_space<vmem>>, vector<1x16xf32>,
        %swap3A_460 = vector.shape_cast %swap3A_459 : vector<1x16xf32> to vector<16xf32>
        %swap3A_461 = vector.shape_cast %mul3A_456 : vector<16xf32> to vector<1x16xf32>
        tpu.vector_store %arg13[%swap3A_457, %swap3A_458], %swap3A_461 {strides = array<i32>} : memref<80x128xf32, #tpu.memory_space<vmem>>, vector<1x16xf32>,
        %slice3A_462 = vector.extract_strided_slice %get3A_435 {offsets = [2], sizes = [1], strides = [1]} : vector<16xf32> to vector<1xf32>
        %squeeze3A_463 = vector.extract %slice3A_462[0] : f32 from vector<1xf32>
        %get3A_464 = arith.index_cast %scan3A_431 : i32 to index
        %get3A_465 = arith.constant 32 : index
        %get3A_466 = tpu.vector_load %arg13[%get3A_464, %get3A_465] {strides = array<i32>} : memref<80x128xf32, #tpu.memory_space<vmem>>, vector<1x16xf32>,
        %get3A_467 = vector.shape_cast %get3A_466 : vector<1x16xf32> to vector<16xf32>
        %mul3A_468 = vector.broadcast %squeeze3A_463 : f32 to vector<16xf32>
        %mul3A_469 = arith.mulf %get3A_467, %mul3A_468 : vector<16xf32>
        %swap3A_470 = arith.index_cast %scan3A_431 : i32 to index
        %swap3A_471 = arith.constant 32 : index
        %swap3A_472 = tpu.vector_load %arg13[%swap3A_470, %swap3A_471] {strides = array<i32>} : memref<80x128xf32, #tpu.memory_space<vmem>>, vector<1x16xf32>,
        %swap3A_473 = vector.shape_cast %swap3A_472 : vector<1x16xf32> to vector<16xf32>
        %swap3A_474 = vector.shape_cast %mul3A_469 : vector<16xf32> to vector<1x16xf32>
        tpu.vector_store %arg13[%swap3A_470, %swap3A_471], %swap3A_474 {strides = array<i32>} : memref<80x128xf32, #tpu.memory_space<vmem>>, vector<1x16xf32>,
        %slice3A_475 = vector.extract_strided_slice %get3A_435 {offsets = [3], sizes = [1], strides = [1]} : vector<16xf32> to vector<1xf32>
        %squeeze3A_476 = vector.extract %slice3A_475[0] : f32 from vector<1xf32>
        %get3A_477 = arith.index_cast %scan3A_431 : i32 to index
        %get3A_478 = arith.constant 48 : index
        %get3A_479 = tpu.vector_load %arg13[%get3A_477, %get3A_478] {strides = array<i32>} : memref<80x128xf32, #tpu.memory_space<vmem>>, vector<1x16xf32>,
        %get3A_480 = vector.shape_cast %get3A_479 : vector<1x16xf32> to vector<16xf32>
        %mul3A_481 = vector.broadcast %squeeze3A_476 : f32 to vector<16xf32>
        %mul3A_482 = arith.mulf %get3A_480, %mul3A_481 : vector<16xf32>
        %swap3A_483 = arith.index_cast %scan3A_431 : i32 to index
        %swap3A_484 = arith.constant 48 : index
        %swap3A_485 = tpu.vector_load %arg13[%swap3A_483, %swap3A_484] {strides = array<i32>} : memref<80x128xf32, #tpu.memory_space<vmem>>, vector<1x16xf32>,
        %swap3A_486 = vector.shape_cast %swap3A_485 : vector<1x16xf32> to vector<16xf32>
        %swap3A_487 = vector.shape_cast %mul3A_482 : vector<16xf32> to vector<1x16xf32>
        tpu.vector_store %arg13[%swap3A_483, %swap3A_484], %swap3A_487 {strides = array<i32>} : memref<80x128xf32, #tpu.memory_space<vmem>>, vector<1x16xf32>,
        %slice3A_488 = vector.extract_strided_slice %get3A_435 {offsets = [4], sizes = [1], strides = [1]} : vector<16xf32> to vector<1xf32>
        %squeeze3A_489 = vector.extract %slice3A_488[0] : f32 from vector<1xf32>
        %get3A_490 = arith.index_cast %scan3A_431 : i32 to index
        %get3A_491 = arith.constant 64 : index
        %get3A_492 = tpu.vector_load %arg13[%get3A_490, %get3A_491] {strides = array<i32>} : memref<80x128xf32, #tpu.memory_space<vmem>>, vector<1x16xf32>,
        %get3A_493 = vector.shape_cast %get3A_492 : vector<1x16xf32> to vector<16xf32>
        %mul3A_494 = vector.broadcast %squeeze3A_489 : f32 to vector<16xf32>
        %mul3A_495 = arith.mulf %get3A_493, %mul3A_494 : vector<16xf32>
        %swap3A_496 = arith.index_cast %scan3A_431 : i32 to index
        %swap3A_497 = arith.constant 64 : index
        %swap3A_498 = tpu.vector_load %arg13[%swap3A_496, %swap3A_497] {strides = array<i32>} : memref<80x128xf32, #tpu.memory_space<vmem>>, vector<1x16xf32>,
        %swap3A_499 = vector.shape_cast %swap3A_498 : vector<1x16xf32> to vector<16xf32>
        %swap3A_500 = vector.shape_cast %mul3A_495 : vector<16xf32> to vector<1x16xf32>
        tpu.vector_store %arg13[%swap3A_496, %swap3A_497], %swap3A_500 {strides = array<i32>} : memref<80x128xf32, #tpu.memory_space<vmem>>, vector<1x16xf32>,
        %slice3A_501 = vector.extract_strided_slice %get3A_435 {offsets = [5], sizes = [1], strides = [1]} : vector<16xf32> to vector<1xf32>
        %squeeze3A_502 = vector.extract %slice3A_501[0] : f32 from vector<1xf32>
        %get3A_503 = arith.index_cast %scan3A_431 : i32 to index
        %get3A_504 = arith.constant 80 : index
        %get3A_505 = tpu.vector_load %arg13[%get3A_503, %get3A_504] {strides = array<i32>} : memref<80x128xf32, #tpu.memory_space<vmem>>, vector<1x16xf32>,
        %get3A_506 = vector.shape_cast %get3A_505 : vector<1x16xf32> to vector<16xf32>
        %mul3A_507 = vector.broadcast %squeeze3A_502 : f32 to vector<16xf32>
        %mul3A_508 = arith.mulf %get3A_506, %mul3A_507 : vector<16xf32>
        %swap3A_509 = arith.index_cast %scan3A_431 : i32 to index
        %swap3A_510 = arith.constant 80 : index
        %swap3A_511 = tpu.vector_load %arg13[%swap3A_509, %swap3A_510] {strides = array<i32>} : memref<80x128xf32, #tpu.memory_space<vmem>>, vector<1x16xf32>,
        %swap3A_512 = vector.shape_cast %swap3A_511 : vector<1x16xf32> to vector<16xf32>
        %swap3A_513 = vector.shape_cast %mul3A_508 : vector<16xf32> to vector<1x16xf32>
        tpu.vector_store %arg13[%swap3A_509, %swap3A_510], %swap3A_513 {strides = array<i32>} : memref<80x128xf32, #tpu.memory_space<vmem>>, vector<1x16xf32>,
        %slice3A_514 = vector.extract_strided_slice %get3A_435 {offsets = [6], sizes = [1], strides = [1]} : vector<16xf32> to vector<1xf32>
        %squeeze3A_515 = vector.extract %slice3A_514[0] : f32 from vector<1xf32>
        %get3A_516 = arith.index_cast %scan3A_431 : i32 to index
        %get3A_517 = arith.constant 96 : index
        %get3A_518 = tpu.vector_load %arg13[%get3A_516, %get3A_517] {strides = array<i32>} : memref<80x128xf32, #tpu.memory_space<vmem>>, vector<1x16xf32>,
        %get3A_519 = vector.shape_cast %get3A_518 : vector<1x16xf32> to vector<16xf32>
        %mul3A_520 = vector.broadcast %squeeze3A_515 : f32 to vector<16xf32>
        %mul3A_521 = arith.mulf %get3A_519, %mul3A_520 : vector<16xf32>
        %swap3A_522 = arith.index_cast %scan3A_431 : i32 to index
        %swap3A_523 = arith.constant 96 : index
        %swap3A_524 = tpu.vector_load %arg13[%swap3A_522, %swap3A_523] {strides = array<i32>} : memref<80x128xf32, #tpu.memory_space<vmem>>, vector<1x16xf32>,
        %swap3A_525 = vector.shape_cast %swap3A_524 : vector<1x16xf32> to vector<16xf32>
        %swap3A_526 = vector.shape_cast %mul3A_521 : vector<16xf32> to vector<1x16xf32>
        tpu.vector_store %arg13[%swap3A_522, %swap3A_523], %swap3A_526 {strides = array<i32>} : memref<80x128xf32, #tpu.memory_space<vmem>>, vector<1x16xf32>,
        %slice3A_527 = vector.extract_strided_slice %get3A_435 {offsets = [7], sizes = [1], strides = [1]} : vector<16xf32> to vector<1xf32>
        %squeeze3A_528 = vector.extract %slice3A_527[0] : f32 from vector<1xf32>
        %get3A_529 = arith.index_cast %scan3A_431 : i32 to index
        %get3A_530 = arith.constant 112 : index
        %get3A_531 = tpu.vector_load %arg13[%get3A_529, %get3A_530] {strides = array<i32>} : memref<80x128xf32, #tpu.memory_space<vmem>>, vector<1x16xf32>,
        %get3A_532 = vector.shape_cast %get3A_531 : vector<1x16xf32> to vector<16xf32>
        %mul3A_533 = vector.broadcast %squeeze3A_528 : f32 to vector<16xf32>
        %mul3A_534 = arith.mulf %get3A_532, %mul3A_533 : vector<16xf32>
        %swap3A_535 = arith.index_cast %scan3A_431 : i32 to index
        %swap3A_536 = arith.constant 112 : index
        %swap3A_537 = tpu.vector_load %arg13[%swap3A_535, %swap3A_536] {strides = array<i32>} : memref<80x128xf32, #tpu.memory_space<vmem>>, vector<1x16xf32>,
        %swap3A_538 = vector.shape_cast %swap3A_537 : vector<1x16xf32> to vector<16xf32>
        %swap3A_539 = vector.shape_cast %mul3A_534 : vector<16xf32> to vector<1x16xf32>
        tpu.vector_store %arg13[%swap3A_535, %swap3A_536], %swap3A_539 {strides = array<i32>} : memref<80x128xf32, #tpu.memory_space<vmem>>, vector<1x16xf32>,
      }
      %scan3A_95 = arith.constant 80 : i32
      %dma_start3A_96 = arith.constant 0 : i32
      %dma_start3A_97 = arith.constant 0 : i32
      %dma_start3A_98 = tpu.memref_slice %arg16[%dma_start3A_96, %dma_start3A_97] : memref<10000x128xf32, #tpu.memory_space<vmem_shared>> -> memref<10000x128xf32, #tpu.memory_space<vmem_shared>>
      tpu.enqueue_indirect_dma source(%arg13 : memref<80x128xf32, #tpu.memory_space<vmem>>) target(%dma_start3A_98 : memref<10000x128xf32, #tpu.memory_space<vmem_shared>>) offsets(%arg10 : memref<80xi32, #tpu.memory_space<vmem>>) semaphore(%arg20 : memref<!tpu.dma_semaphore, #tpu.memory_space<semaphore_mem>>) {add = true}
      %dma_wait3A_99 = arith.constant 0 : i32
      %dma_wait3A_100 = arith.constant 0 : i32
      %dma_wait3A_101 = tpu.memref_slice %arg17[%dma_wait3A_99, %dma_wait3A_100] : memref<10000x16xf32, #tpu.memory_space<vmem_shared>> -> memref<10000x16xf32, #tpu.memory_space<vmem_shared>>
      tpu.wait_indirect_dma semaphore(%arg20 : memref<!tpu.dma_semaphore, #tpu.memory_space<semaphore_mem>>) src(%arg12 : memref<80x16xf32, #tpu.memory_space<vmem>>) dst(%dma_wait3A_101 : memref<10000x16xf32, #tpu.memory_space<vmem_shared>>)
      %dma_wait3A_102 = arith.constant 0 : i32
      %dma_wait3A_103 = arith.constant 0 : i32
      %dma_wait3A_104 = tpu.memref_slice %arg16[%dma_wait3A_102, %dma_wait3A_103] : memref<10000x128xf32, #tpu.memory_space<vmem_shared>> -> memref<10000x128xf32, #tpu.memory_space<vmem_shared>>
      tpu.wait_indirect_dma semaphore(%arg20 : memref<!tpu.dma_semaphore, #tpu.memory_space<semaphore_mem>>) src(%arg13 : memref<80x128xf32, #tpu.memory_space<vmem>>) dst(%dma_wait3A_104 : memref<10000x128xf32, #tpu.memory_space<vmem_shared>>)
    }
    %scan3A_31 = arith.constant 125 : i32
    %barrier3A_32 = arith.constant 0 : index
    tpu.barrier barrier_id(%barrier3A_32)
    %add3A_33 = arith.constant 0 : i32
    %add3A_34 = arith.addi %mul3A_2, %add3A_33 : i32
    "tpu.region"() ({
      %run_scoped3A = tpu.sem_alloc : memref<!tpu.dma_semaphore, #tpu.memory_space<semaphore_mem>>
      %dma_start3A = arith.constant 0 : i32
      %dma_start3A_53 = tpu.memref_slice %arg16[%add3A_34, %dma_start3A] : memref<10000x128xf32, #tpu.memory_space<vmem_shared>> -> memref<125x128xf32, #tpu.memory_space<vmem_shared>>
      %dma_start3A_54 = arith.constant 0 : i32
      %dma_start3A_55 = tpu.memref_slice %arg16[%add3A_34, %dma_start3A_54] : memref<10000x128xf32, #tpu.memory_space<vmem_shared>> -> memref<125x128xf32, #tpu.memory_space<vmem_shared>>
      tpu.enqueue_dma source(%dma_start3A_55 : memref<125x128xf32, #tpu.memory_space<vmem_shared>>) target(%arg15 : memref<125x128xf32, #tpu.memory_space<vmem>>) target_semaphore(%run_scoped3A : memref<!tpu.dma_semaphore, #tpu.memory_space<semaphore_mem>>)
      %dma_wait3A = arith.constant 0 : i32
      %dma_wait3A_56 = tpu.memref_slice %arg16[%add3A_34, %dma_wait3A] : memref<10000x128xf32, #tpu.memory_space<vmem_shared>> -> memref<125x128xf32, #tpu.memory_space<vmem_shared>>
      %dma_wait3A_57 = arith.constant 0 : i32
      %dma_wait3A_58 = tpu.memref_slice %arg16[%add3A_34, %dma_wait3A_57] : memref<10000x128xf32, #tpu.memory_space<vmem_shared>> -> memref<125x128xf32, #tpu.memory_space<vmem_shared>>
      tpu.wait_dma2 semaphore(%run_scoped3A : memref<!tpu.dma_semaphore, #tpu.memory_space<semaphore_mem>>) src(%dma_wait3A_58 : memref<125x128xf32, #tpu.memory_space<vmem_shared>>) dst(%arg15 : memref<125x128xf32, #tpu.memory_space<vmem>>)
      tpu.yield
    }) : () -> ()
    %add3A_35 = arith.constant 0 : i32
    %add3A_36 = arith.addi %mul3A_2, %add3A_35 : i32
    "tpu.region"() ({
      %run_scoped3A = tpu.sem_alloc : memref<!tpu.dma_semaphore, #tpu.memory_space<semaphore_mem>>
      %dma_start3A = arith.constant 0 : i32
      %dma_start3A_53 = tpu.memref_slice %arg7[%arg0, %add3A_36, %dma_start3A] : memref<2x10000x128xf32, #tpu.memory_space<hbm>> -> memref<1x125x128xf32, #tpu.memory_space<hbm>>
      %dma_start3A_54 = tpu.memref_squeeze %dma_start3A_53 : memref<1x125x128xf32, #tpu.memory_space<hbm>> -> memref<125x128xf32, #tpu.memory_space<hbm>>
      %dma_start3A_55 = arith.constant 0 : i32
      %dma_start3A_56 = tpu.memref_slice %arg7[%arg0, %add3A_36, %dma_start3A_55] : memref<2x10000x128xf32, #tpu.memory_space<hbm>> -> memref<1x125x128xf32, #tpu.memory_space<hbm>>
      %dma_start3A_57 = tpu.memref_squeeze %dma_start3A_56 : memref<1x125x128xf32, #tpu.memory_space<hbm>> -> memref<125x128xf32, #tpu.memory_space<hbm>>
      tpu.enqueue_dma source(%arg15 : memref<125x128xf32, #tpu.memory_space<vmem>>) target(%dma_start3A_57 : memref<125x128xf32, #tpu.memory_space<hbm>>) target_semaphore(%run_scoped3A : memref<!tpu.dma_semaphore, #tpu.memory_space<semaphore_mem>>)
      %dma_wait3A = arith.constant 0 : i32
      %dma_wait3A_58 = tpu.memref_slice %arg7[%arg0, %add3A_36, %dma_wait3A] : memref<2x10000x128xf32, #tpu.memory_space<hbm>> -> memref<1x125x128xf32, #tpu.memory_space<hbm>>
      %dma_wait3A_59 = tpu.memref_squeeze %dma_wait3A_58 : memref<1x125x128xf32, #tpu.memory_space<hbm>> -> memref<125x128xf32, #tpu.memory_space<hbm>>
      %dma_wait3A_60 = arith.constant 0 : i32
      %dma_wait3A_61 = tpu.memref_slice %arg7[%arg0, %add3A_36, %dma_wait3A_60] : memref<2x10000x128xf32, #tpu.memory_space<hbm>> -> memref<1x125x128xf32, #tpu.memory_space<hbm>>
      %dma_wait3A_62 = tpu.memref_squeeze %dma_wait3A_61 : memref<1x125x128xf32, #tpu.memory_space<hbm>> -> memref<125x128xf32, #tpu.memory_space<hbm>>
      tpu.wait_dma2 semaphore(%run_scoped3A : memref<!tpu.dma_semaphore, #tpu.memory_space<semaphore_mem>>) src(%arg15 : memref<125x128xf32, #tpu.memory_space<vmem>>) dst(%dma_wait3A_62 : memref<125x128xf32, #tpu.memory_space<hbm>>)
      tpu.yield
    }) : () -> ()
    %add3A_37 = arith.constant 125 : i32
    %add3A_38 = arith.addi %mul3A_2, %add3A_37 : i32
    "tpu.region"() ({
      %run_scoped3A = tpu.sem_alloc : memref<!tpu.dma_semaphore, #tpu.memory_space<semaphore_mem>>
      %dma_start3A = arith.constant 0 : i32
      %dma_start3A_53 = tpu.memref_slice %arg16[%add3A_38, %dma_start3A] : memref<10000x128xf32, #tpu.memory_space<vmem_shared>> -> memref<125x128xf32, #tpu.memory_space<vmem_shared>>
      %dma_start3A_54 = arith.constant 0 : i32
      %dma_start3A_55 = tpu.memref_slice %arg16[%add3A_38, %dma_start3A_54] : memref<10000x128xf32, #tpu.memory_space<vmem_shared>> -> memref<125x128xf32, #tpu.memory_space<vmem_shared>>
      tpu.enqueue_dma source(%dma_start3A_55 : memref<125x128xf32, #tpu.memory_space<vmem_shared>>) target(%arg15 : memref<125x128xf32, #tpu.memory_space<vmem>>) target_semaphore(%run_scoped3A : memref<!tpu.dma_semaphore, #tpu.memory_space<semaphore_mem>>)
      %dma_wait3A = arith.constant 0 : i32
      %dma_wait3A_56 = tpu.memref_slice %arg16[%add3A_38, %dma_wait3A] : memref<10000x128xf32, #tpu.memory_space<vmem_shared>> -> memref<125x128xf32, #tpu.memory_space<vmem_shared>>
      %dma_wait3A_57 = arith.constant 0 : i32
      %dma_wait3A_58 = tpu.memref_slice %arg16[%add3A_38, %dma_wait3A_57] : memref<10000x128xf32, #tpu.memory_space<vmem_shared>> -> memref<125x128xf32, #tpu.memory_space<vmem_shared>>
      tpu.wait_dma2 semaphore(%run_scoped3A : memref<!tpu.dma_semaphore, #tpu.memory_space<semaphore_mem>>) src(%dma_wait3A_58 : memref<125x128xf32, #tpu.memory_space<vmem_shared>>) dst(%arg15 : memref<125x128xf32, #tpu.memory_space<vmem>>)
      tpu.yield
    }) : () -> ()
    %add3A_39 = arith.constant 125 : i32
    %add3A_40 = arith.addi %mul3A_2, %add3A_39 : i32
    "tpu.region"() ({
      %run_scoped3A = tpu.sem_alloc : memref<!tpu.dma_semaphore, #tpu.memory_space<semaphore_mem>>
      %dma_start3A = arith.constant 0 : i32
      %dma_start3A_53 = tpu.memref_slice %arg7[%arg0, %add3A_40, %dma_start3A] : memref<2x10000x128xf32, #tpu.memory_space<hbm>> -> memref<1x125x128xf32, #tpu.memory_space<hbm>>
      %dma_start3A_54 = tpu.memref_squeeze %dma_start3A_53 : memref<1x125x128xf32, #tpu.memory_space<hbm>> -> memref<125x128xf32, #tpu.memory_space<hbm>>
      %dma_start3A_55 = arith.constant 0 : i32
      %dma_start3A_56 = tpu.memref_slice %arg7[%arg0, %add3A_40, %dma_start3A_55] : memref<2x10000x128xf32, #tpu.memory_space<hbm>> -> memref<1x125x128xf32, #tpu.memory_space<hbm>>
      %dma_start3A_57 = tpu.memref_squeeze %dma_start3A_56 : memref<1x125x128xf32, #tpu.memory_space<hbm>> -> memref<125x128xf32, #tpu.memory_space<hbm>>
      tpu.enqueue_dma source(%arg15 : memref<125x128xf32, #tpu.memory_space<vmem>>) target(%dma_start3A_57 : memref<125x128xf32, #tpu.memory_space<hbm>>) target_semaphore(%run_scoped3A : memref<!tpu.dma_semaphore, #tpu.memory_space<semaphore_mem>>)
      %dma_wait3A = arith.constant 0 : i32
      %dma_wait3A_58 = tpu.memref_slice %arg7[%arg0, %add3A_40, %dma_wait3A] : memref<2x10000x128xf32, #tpu.memory_space<hbm>> -> memref<1x125x128xf32, #tpu.memory_space<hbm>>
      %dma_wait3A_59 = tpu.memref_squeeze %dma_wait3A_58 : memref<1x125x128xf32, #tpu.memory_space<hbm>> -> memref<125x128xf32, #tpu.memory_space<hbm>>
      %dma_wait3A_60 = arith.constant 0 : i32
      %dma_wait3A_61 = tpu.memref_slice %arg7[%arg0, %add3A_40, %dma_wait3A_60] : memref<2x10000x128xf32, #tpu.memory_space<hbm>> -> memref<1x125x128xf32, #tpu.memory_space<hbm>>
      %dma_wait3A_62 = tpu.memref_squeeze %dma_wait3A_61 : memref<1x125x128xf32, #tpu.memory_space<hbm>> -> memref<125x128xf32, #tpu.memory_space<hbm>>
      tpu.wait_dma2 semaphore(%run_scoped3A : memref<!tpu.dma_semaphore, #tpu.memory_space<semaphore_mem>>) src(%arg15 : memref<125x128xf32, #tpu.memory_space<vmem>>) dst(%dma_wait3A_62 : memref<125x128xf32, #tpu.memory_space<hbm>>)
      tpu.yield
    }) : () -> ()
    %add3A_41 = arith.constant 250 : i32
    %add3A_42 = arith.addi %mul3A_2, %add3A_41 : i32
    "tpu.region"() ({
      %run_scoped3A = tpu.sem_alloc : memref<!tpu.dma_semaphore, #tpu.memory_space<semaphore_mem>>
      %dma_start3A = arith.constant 0 : i32
      %dma_start3A_53 = tpu.memref_slice %arg16[%add3A_42, %dma_start3A] : memref<10000x128xf32, #tpu.memory_space<vmem_shared>> -> memref<125x128xf32, #tpu.memory_space<vmem_shared>>
      %dma_start3A_54 = arith.constant 0 : i32
      %dma_start3A_55 = tpu.memref_slice %arg16[%add3A_42, %dma_start3A_54] : memref<10000x128xf32, #tpu.memory_space<vmem_shared>> -> memref<125x128xf32, #tpu.memory_space<vmem_shared>>
      tpu.enqueue_dma source(%dma_start3A_55 : memref<125x128xf32, #tpu.memory_space<vmem_shared>>) target(%arg15 : memref<125x128xf32, #tpu.memory_space<vmem>>) target_semaphore(%run_scoped3A : memref<!tpu.dma_semaphore, #tpu.memory_space<semaphore_mem>>)
      %dma_wait3A = arith.constant 0 : i32
      %dma_wait3A_56 = tpu.memref_slice %arg16[%add3A_42, %dma_wait3A] : memref<10000x128xf32, #tpu.memory_space<vmem_shared>> -> memref<125x128xf32, #tpu.memory_space<vmem_shared>>
      %dma_wait3A_57 = arith.constant 0 : i32
      %dma_wait3A_58 = tpu.memref_slice %arg16[%add3A_42, %dma_wait3A_57] : memref<10000x128xf32, #tpu.memory_space<vmem_shared>> -> memref<125x128xf32, #tpu.memory_space<vmem_shared>>
      tpu.wait_dma2 semaphore(%run_scoped3A : memref<!tpu.dma_semaphore, #tpu.memory_space<semaphore_mem>>) src(%dma_wait3A_58 : memref<125x128xf32, #tpu.memory_space<vmem_shared>>) dst(%arg15 : memref<125x128xf32, #tpu.memory_space<vmem>>)
      tpu.yield
    }) : () -> ()
    %add3A_43 = arith.constant 250 : i32
    %add3A_44 = arith.addi %mul3A_2, %add3A_43 : i32
    "tpu.region"() ({
      %run_scoped3A = tpu.sem_alloc : memref<!tpu.dma_semaphore, #tpu.memory_space<semaphore_mem>>
      %dma_start3A = arith.constant 0 : i32
      %dma_start3A_53 = tpu.memref_slice %arg7[%arg0, %add3A_44, %dma_start3A] : memref<2x10000x128xf32, #tpu.memory_space<hbm>> -> memref<1x125x128xf32, #tpu.memory_space<hbm>>
      %dma_start3A_54 = tpu.memref_squeeze %dma_start3A_53 : memref<1x125x128xf32, #tpu.memory_space<hbm>> -> memref<125x128xf32, #tpu.memory_space<hbm>>
      %dma_start3A_55 = arith.constant 0 : i32
      %dma_start3A_56 = tpu.memref_slice %arg7[%arg0, %add3A_44, %dma_start3A_55] : memref<2x10000x128xf32, #tpu.memory_space<hbm>> -> memref<1x125x128xf32, #tpu.memory_space<hbm>>
      %dma_start3A_57 = tpu.memref_squeeze %dma_start3A_56 : memref<1x125x128xf32, #tpu.memory_space<hbm>> -> memref<125x128xf32, #tpu.memory_space<hbm>>
      tpu.enqueue_dma source(%arg15 : memref<125x128xf32, #tpu.memory_space<vmem>>) target(%dma_start3A_57 : memref<125x128xf32, #tpu.memory_space<hbm>>) target_semaphore(%run_scoped3A : memref<!tpu.dma_semaphore, #tpu.memory_space<semaphore_mem>>)
      %dma_wait3A = arith.constant 0 : i32
      %dma_wait3A_58 = tpu.memref_slice %arg7[%arg0, %add3A_44, %dma_wait3A] : memref<2x10000x128xf32, #tpu.memory_space<hbm>> -> memref<1x125x128xf32, #tpu.memory_space<hbm>>
      %dma_wait3A_59 = tpu.memref_squeeze %dma_wait3A_58 : memref<1x125x128xf32, #tpu.memory_space<hbm>> -> memref<125x128xf32, #tpu.memory_space<hbm>>
      %dma_wait3A_60 = arith.constant 0 : i32
      %dma_wait3A_61 = tpu.memref_slice %arg7[%arg0, %add3A_44, %dma_wait3A_60] : memref<2x10000x128xf32, #tpu.memory_space<hbm>> -> memref<1x125x128xf32, #tpu.memory_space<hbm>>
      %dma_wait3A_62 = tpu.memref_squeeze %dma_wait3A_61 : memref<1x125x128xf32, #tpu.memory_space<hbm>> -> memref<125x128xf32, #tpu.memory_space<hbm>>
      tpu.wait_dma2 semaphore(%run_scoped3A : memref<!tpu.dma_semaphore, #tpu.memory_space<semaphore_mem>>) src(%arg15 : memref<125x128xf32, #tpu.memory_space<vmem>>) dst(%dma_wait3A_62 : memref<125x128xf32, #tpu.memory_space<hbm>>)
      tpu.yield
    }) : () -> ()
    %add3A_45 = arith.constant 375 : i32
    %add3A_46 = arith.addi %mul3A_2, %add3A_45 : i32
    "tpu.region"() ({
      %run_scoped3A = tpu.sem_alloc : memref<!tpu.dma_semaphore, #tpu.memory_space<semaphore_mem>>
      %dma_start3A = arith.constant 0 : i32
      %dma_start3A_53 = tpu.memref_slice %arg16[%add3A_46, %dma_start3A] : memref<10000x128xf32, #tpu.memory_space<vmem_shared>> -> memref<125x128xf32, #tpu.memory_space<vmem_shared>>
      %dma_start3A_54 = arith.constant 0 : i32
      %dma_start3A_55 = tpu.memref_slice %arg16[%add3A_46, %dma_start3A_54] : memref<10000x128xf32, #tpu.memory_space<vmem_shared>> -> memref<125x128xf32, #tpu.memory_space<vmem_shared>>
      tpu.enqueue_dma source(%dma_start3A_55 : memref<125x128xf32, #tpu.memory_space<vmem_shared>>) target(%arg15 : memref<125x128xf32, #tpu.memory_space<vmem>>) target_semaphore(%run_scoped3A : memref<!tpu.dma_semaphore, #tpu.memory_space<semaphore_mem>>)
      %dma_wait3A = arith.constant 0 : i32
      %dma_wait3A_56 = tpu.memref_slice %arg16[%add3A_46, %dma_wait3A] : memref<10000x128xf32, #tpu.memory_space<vmem_shared>> -> memref<125x128xf32, #tpu.memory_space<vmem_shared>>
      %dma_wait3A_57 = arith.constant 0 : i32
      %dma_wait3A_58 = tpu.memref_slice %arg16[%add3A_46, %dma_wait3A_57] : memref<10000x128xf32, #tpu.memory_space<vmem_shared>> -> memref<125x128xf32, #tpu.memory_space<vmem_shared>>
      tpu.wait_dma2 semaphore(%run_scoped3A : memref<!tpu.dma_semaphore, #tpu.memory_space<semaphore_mem>>) src(%dma_wait3A_58 : memref<125x128xf32, #tpu.memory_space<vmem_shared>>) dst(%arg15 : memref<125x128xf32, #tpu.memory_space<vmem>>)
      tpu.yield
    }) : () -> ()
    %add3A_47 = arith.constant 375 : i32
    %add3A_48 = arith.addi %mul3A_2, %add3A_47 : i32
    "tpu.region"() ({
      %run_scoped3A = tpu.sem_alloc : memref<!tpu.dma_semaphore, #tpu.memory_space<semaphore_mem>>
      %dma_start3A = arith.constant 0 : i32
      %dma_start3A_53 = tpu.memref_slice %arg7[%arg0, %add3A_48, %dma_start3A] : memref<2x10000x128xf32, #tpu.memory_space<hbm>> -> memref<1x125x128xf32, #tpu.memory_space<hbm>>
      %dma_start3A_54 = tpu.memref_squeeze %dma_start3A_53 : memref<1x125x128xf32, #tpu.memory_space<hbm>> -> memref<125x128xf32, #tpu.memory_space<hbm>>
      %dma_start3A_55 = arith.constant 0 : i32
      %dma_start3A_56 = tpu.memref_slice %arg7[%arg0, %add3A_48, %dma_start3A_55] : memref<2x10000x128xf32, #tpu.memory_space<hbm>> -> memref<1x125x128xf32, #tpu.memory_space<hbm>>
      %dma_start3A_57 = tpu.memref_squeeze %dma_start3A_56 : memref<1x125x128xf32, #tpu.memory_space<hbm>> -> memref<125x128xf32, #tpu.memory_space<hbm>>
      tpu.enqueue_dma source(%arg15 : memref<125x128xf32, #tpu.memory_space<vmem>>) target(%dma_start3A_57 : memref<125x128xf32, #tpu.memory_space<hbm>>) target_semaphore(%run_scoped3A : memref<!tpu.dma_semaphore, #tpu.memory_space<semaphore_mem>>)
      %dma_wait3A = arith.constant 0 : i32
      %dma_wait3A_58 = tpu.memref_slice %arg7[%arg0, %add3A_48, %dma_wait3A] : memref<2x10000x128xf32, #tpu.memory_space<hbm>> -> memref<1x125x128xf32, #tpu.memory_space<hbm>>
      %dma_wait3A_59 = tpu.memref_squeeze %dma_wait3A_58 : memref<1x125x128xf32, #tpu.memory_space<hbm>> -> memref<125x128xf32, #tpu.memory_space<hbm>>
      %dma_wait3A_60 = arith.constant 0 : i32
      %dma_wait3A_61 = tpu.memref_slice %arg7[%arg0, %add3A_48, %dma_wait3A_60] : memref<2x10000x128xf32, #tpu.memory_space<hbm>> -> memref<1x125x128xf32, #tpu.memory_space<hbm>>
      %dma_wait3A_62 = tpu.memref_squeeze %dma_wait3A_61 : memref<1x125x128xf32, #tpu.memory_space<hbm>> -> memref<125x128xf32, #tpu.memory_space<hbm>>
      tpu.wait_dma2 semaphore(%run_scoped3A : memref<!tpu.dma_semaphore, #tpu.memory_space<semaphore_mem>>) src(%arg15 : memref<125x128xf32, #tpu.memory_space<vmem>>) dst(%dma_wait3A_62 : memref<125x128xf32, #tpu.memory_space<hbm>>)
      tpu.yield
    }) : () -> ()
    %add3A_49 = arith.constant 500 : i32
    %add3A_50 = arith.addi %mul3A_2, %add3A_49 : i32
    "tpu.region"() ({
      %run_scoped3A = tpu.sem_alloc : memref<!tpu.dma_semaphore, #tpu.memory_space<semaphore_mem>>
      %dma_start3A = arith.constant 0 : i32
      %dma_start3A_53 = tpu.memref_slice %arg16[%add3A_50, %dma_start3A] : memref<10000x128xf32, #tpu.memory_space<vmem_shared>> -> memref<125x128xf32, #tpu.memory_space<vmem_shared>>
      %dma_start3A_54 = arith.constant 0 : i32
      %dma_start3A_55 = tpu.memref_slice %arg16[%add3A_50, %dma_start3A_54] : memref<10000x128xf32, #tpu.memory_space<vmem_shared>> -> memref<125x128xf32, #tpu.memory_space<vmem_shared>>
      tpu.enqueue_dma source(%dma_start3A_55 : memref<125x128xf32, #tpu.memory_space<vmem_shared>>) target(%arg15 : memref<125x128xf32, #tpu.memory_space<vmem>>) target_semaphore(%run_scoped3A : memref<!tpu.dma_semaphore, #tpu.memory_space<semaphore_mem>>)
      %dma_wait3A = arith.constant 0 : i32
      %dma_wait3A_56 = tpu.memref_slice %arg16[%add3A_50, %dma_wait3A] : memref<10000x128xf32, #tpu.memory_space<vmem_shared>> -> memref<125x128xf32, #tpu.memory_space<vmem_shared>>
      %dma_wait3A_57 = arith.constant 0 : i32
      %dma_wait3A_58 = tpu.memref_slice %arg16[%add3A_50, %dma_wait3A_57] : memref<10000x128xf32, #tpu.memory_space<vmem_shared>> -> memref<125x128xf32, #tpu.memory_space<vmem_shared>>
      tpu.wait_dma2 semaphore(%run_scoped3A : memref<!tpu.dma_semaphore, #tpu.memory_space<semaphore_mem>>) src(%dma_wait3A_58 : memref<125x128xf32, #tpu.memory_space<vmem_shared>>) dst(%arg15 : memref<125x128xf32, #tpu.memory_space<vmem>>)
      tpu.yield
    }) : () -> ()
    %add3A_51 = arith.constant 500 : i32
    %add3A_52 = arith.addi %mul3A_2, %add3A_51 : i32
    "tpu.region"() ({
      %run_scoped3A = tpu.sem_alloc : memref<!tpu.dma_semaphore, #tpu.memory_space<semaphore_mem>>
      %dma_start3A = arith.constant 0 : i32
      %dma_start3A_53 = tpu.memref_slice %arg7[%arg0, %add3A_52, %dma_start3A] : memref<2x10000x128xf32, #tpu.memory_space<hbm>> -> memref<1x125x128xf32, #tpu.memory_space<hbm>>
      %dma_start3A_54 = tpu.memref_squeeze %dma_start3A_53 : memref<1x125x128xf32, #tpu.memory_space<hbm>> -> memref<125x128xf32, #tpu.memory_space<hbm>>
      %dma_start3A_55 = arith.constant 0 : i32
      %dma_start3A_56 = tpu.memref_slice %arg7[%arg0, %add3A_52, %dma_start3A_55] : memref<2x10000x128xf32, #tpu.memory_space<hbm>> -> memref<1x125x128xf32, #tpu.memory_space<hbm>>
      %dma_start3A_57 = tpu.memref_squeeze %dma_start3A_56 : memref<1x125x128xf32, #tpu.memory_space<hbm>> -> memref<125x128xf32, #tpu.memory_space<hbm>>
      tpu.enqueue_dma source(%arg15 : memref<125x128xf32, #tpu.memory_space<vmem>>) target(%dma_start3A_57 : memref<125x128xf32, #tpu.memory_space<hbm>>) target_semaphore(%run_scoped3A : memref<!tpu.dma_semaphore, #tpu.memory_space<semaphore_mem>>)
      %dma_wait3A = arith.constant 0 : i32
      %dma_wait3A_58 = tpu.memref_slice %arg7[%arg0, %add3A_52, %dma_wait3A] : memref<2x10000x128xf32, #tpu.memory_space<hbm>> -> memref<1x125x128xf32, #tpu.memory_space<hbm>>
      %dma_wait3A_59 = tpu.memref_squeeze %dma_wait3A_58 : memref<1x125x128xf32, #tpu.memory_space<hbm>> -> memref<125x128xf32, #tpu.memory_space<hbm>>
      %dma_wait3A_60 = arith.constant 0 : i32
      %dma_wait3A_61 = tpu.memref_slice %arg7[%arg0, %add3A_52, %dma_wait3A_60] : memref<2x10000x128xf32, #tpu.memory_space<hbm>> -> memref<1x125x128xf32, #tpu.memory_space<hbm>>
      %dma_wait3A_62 = tpu.memref_squeeze %dma_wait3A_61 : memref<1x125x128xf32, #tpu.memory_space<hbm>> -> memref<125x128xf32, #tpu.memory_space<hbm>>
      tpu.wait_dma2 semaphore(%run_scoped3A : memref<!tpu.dma_semaphore, #tpu.memory_space<semaphore_mem>>) src(%arg15 : memref<125x128xf32, #tpu.memory_space<vmem>>) dst(%dma_wait3A_62 : memref<125x128xf32, #tpu.memory_space<hbm>>)
      tpu.yield
    }) : () -> ()
    "tpu.region"() ({
      %run_scoped3A = tpu.sem_alloc : memref<!tpu.dma_semaphore, #tpu.memory_space<semaphore_mem>>
      %dma_start3A = arith.constant 0 : i32
      %dma_start3A_53 = tpu.memref_slice %arg17[%mul3A_2, %dma_start3A] : memref<10000x16xf32, #tpu.memory_space<vmem_shared>> -> memref<625x16xf32, #tpu.memory_space<vmem_shared>>
      %dma_start3A_54 = arith.constant 0 : i32
      %dma_start3A_55 = tpu.memref_slice %arg17[%mul3A_2, %dma_start3A_54] : memref<10000x16xf32, #tpu.memory_space<vmem_shared>> -> memref<625x16xf32, #tpu.memory_space<vmem_shared>>
      tpu.enqueue_dma source(%dma_start3A_55 : memref<625x16xf32, #tpu.memory_space<vmem_shared>>) target(%arg14 : memref<625x16xf32, #tpu.memory_space<vmem>>) target_semaphore(%run_scoped3A : memref<!tpu.dma_semaphore, #tpu.memory_space<semaphore_mem>>)
      %dma_wait3A = arith.constant 0 : i32
      %dma_wait3A_56 = tpu.memref_slice %arg17[%mul3A_2, %dma_wait3A] : memref<10000x16xf32, #tpu.memory_space<vmem_shared>> -> memref<625x16xf32, #tpu.memory_space<vmem_shared>>
      %dma_wait3A_57 = arith.constant 0 : i32
      %dma_wait3A_58 = tpu.memref_slice %arg17[%mul3A_2, %dma_wait3A_57] : memref<10000x16xf32, #tpu.memory_space<vmem_shared>> -> memref<625x16xf32, #tpu.memory_space<vmem_shared>>
      tpu.wait_dma2 semaphore(%run_scoped3A : memref<!tpu.dma_semaphore, #tpu.memory_space<semaphore_mem>>) src(%dma_wait3A_58 : memref<625x16xf32, #tpu.memory_space<vmem_shared>>) dst(%arg14 : memref<625x16xf32, #tpu.memory_space<vmem>>)
      tpu.yield
    }) : () -> ()
    "tpu.region"() ({
      %run_scoped3A = tpu.sem_alloc : memref<!tpu.dma_semaphore, #tpu.memory_space<semaphore_mem>>
      %dma_start3A = arith.constant 0 : i32
      %dma_start3A_53 = tpu.memref_slice %arg8[%arg0, %mul3A_2, %dma_start3A] : memref<2x10000x16xf32, #tpu.memory_space<hbm>> -> memref<1x625x16xf32, #tpu.memory_space<hbm>>
      %dma_start3A_54 = tpu.memref_squeeze %dma_start3A_53 : memref<1x625x16xf32, #tpu.memory_space<hbm>> -> memref<625x16xf32, #tpu.memory_space<hbm>>
      %dma_start3A_55 = arith.constant 0 : i32
      %dma_start3A_56 = tpu.memref_slice %arg8[%arg0, %mul3A_2, %dma_start3A_55] : memref<2x10000x16xf32, #tpu.memory_space<hbm>> -> memref<1x625x16xf32, #tpu.memory_space<hbm>>
      %dma_start3A_57 = tpu.memref_squeeze %dma_start3A_56 : memref<1x625x16xf32, #tpu.memory_space<hbm>> -> memref<625x16xf32, #tpu.memory_space<hbm>>
      tpu.enqueue_dma source(%arg14 : memref<625x16xf32, #tpu.memory_space<vmem>>) target(%dma_start3A_57 : memref<625x16xf32, #tpu.memory_space<hbm>>) target_semaphore(%run_scoped3A : memref<!tpu.dma_semaphore, #tpu.memory_space<semaphore_mem>>)
      %dma_wait3A = arith.constant 0 : i32
      %dma_wait3A_58 = tpu.memref_slice %arg8[%arg0, %mul3A_2, %dma_wait3A] : memref<2x10000x16xf32, #tpu.memory_space<hbm>> -> memref<1x625x16xf32, #tpu.memory_space<hbm>>
      %dma_wait3A_59 = tpu.memref_squeeze %dma_wait3A_58 : memref<1x625x16xf32, #tpu.memory_space<hbm>> -> memref<625x16xf32, #tpu.memory_space<hbm>>
      %dma_wait3A_60 = arith.constant 0 : i32
      %dma_wait3A_61 = tpu.memref_slice %arg8[%arg0, %mul3A_2, %dma_wait3A_60] : memref<2x10000x16xf32, #tpu.memory_space<hbm>> -> memref<1x625x16xf32, #tpu.memory_space<hbm>>
      %dma_wait3A_62 = tpu.memref_squeeze %dma_wait3A_61 : memref<1x625x16xf32, #tpu.memory_space<hbm>> -> memref<625x16xf32, #tpu.memory_space<hbm>>
      tpu.wait_dma2 semaphore(%run_scoped3A : memref<!tpu.dma_semaphore, #tpu.memory_space<semaphore_mem>>) src(%arg14 : memref<625x16xf32, #tpu.memory_space<vmem>>) dst(%dma_wait3A_62 : memref<625x16xf32, #tpu.memory_space<hbm>>)
      tpu.yield
    }) : () -> ()
    return
  }
}

#map = affine_map<(d0, d1) -> (0, 0)>
#map1 = affine_map<(d0, d1) -> (0)>
#map2 = affine_map<(d0, d1) -> (0, 0, 0)>
module attributes {stable_mosaic.version = 14 : i64} {
  func.func @sck(%arg0: i32, %arg1: i32, %arg2: memref<10000x64xf32, #tpu.memory_space<hbm>>, %arg3: memref<10000x16xf32, #tpu.memory_space<hbm>>, %arg4: memref<10000x16xf32, #tpu.memory_space<hbm>>, %arg5: memref<320000xi32, #tpu.memory_space<hbm>>, %arg6: memref<320000xi32, #tpu.memory_space<hbm>>, %arg7: memref<2x10000x64xf32, #tpu.memory_space<hbm>>, %arg8: memref<2x10000x16xf32, #tpu.memory_space<hbm>>, %arg9: memref<80xi32, #tpu.memory_space<vmem>>, %arg10: memref<80xi32, #tpu.memory_space<vmem>>, %arg11: memref<80x16xf32, #tpu.memory_space<vmem>>, %arg12: memref<80x16xf32, #tpu.memory_space<vmem>>, %arg13: memref<80x64xf32, #tpu.memory_space<vmem>>, %arg14: memref<625x16xf32, #tpu.memory_space<vmem>>, %arg15: memref<125x64xf32, #tpu.memory_space<vmem>>, %arg16: memref<10000x64xf32, #tpu.memory_space<vmem_shared>>, %arg17: memref<10000x16xf32, #tpu.memory_space<vmem_shared>>, %arg18: memref<!tpu.dma_semaphore, #tpu.memory_space<semaphore_mem>>, %arg19: memref<!tpu.dma_semaphore, #tpu.memory_space<semaphore_mem>>, %arg20: memref<!tpu.dma_semaphore, #tpu.memory_space<semaphore_mem>>) attributes {dimension_semantics = [#tpu.dimension_semantics<core_parallel>, #tpu.dimension_semantics<subcore_parallel>], iteration_bounds = array<i64: 2, 16>, scalar_prefetch = 0 : i64, scratch_operands = 12 : i64, tpu.core_type = #tpu.core_type<sc_vector_subcore>, window_params = [{transform_indices = #map}, {transform_indices = #map}, {transform_indices = #map}, {transform_indices = #map1}, {transform_indices = #map1}, {transform_indices = #map2}, {transform_indices = #map2}]} {
    %mul3A = arith.constant 2 : i32
    %mul3A_0 = arith.muli %arg1, %mul3A : i32
    %add3A = arith.addi %mul3A_0, %arg0 : i32
    %mul3A_1 = arith.constant 625 : i32
    %mul3A_2 = arith.muli %arg1, %mul3A_1 : i32
    %scan3A = arith.constant 0 : i32
    %scan3A_3 = arith.constant 0 : i32
    %scan3A_4 = arith.constant 125 : i32
    %scan3A_5 = arith.addi %scan3A_3, %scan3A_4 : i32
    %scan3A_6 = arith.constant 1 : i32
    scf.for %scan3A_53 = %scan3A_3 to %scan3A_5 step %scan3A_6  : i32 {
      %broadcast_in_dim3A = arith.constant 0.000000e+00 : f32
      %broadcast_in_dim3A_54 = vector.broadcast %broadcast_in_dim3A : f32 to vector<16xf32>
      %swap3A = arith.index_cast %scan3A_53 : i32 to index
      %swap3A_55 = arith.constant 0 : index
      %swap3A_56 = tpu.vector_load %arg15[%swap3A, %swap3A_55] {strides = array<i32>} : memref<125x64xf32, #tpu.memory_space<vmem>>, vector<1x16xf32>,
      %swap3A_57 = vector.shape_cast %swap3A_56 : vector<1x16xf32> to vector<16xf32>
      %swap3A_58 = vector.shape_cast %broadcast_in_dim3A_54 : vector<16xf32> to vector<1x16xf32>
      tpu.vector_store %arg15[%swap3A, %swap3A_55], %swap3A_58 {strides = array<i32>} : memref<125x64xf32, #tpu.memory_space<vmem>>, vector<1x16xf32>,
      %broadcast_in_dim3A_59 = arith.constant 0.000000e+00 : f32
      %broadcast_in_dim3A_60 = vector.broadcast %broadcast_in_dim3A_59 : f32 to vector<16xf32>
      %swap3A_61 = arith.index_cast %scan3A_53 : i32 to index
      %swap3A_62 = arith.constant 16 : index
      %swap3A_63 = tpu.vector_load %arg15[%swap3A_61, %swap3A_62] {strides = array<i32>} : memref<125x64xf32, #tpu.memory_space<vmem>>, vector<1x16xf32>,
      %swap3A_64 = vector.shape_cast %swap3A_63 : vector<1x16xf32> to vector<16xf32>
      %swap3A_65 = vector.shape_cast %broadcast_in_dim3A_60 : vector<16xf32> to vector<1x16xf32>
      tpu.vector_store %arg15[%swap3A_61, %swap3A_62], %swap3A_65 {strides = array<i32>} : memref<125x64xf32, #tpu.memory_space<vmem>>, vector<1x16xf32>,
      %broadcast_in_dim3A_66 = arith.constant 0.000000e+00 : f32
      %broadcast_in_dim3A_67 = vector.broadcast %broadcast_in_dim3A_66 : f32 to vector<16xf32>
      %swap3A_68 = arith.index_cast %scan3A_53 : i32 to index
      %swap3A_69 = arith.constant 32 : index
      %swap3A_70 = tpu.vector_load %arg15[%swap3A_68, %swap3A_69] {strides = array<i32>} : memref<125x64xf32, #tpu.memory_space<vmem>>, vector<1x16xf32>,
      %swap3A_71 = vector.shape_cast %swap3A_70 : vector<1x16xf32> to vector<16xf32>
      %swap3A_72 = vector.shape_cast %broadcast_in_dim3A_67 : vector<16xf32> to vector<1x16xf32>
      tpu.vector_store %arg15[%swap3A_68, %swap3A_69], %swap3A_72 {strides = array<i32>} : memref<125x64xf32, #tpu.memory_space<vmem>>, vector<1x16xf32>,
      %broadcast_in_dim3A_73 = arith.constant 0.000000e+00 : f32
      %broadcast_in_dim3A_74 = vector.broadcast %broadcast_in_dim3A_73 : f32 to vector<16xf32>
      %swap3A_75 = arith.index_cast %scan3A_53 : i32 to index
      %swap3A_76 = arith.constant 48 : index
      %swap3A_77 = tpu.vector_load %arg15[%swap3A_75, %swap3A_76] {strides = array<i32>} : memref<125x64xf32, #tpu.memory_space<vmem>>, vector<1x16xf32>,
      %swap3A_78 = vector.shape_cast %swap3A_77 : vector<1x16xf32> to vector<16xf32>
      %swap3A_79 = vector.shape_cast %broadcast_in_dim3A_74 : vector<16xf32> to vector<1x16xf32>
      tpu.vector_store %arg15[%swap3A_75, %swap3A_76], %swap3A_79 {strides = array<i32>} : memref<125x64xf32, #tpu.memory_space<vmem>>, vector<1x16xf32>,
    }
    %scan3A_7 = arith.constant 125 : i32
    %scan3A_8 = arith.constant 0 : i32
    %scan3A_9 = arith.constant 0 : i32
    %scan3A_10 = arith.constant 625 : i32
    %scan3A_11 = arith.addi %scan3A_9, %scan3A_10 : i32
    %scan3A_12 = arith.constant 1 : i32
    scf.for %scan3A_53 = %scan3A_9 to %scan3A_11 step %scan3A_12  : i32 {
      %broadcast_in_dim3A = arith.constant 0.000000e+00 : f32
      %broadcast_in_dim3A_54 = vector.broadcast %broadcast_in_dim3A : f32 to vector<16xf32>
      %swap3A = arith.index_cast %scan3A_53 : i32 to index
      %swap3A_55 = arith.constant 0 : index
      %swap3A_56 = tpu.vector_load %arg14[%swap3A, %swap3A_55] {strides = array<i32>} : memref<625x16xf32, #tpu.memory_space<vmem>>, vector<1x16xf32>,
      %swap3A_57 = vector.shape_cast %swap3A_56 : vector<1x16xf32> to vector<16xf32>
      %swap3A_58 = vector.shape_cast %broadcast_in_dim3A_54 : vector<16xf32> to vector<1x16xf32>
      tpu.vector_store %arg14[%swap3A, %swap3A_55], %swap3A_58 {strides = array<i32>} : memref<625x16xf32, #tpu.memory_space<vmem>>, vector<1x16xf32>,
    }
    %scan3A_13 = arith.constant 625 : i32
    %add3A_14 = arith.constant 0 : i32
    %add3A_15 = arith.addi %mul3A_2, %add3A_14 : i32
    "tpu.region"() ({
      %run_scoped3A = tpu.sem_alloc : memref<!tpu.dma_semaphore, #tpu.memory_space<semaphore_mem>>
      %dma_start3A = arith.constant 0 : i32
      %dma_start3A_53 = tpu.memref_slice %arg16[%add3A_15, %dma_start3A] : memref<10000x64xf32, #tpu.memory_space<vmem_shared>> -> memref<125x64xf32, #tpu.memory_space<vmem_shared>>
      %dma_start3A_54 = arith.constant 0 : i32
      %dma_start3A_55 = tpu.memref_slice %arg16[%add3A_15, %dma_start3A_54] : memref<10000x64xf32, #tpu.memory_space<vmem_shared>> -> memref<125x64xf32, #tpu.memory_space<vmem_shared>>
      tpu.enqueue_dma source(%arg15 : memref<125x64xf32, #tpu.memory_space<vmem>>) target(%dma_start3A_55 : memref<125x64xf32, #tpu.memory_space<vmem_shared>>) target_semaphore(%run_scoped3A : memref<!tpu.dma_semaphore, #tpu.memory_space<semaphore_mem>>)
      %dma_wait3A = arith.constant 0 : i32
      %dma_wait3A_56 = tpu.memref_slice %arg16[%add3A_15, %dma_wait3A] : memref<10000x64xf32, #tpu.memory_space<vmem_shared>> -> memref<125x64xf32, #tpu.memory_space<vmem_shared>>
      %dma_wait3A_57 = arith.constant 0 : i32
      %dma_wait3A_58 = tpu.memref_slice %arg16[%add3A_15, %dma_wait3A_57] : memref<10000x64xf32, #tpu.memory_space<vmem_shared>> -> memref<125x64xf32, #tpu.memory_space<vmem_shared>>
      tpu.wait_dma2 semaphore(%run_scoped3A : memref<!tpu.dma_semaphore, #tpu.memory_space<semaphore_mem>>) src(%arg15 : memref<125x64xf32, #tpu.memory_space<vmem>>) dst(%dma_wait3A_58 : memref<125x64xf32, #tpu.memory_space<vmem_shared>>)
      tpu.yield
    }) : () -> ()
    %add3A_16 = arith.constant 125 : i32
    %add3A_17 = arith.addi %mul3A_2, %add3A_16 : i32
    "tpu.region"() ({
      %run_scoped3A = tpu.sem_alloc : memref<!tpu.dma_semaphore, #tpu.memory_space<semaphore_mem>>
      %dma_start3A = arith.constant 0 : i32
      %dma_start3A_53 = tpu.memref_slice %arg16[%add3A_17, %dma_start3A] : memref<10000x64xf32, #tpu.memory_space<vmem_shared>> -> memref<125x64xf32, #tpu.memory_space<vmem_shared>>
      %dma_start3A_54 = arith.constant 0 : i32
      %dma_start3A_55 = tpu.memref_slice %arg16[%add3A_17, %dma_start3A_54] : memref<10000x64xf32, #tpu.memory_space<vmem_shared>> -> memref<125x64xf32, #tpu.memory_space<vmem_shared>>
      tpu.enqueue_dma source(%arg15 : memref<125x64xf32, #tpu.memory_space<vmem>>) target(%dma_start3A_55 : memref<125x64xf32, #tpu.memory_space<vmem_shared>>) target_semaphore(%run_scoped3A : memref<!tpu.dma_semaphore, #tpu.memory_space<semaphore_mem>>)
      %dma_wait3A = arith.constant 0 : i32
      %dma_wait3A_56 = tpu.memref_slice %arg16[%add3A_17, %dma_wait3A] : memref<10000x64xf32, #tpu.memory_space<vmem_shared>> -> memref<125x64xf32, #tpu.memory_space<vmem_shared>>
      %dma_wait3A_57 = arith.constant 0 : i32
      %dma_wait3A_58 = tpu.memref_slice %arg16[%add3A_17, %dma_wait3A_57] : memref<10000x64xf32, #tpu.memory_space<vmem_shared>> -> memref<125x64xf32, #tpu.memory_space<vmem_shared>>
      tpu.wait_dma2 semaphore(%run_scoped3A : memref<!tpu.dma_semaphore, #tpu.memory_space<semaphore_mem>>) src(%arg15 : memref<125x64xf32, #tpu.memory_space<vmem>>) dst(%dma_wait3A_58 : memref<125x64xf32, #tpu.memory_space<vmem_shared>>)
      tpu.yield
    }) : () -> ()
    %add3A_18 = arith.constant 250 : i32
    %add3A_19 = arith.addi %mul3A_2, %add3A_18 : i32
    "tpu.region"() ({
      %run_scoped3A = tpu.sem_alloc : memref<!tpu.dma_semaphore, #tpu.memory_space<semaphore_mem>>
      %dma_start3A = arith.constant 0 : i32
      %dma_start3A_53 = tpu.memref_slice %arg16[%add3A_19, %dma_start3A] : memref<10000x64xf32, #tpu.memory_space<vmem_shared>> -> memref<125x64xf32, #tpu.memory_space<vmem_shared>>
      %dma_start3A_54 = arith.constant 0 : i32
      %dma_start3A_55 = tpu.memref_slice %arg16[%add3A_19, %dma_start3A_54] : memref<10000x64xf32, #tpu.memory_space<vmem_shared>> -> memref<125x64xf32, #tpu.memory_space<vmem_shared>>
      tpu.enqueue_dma source(%arg15 : memref<125x64xf32, #tpu.memory_space<vmem>>) target(%dma_start3A_55 : memref<125x64xf32, #tpu.memory_space<vmem_shared>>) target_semaphore(%run_scoped3A : memref<!tpu.dma_semaphore, #tpu.memory_space<semaphore_mem>>)
      %dma_wait3A = arith.constant 0 : i32
      %dma_wait3A_56 = tpu.memref_slice %arg16[%add3A_19, %dma_wait3A] : memref<10000x64xf32, #tpu.memory_space<vmem_shared>> -> memref<125x64xf32, #tpu.memory_space<vmem_shared>>
      %dma_wait3A_57 = arith.constant 0 : i32
      %dma_wait3A_58 = tpu.memref_slice %arg16[%add3A_19, %dma_wait3A_57] : memref<10000x64xf32, #tpu.memory_space<vmem_shared>> -> memref<125x64xf32, #tpu.memory_space<vmem_shared>>
      tpu.wait_dma2 semaphore(%run_scoped3A : memref<!tpu.dma_semaphore, #tpu.memory_space<semaphore_mem>>) src(%arg15 : memref<125x64xf32, #tpu.memory_space<vmem>>) dst(%dma_wait3A_58 : memref<125x64xf32, #tpu.memory_space<vmem_shared>>)
      tpu.yield
    }) : () -> ()
    %add3A_20 = arith.constant 375 : i32
    %add3A_21 = arith.addi %mul3A_2, %add3A_20 : i32
    "tpu.region"() ({
      %run_scoped3A = tpu.sem_alloc : memref<!tpu.dma_semaphore, #tpu.memory_space<semaphore_mem>>
      %dma_start3A = arith.constant 0 : i32
      %dma_start3A_53 = tpu.memref_slice %arg16[%add3A_21, %dma_start3A] : memref<10000x64xf32, #tpu.memory_space<vmem_shared>> -> memref<125x64xf32, #tpu.memory_space<vmem_shared>>
      %dma_start3A_54 = arith.constant 0 : i32
      %dma_start3A_55 = tpu.memref_slice %arg16[%add3A_21, %dma_start3A_54] : memref<10000x64xf32, #tpu.memory_space<vmem_shared>> -> memref<125x64xf32, #tpu.memory_space<vmem_shared>>
      tpu.enqueue_dma source(%arg15 : memref<125x64xf32, #tpu.memory_space<vmem>>) target(%dma_start3A_55 : memref<125x64xf32, #tpu.memory_space<vmem_shared>>) target_semaphore(%run_scoped3A : memref<!tpu.dma_semaphore, #tpu.memory_space<semaphore_mem>>)
      %dma_wait3A = arith.constant 0 : i32
      %dma_wait3A_56 = tpu.memref_slice %arg16[%add3A_21, %dma_wait3A] : memref<10000x64xf32, #tpu.memory_space<vmem_shared>> -> memref<125x64xf32, #tpu.memory_space<vmem_shared>>
      %dma_wait3A_57 = arith.constant 0 : i32
      %dma_wait3A_58 = tpu.memref_slice %arg16[%add3A_21, %dma_wait3A_57] : memref<10000x64xf32, #tpu.memory_space<vmem_shared>> -> memref<125x64xf32, #tpu.memory_space<vmem_shared>>
      tpu.wait_dma2 semaphore(%run_scoped3A : memref<!tpu.dma_semaphore, #tpu.memory_space<semaphore_mem>>) src(%arg15 : memref<125x64xf32, #tpu.memory_space<vmem>>) dst(%dma_wait3A_58 : memref<125x64xf32, #tpu.memory_space<vmem_shared>>)
      tpu.yield
    }) : () -> ()
    %add3A_22 = arith.constant 500 : i32
    %add3A_23 = arith.addi %mul3A_2, %add3A_22 : i32
    "tpu.region"() ({
      %run_scoped3A = tpu.sem_alloc : memref<!tpu.dma_semaphore, #tpu.memory_space<semaphore_mem>>
      %dma_start3A = arith.constant 0 : i32
      %dma_start3A_53 = tpu.memref_slice %arg16[%add3A_23, %dma_start3A] : memref<10000x64xf32, #tpu.memory_space<vmem_shared>> -> memref<125x64xf32, #tpu.memory_space<vmem_shared>>
      %dma_start3A_54 = arith.constant 0 : i32
      %dma_start3A_55 = tpu.memref_slice %arg16[%add3A_23, %dma_start3A_54] : memref<10000x64xf32, #tpu.memory_space<vmem_shared>> -> memref<125x64xf32, #tpu.memory_space<vmem_shared>>
      tpu.enqueue_dma source(%arg15 : memref<125x64xf32, #tpu.memory_space<vmem>>) target(%dma_start3A_55 : memref<125x64xf32, #tpu.memory_space<vmem_shared>>) target_semaphore(%run_scoped3A : memref<!tpu.dma_semaphore, #tpu.memory_space<semaphore_mem>>)
      %dma_wait3A = arith.constant 0 : i32
      %dma_wait3A_56 = tpu.memref_slice %arg16[%add3A_23, %dma_wait3A] : memref<10000x64xf32, #tpu.memory_space<vmem_shared>> -> memref<125x64xf32, #tpu.memory_space<vmem_shared>>
      %dma_wait3A_57 = arith.constant 0 : i32
      %dma_wait3A_58 = tpu.memref_slice %arg16[%add3A_23, %dma_wait3A_57] : memref<10000x64xf32, #tpu.memory_space<vmem_shared>> -> memref<125x64xf32, #tpu.memory_space<vmem_shared>>
      tpu.wait_dma2 semaphore(%run_scoped3A : memref<!tpu.dma_semaphore, #tpu.memory_space<semaphore_mem>>) src(%arg15 : memref<125x64xf32, #tpu.memory_space<vmem>>) dst(%dma_wait3A_58 : memref<125x64xf32, #tpu.memory_space<vmem_shared>>)
      tpu.yield
    }) : () -> ()
    "tpu.region"() ({
      %run_scoped3A = tpu.sem_alloc : memref<!tpu.dma_semaphore, #tpu.memory_space<semaphore_mem>>
      %dma_start3A = arith.constant 0 : i32
      %dma_start3A_53 = tpu.memref_slice %arg17[%mul3A_2, %dma_start3A] : memref<10000x16xf32, #tpu.memory_space<vmem_shared>> -> memref<625x16xf32, #tpu.memory_space<vmem_shared>>
      %dma_start3A_54 = arith.constant 0 : i32
      %dma_start3A_55 = tpu.memref_slice %arg17[%mul3A_2, %dma_start3A_54] : memref<10000x16xf32, #tpu.memory_space<vmem_shared>> -> memref<625x16xf32, #tpu.memory_space<vmem_shared>>
      tpu.enqueue_dma source(%arg14 : memref<625x16xf32, #tpu.memory_space<vmem>>) target(%dma_start3A_55 : memref<625x16xf32, #tpu.memory_space<vmem_shared>>) target_semaphore(%run_scoped3A : memref<!tpu.dma_semaphore, #tpu.memory_space<semaphore_mem>>)
      %dma_wait3A = arith.constant 0 : i32
      %dma_wait3A_56 = tpu.memref_slice %arg17[%mul3A_2, %dma_wait3A] : memref<10000x16xf32, #tpu.memory_space<vmem_shared>> -> memref<625x16xf32, #tpu.memory_space<vmem_shared>>
      %dma_wait3A_57 = arith.constant 0 : i32
      %dma_wait3A_58 = tpu.memref_slice %arg17[%mul3A_2, %dma_wait3A_57] : memref<10000x16xf32, #tpu.memory_space<vmem_shared>> -> memref<625x16xf32, #tpu.memory_space<vmem_shared>>
      tpu.wait_dma2 semaphore(%run_scoped3A : memref<!tpu.dma_semaphore, #tpu.memory_space<semaphore_mem>>) src(%arg14 : memref<625x16xf32, #tpu.memory_space<vmem>>) dst(%dma_wait3A_58 : memref<625x16xf32, #tpu.memory_space<vmem_shared>>)
      tpu.yield
    }) : () -> ()
    %barrier3A = arith.constant 0 : index
    tpu.barrier barrier_id(%barrier3A)
    %mul3A_24 = arith.constant 10000 : i32
    %mul3A_25 = arith.muli %add3A, %mul3A_24 : i32
    %scan3A_26 = arith.constant 0 : i32
    %scan3A_27 = arith.constant 0 : i32
    %scan3A_28 = arith.constant 125 : i32
    %scan3A_29 = arith.addi %scan3A_27, %scan3A_28 : i32
    %scan3A_30 = arith.constant 1 : i32
    scf.for %scan3A_53 = %scan3A_27 to %scan3A_29 step %scan3A_30  : i32 {
      %mul3A_54 = arith.constant 80 : i32
      %mul3A_55 = arith.muli %scan3A_53, %mul3A_54 : i32
      %add3A_56 = arith.addi %mul3A_25, %mul3A_55 : i32
      %multiple_of3A = tpu.assume_multiple %add3A_56, 8 : i32
      %dma_start3A = tpu.memref_slice %arg5[%multiple_of3A] : memref<320000xi32, #tpu.memory_space<hbm>> -> memref<80xi32, #tpu.memory_space<hbm>>
      %dma_start3A_57 = tpu.memref_slice %arg5[%multiple_of3A] : memref<320000xi32, #tpu.memory_space<hbm>> -> memref<80xi32, #tpu.memory_space<hbm>>
      tpu.enqueue_dma source(%dma_start3A_57 : memref<80xi32, #tpu.memory_space<hbm>>) target(%arg9 : memref<80xi32, #tpu.memory_space<vmem>>) target_semaphore(%arg18 : memref<!tpu.dma_semaphore, #tpu.memory_space<semaphore_mem>>)
      %dma_start3A_58 = tpu.memref_slice %arg6[%multiple_of3A] : memref<320000xi32, #tpu.memory_space<hbm>> -> memref<80xi32, #tpu.memory_space<hbm>>
      %dma_start3A_59 = tpu.memref_slice %arg6[%multiple_of3A] : memref<320000xi32, #tpu.memory_space<hbm>> -> memref<80xi32, #tpu.memory_space<hbm>>
      tpu.enqueue_dma source(%dma_start3A_59 : memref<80xi32, #tpu.memory_space<hbm>>) target(%arg10 : memref<80xi32, #tpu.memory_space<vmem>>) target_semaphore(%arg18 : memref<!tpu.dma_semaphore, #tpu.memory_space<semaphore_mem>>)
      %dma_wait3A = tpu.memref_slice %arg5[%multiple_of3A] : memref<320000xi32, #tpu.memory_space<hbm>> -> memref<80xi32, #tpu.memory_space<hbm>>
      %dma_wait3A_60 = tpu.memref_slice %arg5[%multiple_of3A] : memref<320000xi32, #tpu.memory_space<hbm>> -> memref<80xi32, #tpu.memory_space<hbm>>
      tpu.wait_dma2 semaphore(%arg18 : memref<!tpu.dma_semaphore, #tpu.memory_space<semaphore_mem>>) src(%dma_wait3A_60 : memref<80xi32, #tpu.memory_space<hbm>>) dst(%arg9 : memref<80xi32, #tpu.memory_space<vmem>>)
      %dma_wait3A_61 = tpu.memref_slice %arg6[%multiple_of3A] : memref<320000xi32, #tpu.memory_space<hbm>> -> memref<80xi32, #tpu.memory_space<hbm>>
      %dma_wait3A_62 = tpu.memref_slice %arg6[%multiple_of3A] : memref<320000xi32, #tpu.memory_space<hbm>> -> memref<80xi32, #tpu.memory_space<hbm>>
      tpu.wait_dma2 semaphore(%arg18 : memref<!tpu.dma_semaphore, #tpu.memory_space<semaphore_mem>>) src(%dma_wait3A_62 : memref<80xi32, #tpu.memory_space<hbm>>) dst(%arg10 : memref<80xi32, #tpu.memory_space<vmem>>)
      %dma_start3A_63 = arith.constant 0 : i32
      %dma_start3A_64 = arith.constant 0 : i32
      %dma_start3A_65 = tpu.memref_slice %arg2[%dma_start3A_63, %dma_start3A_64] : memref<10000x64xf32, #tpu.memory_space<hbm>> -> memref<10000x64xf32, #tpu.memory_space<hbm>>
      tpu.enqueue_indirect_dma source(%dma_start3A_65 : memref<10000x64xf32, #tpu.memory_space<hbm>>) target(%arg13 : memref<80x64xf32, #tpu.memory_space<vmem>>) offsets(%arg9 : memref<80xi32, #tpu.memory_space<vmem>>) semaphore(%arg19 : memref<!tpu.dma_semaphore, #tpu.memory_space<semaphore_mem>>)
      %dma_start3A_66 = arith.constant 0 : i32
      %dma_start3A_67 = arith.constant 0 : i32
      %dma_start3A_68 = tpu.memref_slice %arg3[%dma_start3A_66, %dma_start3A_67] : memref<10000x16xf32, #tpu.memory_space<hbm>> -> memref<10000x16xf32, #tpu.memory_space<hbm>>
      tpu.enqueue_indirect_dma source(%dma_start3A_68 : memref<10000x16xf32, #tpu.memory_space<hbm>>) target(%arg11 : memref<80x16xf32, #tpu.memory_space<vmem>>) offsets(%arg9 : memref<80xi32, #tpu.memory_space<vmem>>) semaphore(%arg18 : memref<!tpu.dma_semaphore, #tpu.memory_space<semaphore_mem>>)
      %dma_start3A_69 = arith.constant 0 : i32
      %dma_start3A_70 = arith.constant 0 : i32
      %dma_start3A_71 = tpu.memref_slice %arg4[%dma_start3A_69, %dma_start3A_70] : memref<10000x16xf32, #tpu.memory_space<hbm>> -> memref<10000x16xf32, #tpu.memory_space<hbm>>
      tpu.enqueue_indirect_dma source(%dma_start3A_71 : memref<10000x16xf32, #tpu.memory_space<hbm>>) target(%arg12 : memref<80x16xf32, #tpu.memory_space<vmem>>) offsets(%arg10 : memref<80xi32, #tpu.memory_space<vmem>>) semaphore(%arg18 : memref<!tpu.dma_semaphore, #tpu.memory_space<semaphore_mem>>)
      %dma_wait3A_72 = arith.constant 0 : i32
      %dma_wait3A_73 = arith.constant 0 : i32
      %dma_wait3A_74 = tpu.memref_slice %arg3[%dma_wait3A_72, %dma_wait3A_73] : memref<10000x16xf32, #tpu.memory_space<hbm>> -> memref<10000x16xf32, #tpu.memory_space<hbm>>
      tpu.wait_indirect_dma semaphore(%arg18 : memref<!tpu.dma_semaphore, #tpu.memory_space<semaphore_mem>>) src(%dma_wait3A_74 : memref<10000x16xf32, #tpu.memory_space<hbm>>) dst(%arg11 : memref<80x16xf32, #tpu.memory_space<vmem>>)
      %dma_wait3A_75 = arith.constant 0 : i32
      %dma_wait3A_76 = arith.constant 0 : i32
      %dma_wait3A_77 = tpu.memref_slice %arg4[%dma_wait3A_75, %dma_wait3A_76] : memref<10000x16xf32, #tpu.memory_space<hbm>> -> memref<10000x16xf32, #tpu.memory_space<hbm>>
      tpu.wait_indirect_dma semaphore(%arg18 : memref<!tpu.dma_semaphore, #tpu.memory_space<semaphore_mem>>) src(%dma_wait3A_77 : memref<10000x16xf32, #tpu.memory_space<hbm>>) dst(%arg12 : memref<80x16xf32, #tpu.memory_space<vmem>>)
      %scan3A_78 = arith.constant 0 : i32
      %scan3A_79 = arith.constant 0 : i32
      %scan3A_80 = arith.constant 80 : i32
      %scan3A_81 = arith.addi %scan3A_79, %scan3A_80 : i32
      %scan3A_82 = arith.constant 4 : i32
      scf.for %scan3A_105 = %scan3A_79 to %scan3A_81 step %scan3A_82  : i32 {
        %get3A = arith.index_cast %scan3A_105 : i32 to index
        %get3A_106 = arith.constant 0 : index
        %get3A_107 = tpu.vector_load %arg11[%get3A, %get3A_106] {strides = array<i32>} : memref<80x16xf32, #tpu.memory_space<vmem>>, vector<1x16xf32>,
        %get3A_108 = vector.shape_cast %get3A_107 : vector<1x16xf32> to vector<16xf32>
        %get3A_109 = arith.index_cast %scan3A_105 : i32 to index
        %get3A_110 = arith.constant 0 : index
        %get3A_111 = tpu.vector_load %arg12[%get3A_109, %get3A_110] {strides = array<i32>} : memref<80x16xf32, #tpu.memory_space<vmem>>, vector<1x16xf32>,
        %get3A_112 = vector.shape_cast %get3A_111 : vector<1x16xf32> to vector<16xf32>
        %add3A_113 = arith.addf %get3A_108, %get3A_112 : vector<16xf32>
        %gt3A = arith.constant 0.000000e+00 : f32
        %gt3A_114 = vector.broadcast %gt3A : f32 to vector<16xf32>
        %gt3A_115 = arith.cmpf ogt, %add3A_113, %gt3A_114 : vector<16xf32>
        %mul3A_116 = arith.constant 2.000000e-01 : f32
        %mul3A_117 = vector.broadcast %mul3A_116 : f32 to vector<16xf32>
        %mul3A_118 = arith.mulf %mul3A_117, %add3A_113 : vector<16xf32>
        %select_n3A = arith.select %gt3A_115, %add3A_113, %mul3A_118 : vector<16xi1>, vector<16xf32>
        %exp3A = math.exp %select_n3A : vector<16xf32>
        %swap3A = arith.index_cast %scan3A_105 : i32 to index
        %swap3A_119 = arith.constant 0 : index
        %swap3A_120 = tpu.vector_load %arg12[%swap3A, %swap3A_119] {strides = array<i32>} : memref<80x16xf32, #tpu.memory_space<vmem>>, vector<1x16xf32>,
        %swap3A_121 = vector.shape_cast %swap3A_120 : vector<1x16xf32> to vector<16xf32>
        %swap3A_122 = vector.shape_cast %exp3A : vector<16xf32> to vector<1x16xf32>
        tpu.vector_store %arg12[%swap3A, %swap3A_119], %swap3A_122 {strides = array<i32>} : memref<80x16xf32, #tpu.memory_space<vmem>>, vector<1x16xf32>,
        %scan3A_123 = arith.constant 1 : i32
        %scan3A_124 = arith.addi %scan3A_105, %scan3A_123 : i32
        %get3A_125 = arith.index_cast %scan3A_124 : i32 to index
        %get3A_126 = arith.constant 0 : index
        %get3A_127 = tpu.vector_load %arg11[%get3A_125, %get3A_126] {strides = array<i32>} : memref<80x16xf32, #tpu.memory_space<vmem>>, vector<1x16xf32>,
        %get3A_128 = vector.shape_cast %get3A_127 : vector<1x16xf32> to vector<16xf32>
        %get3A_129 = arith.index_cast %scan3A_124 : i32 to index
        %get3A_130 = arith.constant 0 : index
        %get3A_131 = tpu.vector_load %arg12[%get3A_129, %get3A_130] {strides = array<i32>} : memref<80x16xf32, #tpu.memory_space<vmem>>, vector<1x16xf32>,
        %get3A_132 = vector.shape_cast %get3A_131 : vector<1x16xf32> to vector<16xf32>
        %add3A_133 = arith.addf %get3A_128, %get3A_132 : vector<16xf32>
        %gt3A_134 = arith.constant 0.000000e+00 : f32
        %gt3A_135 = vector.broadcast %gt3A_134 : f32 to vector<16xf32>
        %gt3A_136 = arith.cmpf ogt, %add3A_133, %gt3A_135 : vector<16xf32>
        %mul3A_137 = arith.constant 2.000000e-01 : f32
        %mul3A_138 = vector.broadcast %mul3A_137 : f32 to vector<16xf32>
        %mul3A_139 = arith.mulf %mul3A_138, %add3A_133 : vector<16xf32>
        %select_n3A_140 = arith.select %gt3A_136, %add3A_133, %mul3A_139 : vector<16xi1>, vector<16xf32>
        %exp3A_141 = math.exp %select_n3A_140 : vector<16xf32>
        %swap3A_142 = arith.index_cast %scan3A_124 : i32 to index
        %swap3A_143 = arith.constant 0 : index
        %swap3A_144 = tpu.vector_load %arg12[%swap3A_142, %swap3A_143] {strides = array<i32>} : memref<80x16xf32, #tpu.memory_space<vmem>>, vector<1x16xf32>,
        %swap3A_145 = vector.shape_cast %swap3A_144 : vector<1x16xf32> to vector<16xf32>
        %swap3A_146 = vector.shape_cast %exp3A_141 : vector<16xf32> to vector<1x16xf32>
        tpu.vector_store %arg12[%swap3A_142, %swap3A_143], %swap3A_146 {strides = array<i32>} : memref<80x16xf32, #tpu.memory_space<vmem>>, vector<1x16xf32>,
        %scan3A_147 = arith.constant 2 : i32
        %scan3A_148 = arith.addi %scan3A_105, %scan3A_147 : i32
        %get3A_149 = arith.index_cast %scan3A_148 : i32 to index
        %get3A_150 = arith.constant 0 : index
        %get3A_151 = tpu.vector_load %arg11[%get3A_149, %get3A_150] {strides = array<i32>} : memref<80x16xf32, #tpu.memory_space<vmem>>, vector<1x16xf32>,
        %get3A_152 = vector.shape_cast %get3A_151 : vector<1x16xf32> to vector<16xf32>
        %get3A_153 = arith.index_cast %scan3A_148 : i32 to index
        %get3A_154 = arith.constant 0 : index
        %get3A_155 = tpu.vector_load %arg12[%get3A_153, %get3A_154] {strides = array<i32>} : memref<80x16xf32, #tpu.memory_space<vmem>>, vector<1x16xf32>,
        %get3A_156 = vector.shape_cast %get3A_155 : vector<1x16xf32> to vector<16xf32>
        %add3A_157 = arith.addf %get3A_152, %get3A_156 : vector<16xf32>
        %gt3A_158 = arith.constant 0.000000e+00 : f32
        %gt3A_159 = vector.broadcast %gt3A_158 : f32 to vector<16xf32>
        %gt3A_160 = arith.cmpf ogt, %add3A_157, %gt3A_159 : vector<16xf32>
        %mul3A_161 = arith.constant 2.000000e-01 : f32
        %mul3A_162 = vector.broadcast %mul3A_161 : f32 to vector<16xf32>
        %mul3A_163 = arith.mulf %mul3A_162, %add3A_157 : vector<16xf32>
        %select_n3A_164 = arith.select %gt3A_160, %add3A_157, %mul3A_163 : vector<16xi1>, vector<16xf32>
        %exp3A_165 = math.exp %select_n3A_164 : vector<16xf32>
        %swap3A_166 = arith.index_cast %scan3A_148 : i32 to index
        %swap3A_167 = arith.constant 0 : index
        %swap3A_168 = tpu.vector_load %arg12[%swap3A_166, %swap3A_167] {strides = array<i32>} : memref<80x16xf32, #tpu.memory_space<vmem>>, vector<1x16xf32>,
        %swap3A_169 = vector.shape_cast %swap3A_168 : vector<1x16xf32> to vector<16xf32>
        %swap3A_170 = vector.shape_cast %exp3A_165 : vector<16xf32> to vector<1x16xf32>
        tpu.vector_store %arg12[%swap3A_166, %swap3A_167], %swap3A_170 {strides = array<i32>} : memref<80x16xf32, #tpu.memory_space<vmem>>, vector<1x16xf32>,
        %scan3A_171 = arith.constant 3 : i32
        %scan3A_172 = arith.addi %scan3A_105, %scan3A_171 : i32
        %get3A_173 = arith.index_cast %scan3A_172 : i32 to index
        %get3A_174 = arith.constant 0 : index
        %get3A_175 = tpu.vector_load %arg11[%get3A_173, %get3A_174] {strides = array<i32>} : memref<80x16xf32, #tpu.memory_space<vmem>>, vector<1x16xf32>,
        %get3A_176 = vector.shape_cast %get3A_175 : vector<1x16xf32> to vector<16xf32>
        %get3A_177 = arith.index_cast %scan3A_172 : i32 to index
        %get3A_178 = arith.constant 0 : index
        %get3A_179 = tpu.vector_load %arg12[%get3A_177, %get3A_178] {strides = array<i32>} : memref<80x16xf32, #tpu.memory_space<vmem>>, vector<1x16xf32>,
        %get3A_180 = vector.shape_cast %get3A_179 : vector<1x16xf32> to vector<16xf32>
        %add3A_181 = arith.addf %get3A_176, %get3A_180 : vector<16xf32>
        %gt3A_182 = arith.constant 0.000000e+00 : f32
        %gt3A_183 = vector.broadcast %gt3A_182 : f32 to vector<16xf32>
        %gt3A_184 = arith.cmpf ogt, %add3A_181, %gt3A_183 : vector<16xf32>
        %mul3A_185 = arith.constant 2.000000e-01 : f32
        %mul3A_186 = vector.broadcast %mul3A_185 : f32 to vector<16xf32>
        %mul3A_187 = arith.mulf %mul3A_186, %add3A_181 : vector<16xf32>
        %select_n3A_188 = arith.select %gt3A_184, %add3A_181, %mul3A_187 : vector<16xi1>, vector<16xf32>
        %exp3A_189 = math.exp %select_n3A_188 : vector<16xf32>
        %swap3A_190 = arith.index_cast %scan3A_172 : i32 to index
        %swap3A_191 = arith.constant 0 : index
        %swap3A_192 = tpu.vector_load %arg12[%swap3A_190, %swap3A_191] {strides = array<i32>} : memref<80x16xf32, #tpu.memory_space<vmem>>, vector<1x16xf32>,
        %swap3A_193 = vector.shape_cast %swap3A_192 : vector<1x16xf32> to vector<16xf32>
        %swap3A_194 = vector.shape_cast %exp3A_189 : vector<16xf32> to vector<1x16xf32>
        tpu.vector_store %arg12[%swap3A_190, %swap3A_191], %swap3A_194 {strides = array<i32>} : memref<80x16xf32, #tpu.memory_space<vmem>>, vector<1x16xf32>,
      }
      %scan3A_83 = arith.constant 80 : i32
      %dma_start3A_84 = arith.constant 0 : i32
      %dma_start3A_85 = arith.constant 0 : i32
      %dma_start3A_86 = tpu.memref_slice %arg17[%dma_start3A_84, %dma_start3A_85] : memref<10000x16xf32, #tpu.memory_space<vmem_shared>> -> memref<10000x16xf32, #tpu.memory_space<vmem_shared>>
      tpu.enqueue_indirect_dma source(%arg12 : memref<80x16xf32, #tpu.memory_space<vmem>>) target(%dma_start3A_86 : memref<10000x16xf32, #tpu.memory_space<vmem_shared>>) offsets(%arg10 : memref<80xi32, #tpu.memory_space<vmem>>) semaphore(%arg20 : memref<!tpu.dma_semaphore, #tpu.memory_space<semaphore_mem>>) {add = true}
      %dma_wait3A_87 = arith.constant 0 : i32
      %dma_wait3A_88 = arith.constant 0 : i32
      %dma_wait3A_89 = tpu.memref_slice %arg2[%dma_wait3A_87, %dma_wait3A_88] : memref<10000x64xf32, #tpu.memory_space<hbm>> -> memref<10000x64xf32, #tpu.memory_space<hbm>>
      tpu.wait_indirect_dma semaphore(%arg19 : memref<!tpu.dma_semaphore, #tpu.memory_space<semaphore_mem>>) src(%dma_wait3A_89 : memref<10000x64xf32, #tpu.memory_space<hbm>>) dst(%arg13 : memref<80x64xf32, #tpu.memory_space<vmem>>)
      %scan3A_90 = arith.constant 0 : i32
      %scan3A_91 = arith.constant 0 : i32
      %scan3A_92 = arith.constant 80 : i32
      %scan3A_93 = arith.addi %scan3A_91, %scan3A_92 : i32
      %scan3A_94 = arith.constant 4 : i32
      scf.for %scan3A_105 = %scan3A_91 to %scan3A_93 step %scan3A_94  : i32 {
        %get3A = arith.index_cast %scan3A_105 : i32 to index
        %get3A_106 = arith.constant 0 : index
        %get3A_107 = tpu.vector_load %arg12[%get3A, %get3A_106] {strides = array<i32>} : memref<80x16xf32, #tpu.memory_space<vmem>>, vector<1x16xf32>,
        %get3A_108 = vector.shape_cast %get3A_107 : vector<1x16xf32> to vector<16xf32>
        %slice3A = vector.extract_strided_slice %get3A_108 {offsets = [0], sizes = [1], strides = [1]} : vector<16xf32> to vector<1xf32>
        %squeeze3A = vector.extract %slice3A[0] : f32 from vector<1xf32>
        %get3A_109 = arith.index_cast %scan3A_105 : i32 to index
        %get3A_110 = arith.constant 0 : index
        %get3A_111 = tpu.vector_load %arg13[%get3A_109, %get3A_110] {strides = array<i32>} : memref<80x64xf32, #tpu.memory_space<vmem>>, vector<1x16xf32>,
        %get3A_112 = vector.shape_cast %get3A_111 : vector<1x16xf32> to vector<16xf32>
        %mul3A_113 = vector.broadcast %squeeze3A : f32 to vector<16xf32>
        %mul3A_114 = arith.mulf %get3A_112, %mul3A_113 : vector<16xf32>
        %swap3A = arith.index_cast %scan3A_105 : i32 to index
        %swap3A_115 = arith.constant 0 : index
        %swap3A_116 = tpu.vector_load %arg13[%swap3A, %swap3A_115] {strides = array<i32>} : memref<80x64xf32, #tpu.memory_space<vmem>>, vector<1x16xf32>,
        %swap3A_117 = vector.shape_cast %swap3A_116 : vector<1x16xf32> to vector<16xf32>
        %swap3A_118 = vector.shape_cast %mul3A_114 : vector<16xf32> to vector<1x16xf32>
        tpu.vector_store %arg13[%swap3A, %swap3A_115], %swap3A_118 {strides = array<i32>} : memref<80x64xf32, #tpu.memory_space<vmem>>, vector<1x16xf32>,
        %slice3A_119 = vector.extract_strided_slice %get3A_108 {offsets = [0], sizes = [1], strides = [1]} : vector<16xf32> to vector<1xf32>
        %squeeze3A_120 = vector.extract %slice3A_119[0] : f32 from vector<1xf32>
        %get3A_121 = arith.index_cast %scan3A_105 : i32 to index
        %get3A_122 = arith.constant 16 : index
        %get3A_123 = tpu.vector_load %arg13[%get3A_121, %get3A_122] {strides = array<i32>} : memref<80x64xf32, #tpu.memory_space<vmem>>, vector<1x16xf32>,
        %get3A_124 = vector.shape_cast %get3A_123 : vector<1x16xf32> to vector<16xf32>
        %mul3A_125 = vector.broadcast %squeeze3A_120 : f32 to vector<16xf32>
        %mul3A_126 = arith.mulf %get3A_124, %mul3A_125 : vector<16xf32>
        %swap3A_127 = arith.index_cast %scan3A_105 : i32 to index
        %swap3A_128 = arith.constant 16 : index
        %swap3A_129 = tpu.vector_load %arg13[%swap3A_127, %swap3A_128] {strides = array<i32>} : memref<80x64xf32, #tpu.memory_space<vmem>>, vector<1x16xf32>,
        %swap3A_130 = vector.shape_cast %swap3A_129 : vector<1x16xf32> to vector<16xf32>
        %swap3A_131 = vector.shape_cast %mul3A_126 : vector<16xf32> to vector<1x16xf32>
        tpu.vector_store %arg13[%swap3A_127, %swap3A_128], %swap3A_131 {strides = array<i32>} : memref<80x64xf32, #tpu.memory_space<vmem>>, vector<1x16xf32>,
        %slice3A_132 = vector.extract_strided_slice %get3A_108 {offsets = [0], sizes = [1], strides = [1]} : vector<16xf32> to vector<1xf32>
        %squeeze3A_133 = vector.extract %slice3A_132[0] : f32 from vector<1xf32>
        %get3A_134 = arith.index_cast %scan3A_105 : i32 to index
        %get3A_135 = arith.constant 32 : index
        %get3A_136 = tpu.vector_load %arg13[%get3A_134, %get3A_135] {strides = array<i32>} : memref<80x64xf32, #tpu.memory_space<vmem>>, vector<1x16xf32>,
        %get3A_137 = vector.shape_cast %get3A_136 : vector<1x16xf32> to vector<16xf32>
        %mul3A_138 = vector.broadcast %squeeze3A_133 : f32 to vector<16xf32>
        %mul3A_139 = arith.mulf %get3A_137, %mul3A_138 : vector<16xf32>
        %swap3A_140 = arith.index_cast %scan3A_105 : i32 to index
        %swap3A_141 = arith.constant 32 : index
        %swap3A_142 = tpu.vector_load %arg13[%swap3A_140, %swap3A_141] {strides = array<i32>} : memref<80x64xf32, #tpu.memory_space<vmem>>, vector<1x16xf32>,
        %swap3A_143 = vector.shape_cast %swap3A_142 : vector<1x16xf32> to vector<16xf32>
        %swap3A_144 = vector.shape_cast %mul3A_139 : vector<16xf32> to vector<1x16xf32>
        tpu.vector_store %arg13[%swap3A_140, %swap3A_141], %swap3A_144 {strides = array<i32>} : memref<80x64xf32, #tpu.memory_space<vmem>>, vector<1x16xf32>,
        %slice3A_145 = vector.extract_strided_slice %get3A_108 {offsets = [0], sizes = [1], strides = [1]} : vector<16xf32> to vector<1xf32>
        %squeeze3A_146 = vector.extract %slice3A_145[0] : f32 from vector<1xf32>
        %get3A_147 = arith.index_cast %scan3A_105 : i32 to index
        %get3A_148 = arith.constant 48 : index
        %get3A_149 = tpu.vector_load %arg13[%get3A_147, %get3A_148] {strides = array<i32>} : memref<80x64xf32, #tpu.memory_space<vmem>>, vector<1x16xf32>,
        %get3A_150 = vector.shape_cast %get3A_149 : vector<1x16xf32> to vector<16xf32>
        %mul3A_151 = vector.broadcast %squeeze3A_146 : f32 to vector<16xf32>
        %mul3A_152 = arith.mulf %get3A_150, %mul3A_151 : vector<16xf32>
        %swap3A_153 = arith.index_cast %scan3A_105 : i32 to index
        %swap3A_154 = arith.constant 48 : index
        %swap3A_155 = tpu.vector_load %arg13[%swap3A_153, %swap3A_154] {strides = array<i32>} : memref<80x64xf32, #tpu.memory_space<vmem>>, vector<1x16xf32>,
        %swap3A_156 = vector.shape_cast %swap3A_155 : vector<1x16xf32> to vector<16xf32>
        %swap3A_157 = vector.shape_cast %mul3A_152 : vector<16xf32> to vector<1x16xf32>
        tpu.vector_store %arg13[%swap3A_153, %swap3A_154], %swap3A_157 {strides = array<i32>} : memref<80x64xf32, #tpu.memory_space<vmem>>, vector<1x16xf32>,
        %scan3A_158 = arith.constant 1 : i32
        %scan3A_159 = arith.addi %scan3A_105, %scan3A_158 : i32
        %get3A_160 = arith.index_cast %scan3A_159 : i32 to index
        %get3A_161 = arith.constant 0 : index
        %get3A_162 = tpu.vector_load %arg12[%get3A_160, %get3A_161] {strides = array<i32>} : memref<80x16xf32, #tpu.memory_space<vmem>>, vector<1x16xf32>,
        %get3A_163 = vector.shape_cast %get3A_162 : vector<1x16xf32> to vector<16xf32>
        %slice3A_164 = vector.extract_strided_slice %get3A_163 {offsets = [0], sizes = [1], strides = [1]} : vector<16xf32> to vector<1xf32>
        %squeeze3A_165 = vector.extract %slice3A_164[0] : f32 from vector<1xf32>
        %get3A_166 = arith.index_cast %scan3A_159 : i32 to index
        %get3A_167 = arith.constant 0 : index
        %get3A_168 = tpu.vector_load %arg13[%get3A_166, %get3A_167] {strides = array<i32>} : memref<80x64xf32, #tpu.memory_space<vmem>>, vector<1x16xf32>,
        %get3A_169 = vector.shape_cast %get3A_168 : vector<1x16xf32> to vector<16xf32>
        %mul3A_170 = vector.broadcast %squeeze3A_165 : f32 to vector<16xf32>
        %mul3A_171 = arith.mulf %get3A_169, %mul3A_170 : vector<16xf32>
        %swap3A_172 = arith.index_cast %scan3A_159 : i32 to index
        %swap3A_173 = arith.constant 0 : index
        %swap3A_174 = tpu.vector_load %arg13[%swap3A_172, %swap3A_173] {strides = array<i32>} : memref<80x64xf32, #tpu.memory_space<vmem>>, vector<1x16xf32>,
        %swap3A_175 = vector.shape_cast %swap3A_174 : vector<1x16xf32> to vector<16xf32>
        %swap3A_176 = vector.shape_cast %mul3A_171 : vector<16xf32> to vector<1x16xf32>
        tpu.vector_store %arg13[%swap3A_172, %swap3A_173], %swap3A_176 {strides = array<i32>} : memref<80x64xf32, #tpu.memory_space<vmem>>, vector<1x16xf32>,
        %slice3A_177 = vector.extract_strided_slice %get3A_163 {offsets = [0], sizes = [1], strides = [1]} : vector<16xf32> to vector<1xf32>
        %squeeze3A_178 = vector.extract %slice3A_177[0] : f32 from vector<1xf32>
        %get3A_179 = arith.index_cast %scan3A_159 : i32 to index
        %get3A_180 = arith.constant 16 : index
        %get3A_181 = tpu.vector_load %arg13[%get3A_179, %get3A_180] {strides = array<i32>} : memref<80x64xf32, #tpu.memory_space<vmem>>, vector<1x16xf32>,
        %get3A_182 = vector.shape_cast %get3A_181 : vector<1x16xf32> to vector<16xf32>
        %mul3A_183 = vector.broadcast %squeeze3A_178 : f32 to vector<16xf32>
        %mul3A_184 = arith.mulf %get3A_182, %mul3A_183 : vector<16xf32>
        %swap3A_185 = arith.index_cast %scan3A_159 : i32 to index
        %swap3A_186 = arith.constant 16 : index
        %swap3A_187 = tpu.vector_load %arg13[%swap3A_185, %swap3A_186] {strides = array<i32>} : memref<80x64xf32, #tpu.memory_space<vmem>>, vector<1x16xf32>,
        %swap3A_188 = vector.shape_cast %swap3A_187 : vector<1x16xf32> to vector<16xf32>
        %swap3A_189 = vector.shape_cast %mul3A_184 : vector<16xf32> to vector<1x16xf32>
        tpu.vector_store %arg13[%swap3A_185, %swap3A_186], %swap3A_189 {strides = array<i32>} : memref<80x64xf32, #tpu.memory_space<vmem>>, vector<1x16xf32>,
        %slice3A_190 = vector.extract_strided_slice %get3A_163 {offsets = [0], sizes = [1], strides = [1]} : vector<16xf32> to vector<1xf32>
        %squeeze3A_191 = vector.extract %slice3A_190[0] : f32 from vector<1xf32>
        %get3A_192 = arith.index_cast %scan3A_159 : i32 to index
        %get3A_193 = arith.constant 32 : index
        %get3A_194 = tpu.vector_load %arg13[%get3A_192, %get3A_193] {strides = array<i32>} : memref<80x64xf32, #tpu.memory_space<vmem>>, vector<1x16xf32>,
        %get3A_195 = vector.shape_cast %get3A_194 : vector<1x16xf32> to vector<16xf32>
        %mul3A_196 = vector.broadcast %squeeze3A_191 : f32 to vector<16xf32>
        %mul3A_197 = arith.mulf %get3A_195, %mul3A_196 : vector<16xf32>
        %swap3A_198 = arith.index_cast %scan3A_159 : i32 to index
        %swap3A_199 = arith.constant 32 : index
        %swap3A_200 = tpu.vector_load %arg13[%swap3A_198, %swap3A_199] {strides = array<i32>} : memref<80x64xf32, #tpu.memory_space<vmem>>, vector<1x16xf32>,
        %swap3A_201 = vector.shape_cast %swap3A_200 : vector<1x16xf32> to vector<16xf32>
        %swap3A_202 = vector.shape_cast %mul3A_197 : vector<16xf32> to vector<1x16xf32>
        tpu.vector_store %arg13[%swap3A_198, %swap3A_199], %swap3A_202 {strides = array<i32>} : memref<80x64xf32, #tpu.memory_space<vmem>>, vector<1x16xf32>,
        %slice3A_203 = vector.extract_strided_slice %get3A_163 {offsets = [0], sizes = [1], strides = [1]} : vector<16xf32> to vector<1xf32>
        %squeeze3A_204 = vector.extract %slice3A_203[0] : f32 from vector<1xf32>
        %get3A_205 = arith.index_cast %scan3A_159 : i32 to index
        %get3A_206 = arith.constant 48 : index
        %get3A_207 = tpu.vector_load %arg13[%get3A_205, %get3A_206] {strides = array<i32>} : memref<80x64xf32, #tpu.memory_space<vmem>>, vector<1x16xf32>,
        %get3A_208 = vector.shape_cast %get3A_207 : vector<1x16xf32> to vector<16xf32>
        %mul3A_209 = vector.broadcast %squeeze3A_204 : f32 to vector<16xf32>
        %mul3A_210 = arith.mulf %get3A_208, %mul3A_209 : vector<16xf32>
        %swap3A_211 = arith.index_cast %scan3A_159 : i32 to index
        %swap3A_212 = arith.constant 48 : index
        %swap3A_213 = tpu.vector_load %arg13[%swap3A_211, %swap3A_212] {strides = array<i32>} : memref<80x64xf32, #tpu.memory_space<vmem>>, vector<1x16xf32>,
        %swap3A_214 = vector.shape_cast %swap3A_213 : vector<1x16xf32> to vector<16xf32>
        %swap3A_215 = vector.shape_cast %mul3A_210 : vector<16xf32> to vector<1x16xf32>
        tpu.vector_store %arg13[%swap3A_211, %swap3A_212], %swap3A_215 {strides = array<i32>} : memref<80x64xf32, #tpu.memory_space<vmem>>, vector<1x16xf32>,
        %scan3A_216 = arith.constant 2 : i32
        %scan3A_217 = arith.addi %scan3A_105, %scan3A_216 : i32
        %get3A_218 = arith.index_cast %scan3A_217 : i32 to index
        %get3A_219 = arith.constant 0 : index
        %get3A_220 = tpu.vector_load %arg12[%get3A_218, %get3A_219] {strides = array<i32>} : memref<80x16xf32, #tpu.memory_space<vmem>>, vector<1x16xf32>,
        %get3A_221 = vector.shape_cast %get3A_220 : vector<1x16xf32> to vector<16xf32>
        %slice3A_222 = vector.extract_strided_slice %get3A_221 {offsets = [0], sizes = [1], strides = [1]} : vector<16xf32> to vector<1xf32>
        %squeeze3A_223 = vector.extract %slice3A_222[0] : f32 from vector<1xf32>
        %get3A_224 = arith.index_cast %scan3A_217 : i32 to index
        %get3A_225 = arith.constant 0 : index
        %get3A_226 = tpu.vector_load %arg13[%get3A_224, %get3A_225] {strides = array<i32>} : memref<80x64xf32, #tpu.memory_space<vmem>>, vector<1x16xf32>,
        %get3A_227 = vector.shape_cast %get3A_226 : vector<1x16xf32> to vector<16xf32>
        %mul3A_228 = vector.broadcast %squeeze3A_223 : f32 to vector<16xf32>
        %mul3A_229 = arith.mulf %get3A_227, %mul3A_228 : vector<16xf32>
        %swap3A_230 = arith.index_cast %scan3A_217 : i32 to index
        %swap3A_231 = arith.constant 0 : index
        %swap3A_232 = tpu.vector_load %arg13[%swap3A_230, %swap3A_231] {strides = array<i32>} : memref<80x64xf32, #tpu.memory_space<vmem>>, vector<1x16xf32>,
        %swap3A_233 = vector.shape_cast %swap3A_232 : vector<1x16xf32> to vector<16xf32>
        %swap3A_234 = vector.shape_cast %mul3A_229 : vector<16xf32> to vector<1x16xf32>
        tpu.vector_store %arg13[%swap3A_230, %swap3A_231], %swap3A_234 {strides = array<i32>} : memref<80x64xf32, #tpu.memory_space<vmem>>, vector<1x16xf32>,
        %slice3A_235 = vector.extract_strided_slice %get3A_221 {offsets = [0], sizes = [1], strides = [1]} : vector<16xf32> to vector<1xf32>
        %squeeze3A_236 = vector.extract %slice3A_235[0] : f32 from vector<1xf32>
        %get3A_237 = arith.index_cast %scan3A_217 : i32 to index
        %get3A_238 = arith.constant 16 : index
        %get3A_239 = tpu.vector_load %arg13[%get3A_237, %get3A_238] {strides = array<i32>} : memref<80x64xf32, #tpu.memory_space<vmem>>, vector<1x16xf32>,
        %get3A_240 = vector.shape_cast %get3A_239 : vector<1x16xf32> to vector<16xf32>
        %mul3A_241 = vector.broadcast %squeeze3A_236 : f32 to vector<16xf32>
        %mul3A_242 = arith.mulf %get3A_240, %mul3A_241 : vector<16xf32>
        %swap3A_243 = arith.index_cast %scan3A_217 : i32 to index
        %swap3A_244 = arith.constant 16 : index
        %swap3A_245 = tpu.vector_load %arg13[%swap3A_243, %swap3A_244] {strides = array<i32>} : memref<80x64xf32, #tpu.memory_space<vmem>>, vector<1x16xf32>,
        %swap3A_246 = vector.shape_cast %swap3A_245 : vector<1x16xf32> to vector<16xf32>
        %swap3A_247 = vector.shape_cast %mul3A_242 : vector<16xf32> to vector<1x16xf32>
        tpu.vector_store %arg13[%swap3A_243, %swap3A_244], %swap3A_247 {strides = array<i32>} : memref<80x64xf32, #tpu.memory_space<vmem>>, vector<1x16xf32>,
        %slice3A_248 = vector.extract_strided_slice %get3A_221 {offsets = [0], sizes = [1], strides = [1]} : vector<16xf32> to vector<1xf32>
        %squeeze3A_249 = vector.extract %slice3A_248[0] : f32 from vector<1xf32>
        %get3A_250 = arith.index_cast %scan3A_217 : i32 to index
        %get3A_251 = arith.constant 32 : index
        %get3A_252 = tpu.vector_load %arg13[%get3A_250, %get3A_251] {strides = array<i32>} : memref<80x64xf32, #tpu.memory_space<vmem>>, vector<1x16xf32>,
        %get3A_253 = vector.shape_cast %get3A_252 : vector<1x16xf32> to vector<16xf32>
        %mul3A_254 = vector.broadcast %squeeze3A_249 : f32 to vector<16xf32>
        %mul3A_255 = arith.mulf %get3A_253, %mul3A_254 : vector<16xf32>
        %swap3A_256 = arith.index_cast %scan3A_217 : i32 to index
        %swap3A_257 = arith.constant 32 : index
        %swap3A_258 = tpu.vector_load %arg13[%swap3A_256, %swap3A_257] {strides = array<i32>} : memref<80x64xf32, #tpu.memory_space<vmem>>, vector<1x16xf32>,
        %swap3A_259 = vector.shape_cast %swap3A_258 : vector<1x16xf32> to vector<16xf32>
        %swap3A_260 = vector.shape_cast %mul3A_255 : vector<16xf32> to vector<1x16xf32>
        tpu.vector_store %arg13[%swap3A_256, %swap3A_257], %swap3A_260 {strides = array<i32>} : memref<80x64xf32, #tpu.memory_space<vmem>>, vector<1x16xf32>,
        %slice3A_261 = vector.extract_strided_slice %get3A_221 {offsets = [0], sizes = [1], strides = [1]} : vector<16xf32> to vector<1xf32>
        %squeeze3A_262 = vector.extract %slice3A_261[0] : f32 from vector<1xf32>
        %get3A_263 = arith.index_cast %scan3A_217 : i32 to index
        %get3A_264 = arith.constant 48 : index
        %get3A_265 = tpu.vector_load %arg13[%get3A_263, %get3A_264] {strides = array<i32>} : memref<80x64xf32, #tpu.memory_space<vmem>>, vector<1x16xf32>,
        %get3A_266 = vector.shape_cast %get3A_265 : vector<1x16xf32> to vector<16xf32>
        %mul3A_267 = vector.broadcast %squeeze3A_262 : f32 to vector<16xf32>
        %mul3A_268 = arith.mulf %get3A_266, %mul3A_267 : vector<16xf32>
        %swap3A_269 = arith.index_cast %scan3A_217 : i32 to index
        %swap3A_270 = arith.constant 48 : index
        %swap3A_271 = tpu.vector_load %arg13[%swap3A_269, %swap3A_270] {strides = array<i32>} : memref<80x64xf32, #tpu.memory_space<vmem>>, vector<1x16xf32>,
        %swap3A_272 = vector.shape_cast %swap3A_271 : vector<1x16xf32> to vector<16xf32>
        %swap3A_273 = vector.shape_cast %mul3A_268 : vector<16xf32> to vector<1x16xf32>
        tpu.vector_store %arg13[%swap3A_269, %swap3A_270], %swap3A_273 {strides = array<i32>} : memref<80x64xf32, #tpu.memory_space<vmem>>, vector<1x16xf32>,
        %scan3A_274 = arith.constant 3 : i32
        %scan3A_275 = arith.addi %scan3A_105, %scan3A_274 : i32
        %get3A_276 = arith.index_cast %scan3A_275 : i32 to index
        %get3A_277 = arith.constant 0 : index
        %get3A_278 = tpu.vector_load %arg12[%get3A_276, %get3A_277] {strides = array<i32>} : memref<80x16xf32, #tpu.memory_space<vmem>>, vector<1x16xf32>,
        %get3A_279 = vector.shape_cast %get3A_278 : vector<1x16xf32> to vector<16xf32>
        %slice3A_280 = vector.extract_strided_slice %get3A_279 {offsets = [0], sizes = [1], strides = [1]} : vector<16xf32> to vector<1xf32>
        %squeeze3A_281 = vector.extract %slice3A_280[0] : f32 from vector<1xf32>
        %get3A_282 = arith.index_cast %scan3A_275 : i32 to index
        %get3A_283 = arith.constant 0 : index
        %get3A_284 = tpu.vector_load %arg13[%get3A_282, %get3A_283] {strides = array<i32>} : memref<80x64xf32, #tpu.memory_space<vmem>>, vector<1x16xf32>,
        %get3A_285 = vector.shape_cast %get3A_284 : vector<1x16xf32> to vector<16xf32>
        %mul3A_286 = vector.broadcast %squeeze3A_281 : f32 to vector<16xf32>
        %mul3A_287 = arith.mulf %get3A_285, %mul3A_286 : vector<16xf32>
        %swap3A_288 = arith.index_cast %scan3A_275 : i32 to index
        %swap3A_289 = arith.constant 0 : index
        %swap3A_290 = tpu.vector_load %arg13[%swap3A_288, %swap3A_289] {strides = array<i32>} : memref<80x64xf32, #tpu.memory_space<vmem>>, vector<1x16xf32>,
        %swap3A_291 = vector.shape_cast %swap3A_290 : vector<1x16xf32> to vector<16xf32>
        %swap3A_292 = vector.shape_cast %mul3A_287 : vector<16xf32> to vector<1x16xf32>
        tpu.vector_store %arg13[%swap3A_288, %swap3A_289], %swap3A_292 {strides = array<i32>} : memref<80x64xf32, #tpu.memory_space<vmem>>, vector<1x16xf32>,
        %slice3A_293 = vector.extract_strided_slice %get3A_279 {offsets = [0], sizes = [1], strides = [1]} : vector<16xf32> to vector<1xf32>
        %squeeze3A_294 = vector.extract %slice3A_293[0] : f32 from vector<1xf32>
        %get3A_295 = arith.index_cast %scan3A_275 : i32 to index
        %get3A_296 = arith.constant 16 : index
        %get3A_297 = tpu.vector_load %arg13[%get3A_295, %get3A_296] {strides = array<i32>} : memref<80x64xf32, #tpu.memory_space<vmem>>, vector<1x16xf32>,
        %get3A_298 = vector.shape_cast %get3A_297 : vector<1x16xf32> to vector<16xf32>
        %mul3A_299 = vector.broadcast %squeeze3A_294 : f32 to vector<16xf32>
        %mul3A_300 = arith.mulf %get3A_298, %mul3A_299 : vector<16xf32>
        %swap3A_301 = arith.index_cast %scan3A_275 : i32 to index
        %swap3A_302 = arith.constant 16 : index
        %swap3A_303 = tpu.vector_load %arg13[%swap3A_301, %swap3A_302] {strides = array<i32>} : memref<80x64xf32, #tpu.memory_space<vmem>>, vector<1x16xf32>,
        %swap3A_304 = vector.shape_cast %swap3A_303 : vector<1x16xf32> to vector<16xf32>
        %swap3A_305 = vector.shape_cast %mul3A_300 : vector<16xf32> to vector<1x16xf32>
        tpu.vector_store %arg13[%swap3A_301, %swap3A_302], %swap3A_305 {strides = array<i32>} : memref<80x64xf32, #tpu.memory_space<vmem>>, vector<1x16xf32>,
        %slice3A_306 = vector.extract_strided_slice %get3A_279 {offsets = [0], sizes = [1], strides = [1]} : vector<16xf32> to vector<1xf32>
        %squeeze3A_307 = vector.extract %slice3A_306[0] : f32 from vector<1xf32>
        %get3A_308 = arith.index_cast %scan3A_275 : i32 to index
        %get3A_309 = arith.constant 32 : index
        %get3A_310 = tpu.vector_load %arg13[%get3A_308, %get3A_309] {strides = array<i32>} : memref<80x64xf32, #tpu.memory_space<vmem>>, vector<1x16xf32>,
        %get3A_311 = vector.shape_cast %get3A_310 : vector<1x16xf32> to vector<16xf32>
        %mul3A_312 = vector.broadcast %squeeze3A_307 : f32 to vector<16xf32>
        %mul3A_313 = arith.mulf %get3A_311, %mul3A_312 : vector<16xf32>
        %swap3A_314 = arith.index_cast %scan3A_275 : i32 to index
        %swap3A_315 = arith.constant 32 : index
        %swap3A_316 = tpu.vector_load %arg13[%swap3A_314, %swap3A_315] {strides = array<i32>} : memref<80x64xf32, #tpu.memory_space<vmem>>, vector<1x16xf32>,
        %swap3A_317 = vector.shape_cast %swap3A_316 : vector<1x16xf32> to vector<16xf32>
        %swap3A_318 = vector.shape_cast %mul3A_313 : vector<16xf32> to vector<1x16xf32>
        tpu.vector_store %arg13[%swap3A_314, %swap3A_315], %swap3A_318 {strides = array<i32>} : memref<80x64xf32, #tpu.memory_space<vmem>>, vector<1x16xf32>,
        %slice3A_319 = vector.extract_strided_slice %get3A_279 {offsets = [0], sizes = [1], strides = [1]} : vector<16xf32> to vector<1xf32>
        %squeeze3A_320 = vector.extract %slice3A_319[0] : f32 from vector<1xf32>
        %get3A_321 = arith.index_cast %scan3A_275 : i32 to index
        %get3A_322 = arith.constant 48 : index
        %get3A_323 = tpu.vector_load %arg13[%get3A_321, %get3A_322] {strides = array<i32>} : memref<80x64xf32, #tpu.memory_space<vmem>>, vector<1x16xf32>,
        %get3A_324 = vector.shape_cast %get3A_323 : vector<1x16xf32> to vector<16xf32>
        %mul3A_325 = vector.broadcast %squeeze3A_320 : f32 to vector<16xf32>
        %mul3A_326 = arith.mulf %get3A_324, %mul3A_325 : vector<16xf32>
        %swap3A_327 = arith.index_cast %scan3A_275 : i32 to index
        %swap3A_328 = arith.constant 48 : index
        %swap3A_329 = tpu.vector_load %arg13[%swap3A_327, %swap3A_328] {strides = array<i32>} : memref<80x64xf32, #tpu.memory_space<vmem>>, vector<1x16xf32>,
        %swap3A_330 = vector.shape_cast %swap3A_329 : vector<1x16xf32> to vector<16xf32>
        %swap3A_331 = vector.shape_cast %mul3A_326 : vector<16xf32> to vector<1x16xf32>
        tpu.vector_store %arg13[%swap3A_327, %swap3A_328], %swap3A_331 {strides = array<i32>} : memref<80x64xf32, #tpu.memory_space<vmem>>, vector<1x16xf32>,
      }
      %scan3A_95 = arith.constant 80 : i32
      %dma_start3A_96 = arith.constant 0 : i32
      %dma_start3A_97 = arith.constant 0 : i32
      %dma_start3A_98 = tpu.memref_slice %arg16[%dma_start3A_96, %dma_start3A_97] : memref<10000x64xf32, #tpu.memory_space<vmem_shared>> -> memref<10000x64xf32, #tpu.memory_space<vmem_shared>>
      tpu.enqueue_indirect_dma source(%arg13 : memref<80x64xf32, #tpu.memory_space<vmem>>) target(%dma_start3A_98 : memref<10000x64xf32, #tpu.memory_space<vmem_shared>>) offsets(%arg10 : memref<80xi32, #tpu.memory_space<vmem>>) semaphore(%arg20 : memref<!tpu.dma_semaphore, #tpu.memory_space<semaphore_mem>>) {add = true}
      %dma_wait3A_99 = arith.constant 0 : i32
      %dma_wait3A_100 = arith.constant 0 : i32
      %dma_wait3A_101 = tpu.memref_slice %arg17[%dma_wait3A_99, %dma_wait3A_100] : memref<10000x16xf32, #tpu.memory_space<vmem_shared>> -> memref<10000x16xf32, #tpu.memory_space<vmem_shared>>
      tpu.wait_indirect_dma semaphore(%arg20 : memref<!tpu.dma_semaphore, #tpu.memory_space<semaphore_mem>>) src(%arg12 : memref<80x16xf32, #tpu.memory_space<vmem>>) dst(%dma_wait3A_101 : memref<10000x16xf32, #tpu.memory_space<vmem_shared>>)
      %dma_wait3A_102 = arith.constant 0 : i32
      %dma_wait3A_103 = arith.constant 0 : i32
      %dma_wait3A_104 = tpu.memref_slice %arg16[%dma_wait3A_102, %dma_wait3A_103] : memref<10000x64xf32, #tpu.memory_space<vmem_shared>> -> memref<10000x64xf32, #tpu.memory_space<vmem_shared>>
      tpu.wait_indirect_dma semaphore(%arg20 : memref<!tpu.dma_semaphore, #tpu.memory_space<semaphore_mem>>) src(%arg13 : memref<80x64xf32, #tpu.memory_space<vmem>>) dst(%dma_wait3A_104 : memref<10000x64xf32, #tpu.memory_space<vmem_shared>>)
    }
    %scan3A_31 = arith.constant 125 : i32
    %barrier3A_32 = arith.constant 0 : index
    tpu.barrier barrier_id(%barrier3A_32)
    %add3A_33 = arith.constant 0 : i32
    %add3A_34 = arith.addi %mul3A_2, %add3A_33 : i32
    "tpu.region"() ({
      %run_scoped3A = tpu.sem_alloc : memref<!tpu.dma_semaphore, #tpu.memory_space<semaphore_mem>>
      %dma_start3A = arith.constant 0 : i32
      %dma_start3A_53 = tpu.memref_slice %arg16[%add3A_34, %dma_start3A] : memref<10000x64xf32, #tpu.memory_space<vmem_shared>> -> memref<125x64xf32, #tpu.memory_space<vmem_shared>>
      %dma_start3A_54 = arith.constant 0 : i32
      %dma_start3A_55 = tpu.memref_slice %arg16[%add3A_34, %dma_start3A_54] : memref<10000x64xf32, #tpu.memory_space<vmem_shared>> -> memref<125x64xf32, #tpu.memory_space<vmem_shared>>
      tpu.enqueue_dma source(%dma_start3A_55 : memref<125x64xf32, #tpu.memory_space<vmem_shared>>) target(%arg15 : memref<125x64xf32, #tpu.memory_space<vmem>>) target_semaphore(%run_scoped3A : memref<!tpu.dma_semaphore, #tpu.memory_space<semaphore_mem>>)
      %dma_wait3A = arith.constant 0 : i32
      %dma_wait3A_56 = tpu.memref_slice %arg16[%add3A_34, %dma_wait3A] : memref<10000x64xf32, #tpu.memory_space<vmem_shared>> -> memref<125x64xf32, #tpu.memory_space<vmem_shared>>
      %dma_wait3A_57 = arith.constant 0 : i32
      %dma_wait3A_58 = tpu.memref_slice %arg16[%add3A_34, %dma_wait3A_57] : memref<10000x64xf32, #tpu.memory_space<vmem_shared>> -> memref<125x64xf32, #tpu.memory_space<vmem_shared>>
      tpu.wait_dma2 semaphore(%run_scoped3A : memref<!tpu.dma_semaphore, #tpu.memory_space<semaphore_mem>>) src(%dma_wait3A_58 : memref<125x64xf32, #tpu.memory_space<vmem_shared>>) dst(%arg15 : memref<125x64xf32, #tpu.memory_space<vmem>>)
      tpu.yield
    }) : () -> ()
    %add3A_35 = arith.constant 0 : i32
    %add3A_36 = arith.addi %mul3A_2, %add3A_35 : i32
    "tpu.region"() ({
      %run_scoped3A = tpu.sem_alloc : memref<!tpu.dma_semaphore, #tpu.memory_space<semaphore_mem>>
      %dma_start3A = arith.constant 0 : i32
      %dma_start3A_53 = tpu.memref_slice %arg7[%arg0, %add3A_36, %dma_start3A] : memref<2x10000x64xf32, #tpu.memory_space<hbm>> -> memref<1x125x64xf32, #tpu.memory_space<hbm>>
      %dma_start3A_54 = tpu.memref_squeeze %dma_start3A_53 : memref<1x125x64xf32, #tpu.memory_space<hbm>> -> memref<125x64xf32, #tpu.memory_space<hbm>>
      %dma_start3A_55 = arith.constant 0 : i32
      %dma_start3A_56 = tpu.memref_slice %arg7[%arg0, %add3A_36, %dma_start3A_55] : memref<2x10000x64xf32, #tpu.memory_space<hbm>> -> memref<1x125x64xf32, #tpu.memory_space<hbm>>
      %dma_start3A_57 = tpu.memref_squeeze %dma_start3A_56 : memref<1x125x64xf32, #tpu.memory_space<hbm>> -> memref<125x64xf32, #tpu.memory_space<hbm>>
      tpu.enqueue_dma source(%arg15 : memref<125x64xf32, #tpu.memory_space<vmem>>) target(%dma_start3A_57 : memref<125x64xf32, #tpu.memory_space<hbm>>) target_semaphore(%run_scoped3A : memref<!tpu.dma_semaphore, #tpu.memory_space<semaphore_mem>>)
      %dma_wait3A = arith.constant 0 : i32
      %dma_wait3A_58 = tpu.memref_slice %arg7[%arg0, %add3A_36, %dma_wait3A] : memref<2x10000x64xf32, #tpu.memory_space<hbm>> -> memref<1x125x64xf32, #tpu.memory_space<hbm>>
      %dma_wait3A_59 = tpu.memref_squeeze %dma_wait3A_58 : memref<1x125x64xf32, #tpu.memory_space<hbm>> -> memref<125x64xf32, #tpu.memory_space<hbm>>
      %dma_wait3A_60 = arith.constant 0 : i32
      %dma_wait3A_61 = tpu.memref_slice %arg7[%arg0, %add3A_36, %dma_wait3A_60] : memref<2x10000x64xf32, #tpu.memory_space<hbm>> -> memref<1x125x64xf32, #tpu.memory_space<hbm>>
      %dma_wait3A_62 = tpu.memref_squeeze %dma_wait3A_61 : memref<1x125x64xf32, #tpu.memory_space<hbm>> -> memref<125x64xf32, #tpu.memory_space<hbm>>
      tpu.wait_dma2 semaphore(%run_scoped3A : memref<!tpu.dma_semaphore, #tpu.memory_space<semaphore_mem>>) src(%arg15 : memref<125x64xf32, #tpu.memory_space<vmem>>) dst(%dma_wait3A_62 : memref<125x64xf32, #tpu.memory_space<hbm>>)
      tpu.yield
    }) : () -> ()
    %add3A_37 = arith.constant 125 : i32
    %add3A_38 = arith.addi %mul3A_2, %add3A_37 : i32
    "tpu.region"() ({
      %run_scoped3A = tpu.sem_alloc : memref<!tpu.dma_semaphore, #tpu.memory_space<semaphore_mem>>
      %dma_start3A = arith.constant 0 : i32
      %dma_start3A_53 = tpu.memref_slice %arg16[%add3A_38, %dma_start3A] : memref<10000x64xf32, #tpu.memory_space<vmem_shared>> -> memref<125x64xf32, #tpu.memory_space<vmem_shared>>
      %dma_start3A_54 = arith.constant 0 : i32
      %dma_start3A_55 = tpu.memref_slice %arg16[%add3A_38, %dma_start3A_54] : memref<10000x64xf32, #tpu.memory_space<vmem_shared>> -> memref<125x64xf32, #tpu.memory_space<vmem_shared>>
      tpu.enqueue_dma source(%dma_start3A_55 : memref<125x64xf32, #tpu.memory_space<vmem_shared>>) target(%arg15 : memref<125x64xf32, #tpu.memory_space<vmem>>) target_semaphore(%run_scoped3A : memref<!tpu.dma_semaphore, #tpu.memory_space<semaphore_mem>>)
      %dma_wait3A = arith.constant 0 : i32
      %dma_wait3A_56 = tpu.memref_slice %arg16[%add3A_38, %dma_wait3A] : memref<10000x64xf32, #tpu.memory_space<vmem_shared>> -> memref<125x64xf32, #tpu.memory_space<vmem_shared>>
      %dma_wait3A_57 = arith.constant 0 : i32
      %dma_wait3A_58 = tpu.memref_slice %arg16[%add3A_38, %dma_wait3A_57] : memref<10000x64xf32, #tpu.memory_space<vmem_shared>> -> memref<125x64xf32, #tpu.memory_space<vmem_shared>>
      tpu.wait_dma2 semaphore(%run_scoped3A : memref<!tpu.dma_semaphore, #tpu.memory_space<semaphore_mem>>) src(%dma_wait3A_58 : memref<125x64xf32, #tpu.memory_space<vmem_shared>>) dst(%arg15 : memref<125x64xf32, #tpu.memory_space<vmem>>)
      tpu.yield
    }) : () -> ()
    %add3A_39 = arith.constant 125 : i32
    %add3A_40 = arith.addi %mul3A_2, %add3A_39 : i32
    "tpu.region"() ({
      %run_scoped3A = tpu.sem_alloc : memref<!tpu.dma_semaphore, #tpu.memory_space<semaphore_mem>>
      %dma_start3A = arith.constant 0 : i32
      %dma_start3A_53 = tpu.memref_slice %arg7[%arg0, %add3A_40, %dma_start3A] : memref<2x10000x64xf32, #tpu.memory_space<hbm>> -> memref<1x125x64xf32, #tpu.memory_space<hbm>>
      %dma_start3A_54 = tpu.memref_squeeze %dma_start3A_53 : memref<1x125x64xf32, #tpu.memory_space<hbm>> -> memref<125x64xf32, #tpu.memory_space<hbm>>
      %dma_start3A_55 = arith.constant 0 : i32
      %dma_start3A_56 = tpu.memref_slice %arg7[%arg0, %add3A_40, %dma_start3A_55] : memref<2x10000x64xf32, #tpu.memory_space<hbm>> -> memref<1x125x64xf32, #tpu.memory_space<hbm>>
      %dma_start3A_57 = tpu.memref_squeeze %dma_start3A_56 : memref<1x125x64xf32, #tpu.memory_space<hbm>> -> memref<125x64xf32, #tpu.memory_space<hbm>>
      tpu.enqueue_dma source(%arg15 : memref<125x64xf32, #tpu.memory_space<vmem>>) target(%dma_start3A_57 : memref<125x64xf32, #tpu.memory_space<hbm>>) target_semaphore(%run_scoped3A : memref<!tpu.dma_semaphore, #tpu.memory_space<semaphore_mem>>)
      %dma_wait3A = arith.constant 0 : i32
      %dma_wait3A_58 = tpu.memref_slice %arg7[%arg0, %add3A_40, %dma_wait3A] : memref<2x10000x64xf32, #tpu.memory_space<hbm>> -> memref<1x125x64xf32, #tpu.memory_space<hbm>>
      %dma_wait3A_59 = tpu.memref_squeeze %dma_wait3A_58 : memref<1x125x64xf32, #tpu.memory_space<hbm>> -> memref<125x64xf32, #tpu.memory_space<hbm>>
      %dma_wait3A_60 = arith.constant 0 : i32
      %dma_wait3A_61 = tpu.memref_slice %arg7[%arg0, %add3A_40, %dma_wait3A_60] : memref<2x10000x64xf32, #tpu.memory_space<hbm>> -> memref<1x125x64xf32, #tpu.memory_space<hbm>>
      %dma_wait3A_62 = tpu.memref_squeeze %dma_wait3A_61 : memref<1x125x64xf32, #tpu.memory_space<hbm>> -> memref<125x64xf32, #tpu.memory_space<hbm>>
      tpu.wait_dma2 semaphore(%run_scoped3A : memref<!tpu.dma_semaphore, #tpu.memory_space<semaphore_mem>>) src(%arg15 : memref<125x64xf32, #tpu.memory_space<vmem>>) dst(%dma_wait3A_62 : memref<125x64xf32, #tpu.memory_space<hbm>>)
      tpu.yield
    }) : () -> ()
    %add3A_41 = arith.constant 250 : i32
    %add3A_42 = arith.addi %mul3A_2, %add3A_41 : i32
    "tpu.region"() ({
      %run_scoped3A = tpu.sem_alloc : memref<!tpu.dma_semaphore, #tpu.memory_space<semaphore_mem>>
      %dma_start3A = arith.constant 0 : i32
      %dma_start3A_53 = tpu.memref_slice %arg16[%add3A_42, %dma_start3A] : memref<10000x64xf32, #tpu.memory_space<vmem_shared>> -> memref<125x64xf32, #tpu.memory_space<vmem_shared>>
      %dma_start3A_54 = arith.constant 0 : i32
      %dma_start3A_55 = tpu.memref_slice %arg16[%add3A_42, %dma_start3A_54] : memref<10000x64xf32, #tpu.memory_space<vmem_shared>> -> memref<125x64xf32, #tpu.memory_space<vmem_shared>>
      tpu.enqueue_dma source(%dma_start3A_55 : memref<125x64xf32, #tpu.memory_space<vmem_shared>>) target(%arg15 : memref<125x64xf32, #tpu.memory_space<vmem>>) target_semaphore(%run_scoped3A : memref<!tpu.dma_semaphore, #tpu.memory_space<semaphore_mem>>)
      %dma_wait3A = arith.constant 0 : i32
      %dma_wait3A_56 = tpu.memref_slice %arg16[%add3A_42, %dma_wait3A] : memref<10000x64xf32, #tpu.memory_space<vmem_shared>> -> memref<125x64xf32, #tpu.memory_space<vmem_shared>>
      %dma_wait3A_57 = arith.constant 0 : i32
      %dma_wait3A_58 = tpu.memref_slice %arg16[%add3A_42, %dma_wait3A_57] : memref<10000x64xf32, #tpu.memory_space<vmem_shared>> -> memref<125x64xf32, #tpu.memory_space<vmem_shared>>
      tpu.wait_dma2 semaphore(%run_scoped3A : memref<!tpu.dma_semaphore, #tpu.memory_space<semaphore_mem>>) src(%dma_wait3A_58 : memref<125x64xf32, #tpu.memory_space<vmem_shared>>) dst(%arg15 : memref<125x64xf32, #tpu.memory_space<vmem>>)
      tpu.yield
    }) : () -> ()
    %add3A_43 = arith.constant 250 : i32
    %add3A_44 = arith.addi %mul3A_2, %add3A_43 : i32
    "tpu.region"() ({
      %run_scoped3A = tpu.sem_alloc : memref<!tpu.dma_semaphore, #tpu.memory_space<semaphore_mem>>
      %dma_start3A = arith.constant 0 : i32
      %dma_start3A_53 = tpu.memref_slice %arg7[%arg0, %add3A_44, %dma_start3A] : memref<2x10000x64xf32, #tpu.memory_space<hbm>> -> memref<1x125x64xf32, #tpu.memory_space<hbm>>
      %dma_start3A_54 = tpu.memref_squeeze %dma_start3A_53 : memref<1x125x64xf32, #tpu.memory_space<hbm>> -> memref<125x64xf32, #tpu.memory_space<hbm>>
      %dma_start3A_55 = arith.constant 0 : i32
      %dma_start3A_56 = tpu.memref_slice %arg7[%arg0, %add3A_44, %dma_start3A_55] : memref<2x10000x64xf32, #tpu.memory_space<hbm>> -> memref<1x125x64xf32, #tpu.memory_space<hbm>>
      %dma_start3A_57 = tpu.memref_squeeze %dma_start3A_56 : memref<1x125x64xf32, #tpu.memory_space<hbm>> -> memref<125x64xf32, #tpu.memory_space<hbm>>
      tpu.enqueue_dma source(%arg15 : memref<125x64xf32, #tpu.memory_space<vmem>>) target(%dma_start3A_57 : memref<125x64xf32, #tpu.memory_space<hbm>>) target_semaphore(%run_scoped3A : memref<!tpu.dma_semaphore, #tpu.memory_space<semaphore_mem>>)
      %dma_wait3A = arith.constant 0 : i32
      %dma_wait3A_58 = tpu.memref_slice %arg7[%arg0, %add3A_44, %dma_wait3A] : memref<2x10000x64xf32, #tpu.memory_space<hbm>> -> memref<1x125x64xf32, #tpu.memory_space<hbm>>
      %dma_wait3A_59 = tpu.memref_squeeze %dma_wait3A_58 : memref<1x125x64xf32, #tpu.memory_space<hbm>> -> memref<125x64xf32, #tpu.memory_space<hbm>>
      %dma_wait3A_60 = arith.constant 0 : i32
      %dma_wait3A_61 = tpu.memref_slice %arg7[%arg0, %add3A_44, %dma_wait3A_60] : memref<2x10000x64xf32, #tpu.memory_space<hbm>> -> memref<1x125x64xf32, #tpu.memory_space<hbm>>
      %dma_wait3A_62 = tpu.memref_squeeze %dma_wait3A_61 : memref<1x125x64xf32, #tpu.memory_space<hbm>> -> memref<125x64xf32, #tpu.memory_space<hbm>>
      tpu.wait_dma2 semaphore(%run_scoped3A : memref<!tpu.dma_semaphore, #tpu.memory_space<semaphore_mem>>) src(%arg15 : memref<125x64xf32, #tpu.memory_space<vmem>>) dst(%dma_wait3A_62 : memref<125x64xf32, #tpu.memory_space<hbm>>)
      tpu.yield
    }) : () -> ()
    %add3A_45 = arith.constant 375 : i32
    %add3A_46 = arith.addi %mul3A_2, %add3A_45 : i32
    "tpu.region"() ({
      %run_scoped3A = tpu.sem_alloc : memref<!tpu.dma_semaphore, #tpu.memory_space<semaphore_mem>>
      %dma_start3A = arith.constant 0 : i32
      %dma_start3A_53 = tpu.memref_slice %arg16[%add3A_46, %dma_start3A] : memref<10000x64xf32, #tpu.memory_space<vmem_shared>> -> memref<125x64xf32, #tpu.memory_space<vmem_shared>>
      %dma_start3A_54 = arith.constant 0 : i32
      %dma_start3A_55 = tpu.memref_slice %arg16[%add3A_46, %dma_start3A_54] : memref<10000x64xf32, #tpu.memory_space<vmem_shared>> -> memref<125x64xf32, #tpu.memory_space<vmem_shared>>
      tpu.enqueue_dma source(%dma_start3A_55 : memref<125x64xf32, #tpu.memory_space<vmem_shared>>) target(%arg15 : memref<125x64xf32, #tpu.memory_space<vmem>>) target_semaphore(%run_scoped3A : memref<!tpu.dma_semaphore, #tpu.memory_space<semaphore_mem>>)
      %dma_wait3A = arith.constant 0 : i32
      %dma_wait3A_56 = tpu.memref_slice %arg16[%add3A_46, %dma_wait3A] : memref<10000x64xf32, #tpu.memory_space<vmem_shared>> -> memref<125x64xf32, #tpu.memory_space<vmem_shared>>
      %dma_wait3A_57 = arith.constant 0 : i32
      %dma_wait3A_58 = tpu.memref_slice %arg16[%add3A_46, %dma_wait3A_57] : memref<10000x64xf32, #tpu.memory_space<vmem_shared>> -> memref<125x64xf32, #tpu.memory_space<vmem_shared>>
      tpu.wait_dma2 semaphore(%run_scoped3A : memref<!tpu.dma_semaphore, #tpu.memory_space<semaphore_mem>>) src(%dma_wait3A_58 : memref<125x64xf32, #tpu.memory_space<vmem_shared>>) dst(%arg15 : memref<125x64xf32, #tpu.memory_space<vmem>>)
      tpu.yield
    }) : () -> ()
    %add3A_47 = arith.constant 375 : i32
    %add3A_48 = arith.addi %mul3A_2, %add3A_47 : i32
    "tpu.region"() ({
      %run_scoped3A = tpu.sem_alloc : memref<!tpu.dma_semaphore, #tpu.memory_space<semaphore_mem>>
      %dma_start3A = arith.constant 0 : i32
      %dma_start3A_53 = tpu.memref_slice %arg7[%arg0, %add3A_48, %dma_start3A] : memref<2x10000x64xf32, #tpu.memory_space<hbm>> -> memref<1x125x64xf32, #tpu.memory_space<hbm>>
      %dma_start3A_54 = tpu.memref_squeeze %dma_start3A_53 : memref<1x125x64xf32, #tpu.memory_space<hbm>> -> memref<125x64xf32, #tpu.memory_space<hbm>>
      %dma_start3A_55 = arith.constant 0 : i32
      %dma_start3A_56 = tpu.memref_slice %arg7[%arg0, %add3A_48, %dma_start3A_55] : memref<2x10000x64xf32, #tpu.memory_space<hbm>> -> memref<1x125x64xf32, #tpu.memory_space<hbm>>
      %dma_start3A_57 = tpu.memref_squeeze %dma_start3A_56 : memref<1x125x64xf32, #tpu.memory_space<hbm>> -> memref<125x64xf32, #tpu.memory_space<hbm>>
      tpu.enqueue_dma source(%arg15 : memref<125x64xf32, #tpu.memory_space<vmem>>) target(%dma_start3A_57 : memref<125x64xf32, #tpu.memory_space<hbm>>) target_semaphore(%run_scoped3A : memref<!tpu.dma_semaphore, #tpu.memory_space<semaphore_mem>>)
      %dma_wait3A = arith.constant 0 : i32
      %dma_wait3A_58 = tpu.memref_slice %arg7[%arg0, %add3A_48, %dma_wait3A] : memref<2x10000x64xf32, #tpu.memory_space<hbm>> -> memref<1x125x64xf32, #tpu.memory_space<hbm>>
      %dma_wait3A_59 = tpu.memref_squeeze %dma_wait3A_58 : memref<1x125x64xf32, #tpu.memory_space<hbm>> -> memref<125x64xf32, #tpu.memory_space<hbm>>
      %dma_wait3A_60 = arith.constant 0 : i32
      %dma_wait3A_61 = tpu.memref_slice %arg7[%arg0, %add3A_48, %dma_wait3A_60] : memref<2x10000x64xf32, #tpu.memory_space<hbm>> -> memref<1x125x64xf32, #tpu.memory_space<hbm>>
      %dma_wait3A_62 = tpu.memref_squeeze %dma_wait3A_61 : memref<1x125x64xf32, #tpu.memory_space<hbm>> -> memref<125x64xf32, #tpu.memory_space<hbm>>
      tpu.wait_dma2 semaphore(%run_scoped3A : memref<!tpu.dma_semaphore, #tpu.memory_space<semaphore_mem>>) src(%arg15 : memref<125x64xf32, #tpu.memory_space<vmem>>) dst(%dma_wait3A_62 : memref<125x64xf32, #tpu.memory_space<hbm>>)
      tpu.yield
    }) : () -> ()
    %add3A_49 = arith.constant 500 : i32
    %add3A_50 = arith.addi %mul3A_2, %add3A_49 : i32
    "tpu.region"() ({
      %run_scoped3A = tpu.sem_alloc : memref<!tpu.dma_semaphore, #tpu.memory_space<semaphore_mem>>
      %dma_start3A = arith.constant 0 : i32
      %dma_start3A_53 = tpu.memref_slice %arg16[%add3A_50, %dma_start3A] : memref<10000x64xf32, #tpu.memory_space<vmem_shared>> -> memref<125x64xf32, #tpu.memory_space<vmem_shared>>
      %dma_start3A_54 = arith.constant 0 : i32
      %dma_start3A_55 = tpu.memref_slice %arg16[%add3A_50, %dma_start3A_54] : memref<10000x64xf32, #tpu.memory_space<vmem_shared>> -> memref<125x64xf32, #tpu.memory_space<vmem_shared>>
      tpu.enqueue_dma source(%dma_start3A_55 : memref<125x64xf32, #tpu.memory_space<vmem_shared>>) target(%arg15 : memref<125x64xf32, #tpu.memory_space<vmem>>) target_semaphore(%run_scoped3A : memref<!tpu.dma_semaphore, #tpu.memory_space<semaphore_mem>>)
      %dma_wait3A = arith.constant 0 : i32
      %dma_wait3A_56 = tpu.memref_slice %arg16[%add3A_50, %dma_wait3A] : memref<10000x64xf32, #tpu.memory_space<vmem_shared>> -> memref<125x64xf32, #tpu.memory_space<vmem_shared>>
      %dma_wait3A_57 = arith.constant 0 : i32
      %dma_wait3A_58 = tpu.memref_slice %arg16[%add3A_50, %dma_wait3A_57] : memref<10000x64xf32, #tpu.memory_space<vmem_shared>> -> memref<125x64xf32, #tpu.memory_space<vmem_shared>>
      tpu.wait_dma2 semaphore(%run_scoped3A : memref<!tpu.dma_semaphore, #tpu.memory_space<semaphore_mem>>) src(%dma_wait3A_58 : memref<125x64xf32, #tpu.memory_space<vmem_shared>>) dst(%arg15 : memref<125x64xf32, #tpu.memory_space<vmem>>)
      tpu.yield
    }) : () -> ()
    %add3A_51 = arith.constant 500 : i32
    %add3A_52 = arith.addi %mul3A_2, %add3A_51 : i32
    "tpu.region"() ({
      %run_scoped3A = tpu.sem_alloc : memref<!tpu.dma_semaphore, #tpu.memory_space<semaphore_mem>>
      %dma_start3A = arith.constant 0 : i32
      %dma_start3A_53 = tpu.memref_slice %arg7[%arg0, %add3A_52, %dma_start3A] : memref<2x10000x64xf32, #tpu.memory_space<hbm>> -> memref<1x125x64xf32, #tpu.memory_space<hbm>>
      %dma_start3A_54 = tpu.memref_squeeze %dma_start3A_53 : memref<1x125x64xf32, #tpu.memory_space<hbm>> -> memref<125x64xf32, #tpu.memory_space<hbm>>
      %dma_start3A_55 = arith.constant 0 : i32
      %dma_start3A_56 = tpu.memref_slice %arg7[%arg0, %add3A_52, %dma_start3A_55] : memref<2x10000x64xf32, #tpu.memory_space<hbm>> -> memref<1x125x64xf32, #tpu.memory_space<hbm>>
      %dma_start3A_57 = tpu.memref_squeeze %dma_start3A_56 : memref<1x125x64xf32, #tpu.memory_space<hbm>> -> memref<125x64xf32, #tpu.memory_space<hbm>>
      tpu.enqueue_dma source(%arg15 : memref<125x64xf32, #tpu.memory_space<vmem>>) target(%dma_start3A_57 : memref<125x64xf32, #tpu.memory_space<hbm>>) target_semaphore(%run_scoped3A : memref<!tpu.dma_semaphore, #tpu.memory_space<semaphore_mem>>)
      %dma_wait3A = arith.constant 0 : i32
      %dma_wait3A_58 = tpu.memref_slice %arg7[%arg0, %add3A_52, %dma_wait3A] : memref<2x10000x64xf32, #tpu.memory_space<hbm>> -> memref<1x125x64xf32, #tpu.memory_space<hbm>>
      %dma_wait3A_59 = tpu.memref_squeeze %dma_wait3A_58 : memref<1x125x64xf32, #tpu.memory_space<hbm>> -> memref<125x64xf32, #tpu.memory_space<hbm>>
      %dma_wait3A_60 = arith.constant 0 : i32
      %dma_wait3A_61 = tpu.memref_slice %arg7[%arg0, %add3A_52, %dma_wait3A_60] : memref<2x10000x64xf32, #tpu.memory_space<hbm>> -> memref<1x125x64xf32, #tpu.memory_space<hbm>>
      %dma_wait3A_62 = tpu.memref_squeeze %dma_wait3A_61 : memref<1x125x64xf32, #tpu.memory_space<hbm>> -> memref<125x64xf32, #tpu.memory_space<hbm>>
      tpu.wait_dma2 semaphore(%run_scoped3A : memref<!tpu.dma_semaphore, #tpu.memory_space<semaphore_mem>>) src(%arg15 : memref<125x64xf32, #tpu.memory_space<vmem>>) dst(%dma_wait3A_62 : memref<125x64xf32, #tpu.memory_space<hbm>>)
      tpu.yield
    }) : () -> ()
    "tpu.region"() ({
      %run_scoped3A = tpu.sem_alloc : memref<!tpu.dma_semaphore, #tpu.memory_space<semaphore_mem>>
      %dma_start3A = arith.constant 0 : i32
      %dma_start3A_53 = tpu.memref_slice %arg17[%mul3A_2, %dma_start3A] : memref<10000x16xf32, #tpu.memory_space<vmem_shared>> -> memref<625x16xf32, #tpu.memory_space<vmem_shared>>
      %dma_start3A_54 = arith.constant 0 : i32
      %dma_start3A_55 = tpu.memref_slice %arg17[%mul3A_2, %dma_start3A_54] : memref<10000x16xf32, #tpu.memory_space<vmem_shared>> -> memref<625x16xf32, #tpu.memory_space<vmem_shared>>
      tpu.enqueue_dma source(%dma_start3A_55 : memref<625x16xf32, #tpu.memory_space<vmem_shared>>) target(%arg14 : memref<625x16xf32, #tpu.memory_space<vmem>>) target_semaphore(%run_scoped3A : memref<!tpu.dma_semaphore, #tpu.memory_space<semaphore_mem>>)
      %dma_wait3A = arith.constant 0 : i32
      %dma_wait3A_56 = tpu.memref_slice %arg17[%mul3A_2, %dma_wait3A] : memref<10000x16xf32, #tpu.memory_space<vmem_shared>> -> memref<625x16xf32, #tpu.memory_space<vmem_shared>>
      %dma_wait3A_57 = arith.constant 0 : i32
      %dma_wait3A_58 = tpu.memref_slice %arg17[%mul3A_2, %dma_wait3A_57] : memref<10000x16xf32, #tpu.memory_space<vmem_shared>> -> memref<625x16xf32, #tpu.memory_space<vmem_shared>>
      tpu.wait_dma2 semaphore(%run_scoped3A : memref<!tpu.dma_semaphore, #tpu.memory_space<semaphore_mem>>) src(%dma_wait3A_58 : memref<625x16xf32, #tpu.memory_space<vmem_shared>>) dst(%arg14 : memref<625x16xf32, #tpu.memory_space<vmem>>)
      tpu.yield
    }) : () -> ()
    "tpu.region"() ({
      %run_scoped3A = tpu.sem_alloc : memref<!tpu.dma_semaphore, #tpu.memory_space<semaphore_mem>>
      %dma_start3A = arith.constant 0 : i32
      %dma_start3A_53 = tpu.memref_slice %arg8[%arg0, %mul3A_2, %dma_start3A] : memref<2x10000x16xf32, #tpu.memory_space<hbm>> -> memref<1x625x16xf32, #tpu.memory_space<hbm>>
      %dma_start3A_54 = tpu.memref_squeeze %dma_start3A_53 : memref<1x625x16xf32, #tpu.memory_space<hbm>> -> memref<625x16xf32, #tpu.memory_space<hbm>>
      %dma_start3A_55 = arith.constant 0 : i32
      %dma_start3A_56 = tpu.memref_slice %arg8[%arg0, %mul3A_2, %dma_start3A_55] : memref<2x10000x16xf32, #tpu.memory_space<hbm>> -> memref<1x625x16xf32, #tpu.memory_space<hbm>>
      %dma_start3A_57 = tpu.memref_squeeze %dma_start3A_56 : memref<1x625x16xf32, #tpu.memory_space<hbm>> -> memref<625x16xf32, #tpu.memory_space<hbm>>
      tpu.enqueue_dma source(%arg14 : memref<625x16xf32, #tpu.memory_space<vmem>>) target(%dma_start3A_57 : memref<625x16xf32, #tpu.memory_space<hbm>>) target_semaphore(%run_scoped3A : memref<!tpu.dma_semaphore, #tpu.memory_space<semaphore_mem>>)
      %dma_wait3A = arith.constant 0 : i32
      %dma_wait3A_58 = tpu.memref_slice %arg8[%arg0, %mul3A_2, %dma_wait3A] : memref<2x10000x16xf32, #tpu.memory_space<hbm>> -> memref<1x625x16xf32, #tpu.memory_space<hbm>>
      %dma_wait3A_59 = tpu.memref_squeeze %dma_wait3A_58 : memref<1x625x16xf32, #tpu.memory_space<hbm>> -> memref<625x16xf32, #tpu.memory_space<hbm>>
      %dma_wait3A_60 = arith.constant 0 : i32
      %dma_wait3A_61 = tpu.memref_slice %arg8[%arg0, %mul3A_2, %dma_wait3A_60] : memref<2x10000x16xf32, #tpu.memory_space<hbm>> -> memref<1x625x16xf32, #tpu.memory_space<hbm>>
      %dma_wait3A_62 = tpu.memref_squeeze %dma_wait3A_61 : memref<1x625x16xf32, #tpu.memory_space<hbm>> -> memref<625x16xf32, #tpu.memory_space<hbm>>
      tpu.wait_dma2 semaphore(%run_scoped3A : memref<!tpu.dma_semaphore, #tpu.memory_space<semaphore_mem>>) src(%arg14 : memref<625x16xf32, #tpu.memory_space<vmem>>) dst(%dma_wait3A_62 : memref<625x16xf32, #tpu.memory_space<hbm>>)
      tpu.yield
    }) : () -> ()
    return
  }
}

module attributes {stable_mosaic.version = 14 : i64} {
  func.func @_tc1_body(%arg0: i32, %arg1: memref<1000x128xf32, #tpu.memory_space<vmem>>, %arg2: memref<128x128xf32, #tpu.memory_space<vmem>>, %arg3: memref<8x16xf32, #tpu.memory_space<vmem>>, %arg4: memref<8x16xf32, #tpu.memory_space<vmem>>, %arg5: memref<1000x128xf32, #tpu.memory_space<vmem>>, %arg6: memref<1000x16xf32, #tpu.memory_space<vmem>>, %arg7: memref<1000x16xf32, #tpu.memory_space<vmem>>) attributes {dimension_semantics = [#tpu.dimension_semantics<arbitrary>], iteration_bounds = array<i64: 10>, scalar_prefetch = 0 : i64, scratch_operands = 0 : i64, tpu.core_type = #tpu.core_type<tc>, window_params = [{transform_indices = @transform_0, window_bounds = array<i64: 1000, 128>}, {pipeline_mode = #tpu.pipeline_mode<synchronous>, transform_indices = @transform_1, window_bounds = array<i64: 128, 128>}, {pipeline_mode = #tpu.pipeline_mode<synchronous>, transform_indices = @transform_2, window_bounds = array<i64: 8, 16>}, {pipeline_mode = #tpu.pipeline_mode<synchronous>, transform_indices = @transform_3, window_bounds = array<i64: 8, 16>}, {transform_indices = @transform_4, window_bounds = array<i64: 1000, 128>}, {transform_indices = @transform_5, window_bounds = array<i64: 1000, 16>}, {transform_indices = @transform_6, window_bounds = array<i64: 1000, 16>}]} {
    %get3A = arith.constant 0 : index
    %get3A_0 = arith.constant 0 : index
    %get3A_1 = vector.load %arg1[%get3A, %get3A_0] : memref<1000x128xf32, #tpu.memory_space<vmem>>, vector<1000x128xf32>
    %get3A_2 = arith.constant 0 : index
    %get3A_3 = arith.constant 0 : index
    %get3A_4 = vector.load %arg2[%get3A_2, %get3A_3] : memref<128x128xf32, #tpu.memory_space<vmem>>, vector<128x128xf32>
    %dot_general3A = arith.constant dense<0.000000e+00> : vector<1000x128xf32>
    %dot_general3A_5 = tpu.matmul %get3A_1, %get3A_4, %dot_general3A {dimension_numbers = #tpu.dot_dimension_numbers<[1], [0], [0], [1], [0, 0, 1, 1], [], []>, transpose_lhs_hint = false} : vector<1000x128xf32>, vector<128x128xf32>, vector<1000x128xf32> -> vector<1000x128xf32>
    %swap3A = arith.constant 0 : index
    %swap3A_6 = arith.constant 0 : index
    %swap3A_7 = vector.load %arg5[%swap3A, %swap3A_6] : memref<1000x128xf32, #tpu.memory_space<vmem>>, vector<1000x128xf32>
    tpu.vector_store %arg5[%swap3A, %swap3A_6], %dot_general3A_5 {strides = array<i32>} : memref<1000x128xf32, #tpu.memory_space<vmem>>, vector<1000x128xf32>,
    %slice3A = vector.extract_strided_slice %dot_general3A_5 {offsets = [0, 0], sizes = [1000, 16], strides = [1, 1]} : vector<1000x128xf32> to vector<1000x16xf32>
    %get3A_8 = arith.constant 0 : index
    %get3A_9 = arith.constant 0 : index
    %get3A_10 = vector.load %arg3[%get3A_8, %get3A_9] : memref<8x16xf32, #tpu.memory_space<vmem>>, vector<1x16xf32>
    %get3A_11 = vector.shape_cast %get3A_10 : vector<1x16xf32> to vector<16xf32>
    %broadcast_in_dim3A = vector.shape_cast %get3A_11 : vector<16xf32> to vector<1x16xf32>
    %mul3A = vector.broadcast %broadcast_in_dim3A : vector<1x16xf32> to vector<1000x16xf32>
    %mul3A_12 = arith.mulf %slice3A, %mul3A : vector<1000x16xf32>
    %reduce_sum3A = arith.constant dense<0.000000e+00> : vector<1000xf32>
    %reduce_sum3A_13 = vector.multi_reduction <add>, %mul3A_12, %reduce_sum3A [1] : vector<1000x16xf32> to vector<1000xf32>
    %broadcast_in_dim3A_14 = vector.shape_cast %reduce_sum3A_13 : vector<1000xf32> to vector<1000x1xf32>
    %get3A_15 = arith.constant 0 : index
    %get3A_16 = arith.constant 0 : index
    %get3A_17 = vector.load %arg4[%get3A_15, %get3A_16] : memref<8x16xf32, #tpu.memory_space<vmem>>, vector<1x16xf32>
    %get3A_18 = vector.shape_cast %get3A_17 : vector<1x16xf32> to vector<16xf32>
    %broadcast_in_dim3A_19 = vector.shape_cast %get3A_18 : vector<16xf32> to vector<1x16xf32>
    %mul3A_20 = vector.broadcast %broadcast_in_dim3A_19 : vector<1x16xf32> to vector<1000x16xf32>
    %mul3A_21 = arith.mulf %slice3A, %mul3A_20 : vector<1000x16xf32>
    %reduce_sum3A_22 = arith.constant dense<0.000000e+00> : vector<1000xf32>
    %reduce_sum3A_23 = vector.multi_reduction <add>, %mul3A_21, %reduce_sum3A_22 [1] : vector<1000x16xf32> to vector<1000xf32>
    %broadcast_in_dim3A_24 = vector.shape_cast %reduce_sum3A_23 : vector<1000xf32> to vector<1000x1xf32>
    %slice3A_25 = vector.extract_strided_slice %dot_general3A_5 {offsets = [0, 16], sizes = [1000, 16], strides = [1, 1]} : vector<1000x128xf32> to vector<1000x16xf32>
    %get3A_26 = arith.constant 1 : index
    %get3A_27 = arith.constant 0 : index
    %get3A_28 = vector.load %arg3[%get3A_26, %get3A_27] : memref<8x16xf32, #tpu.memory_space<vmem>>, vector<1x16xf32>
    %get3A_29 = vector.shape_cast %get3A_28 : vector<1x16xf32> to vector<16xf32>
    %broadcast_in_dim3A_30 = vector.shape_cast %get3A_29 : vector<16xf32> to vector<1x16xf32>
    %mul3A_31 = vector.broadcast %broadcast_in_dim3A_30 : vector<1x16xf32> to vector<1000x16xf32>
    %mul3A_32 = arith.mulf %slice3A_25, %mul3A_31 : vector<1000x16xf32>
    %reduce_sum3A_33 = arith.constant dense<0.000000e+00> : vector<1000xf32>
    %reduce_sum3A_34 = vector.multi_reduction <add>, %mul3A_32, %reduce_sum3A_33 [1] : vector<1000x16xf32> to vector<1000xf32>
    %broadcast_in_dim3A_35 = vector.shape_cast %reduce_sum3A_34 : vector<1000xf32> to vector<1000x1xf32>
    %get3A_36 = arith.constant 1 : index
    %get3A_37 = arith.constant 0 : index
    %get3A_38 = vector.load %arg4[%get3A_36, %get3A_37] : memref<8x16xf32, #tpu.memory_space<vmem>>, vector<1x16xf32>
    %get3A_39 = vector.shape_cast %get3A_38 : vector<1x16xf32> to vector<16xf32>
    %broadcast_in_dim3A_40 = vector.shape_cast %get3A_39 : vector<16xf32> to vector<1x16xf32>
    %mul3A_41 = vector.broadcast %broadcast_in_dim3A_40 : vector<1x16xf32> to vector<1000x16xf32>
    %mul3A_42 = arith.mulf %slice3A_25, %mul3A_41 : vector<1000x16xf32>
    %reduce_sum3A_43 = arith.constant dense<0.000000e+00> : vector<1000xf32>
    %reduce_sum3A_44 = vector.multi_reduction <add>, %mul3A_42, %reduce_sum3A_43 [1] : vector<1000x16xf32> to vector<1000xf32>
    %broadcast_in_dim3A_45 = vector.shape_cast %reduce_sum3A_44 : vector<1000xf32> to vector<1000x1xf32>
    %slice3A_46 = vector.extract_strided_slice %dot_general3A_5 {offsets = [0, 32], sizes = [1000, 16], strides = [1, 1]} : vector<1000x128xf32> to vector<1000x16xf32>
    %get3A_47 = arith.constant 2 : index
    %get3A_48 = arith.constant 0 : index
    %get3A_49 = vector.load %arg3[%get3A_47, %get3A_48] : memref<8x16xf32, #tpu.memory_space<vmem>>, vector<1x16xf32>
    %get3A_50 = vector.shape_cast %get3A_49 : vector<1x16xf32> to vector<16xf32>
    %broadcast_in_dim3A_51 = vector.shape_cast %get3A_50 : vector<16xf32> to vector<1x16xf32>
    %mul3A_52 = vector.broadcast %broadcast_in_dim3A_51 : vector<1x16xf32> to vector<1000x16xf32>
    %mul3A_53 = arith.mulf %slice3A_46, %mul3A_52 : vector<1000x16xf32>
    %reduce_sum3A_54 = arith.constant dense<0.000000e+00> : vector<1000xf32>
    %reduce_sum3A_55 = vector.multi_reduction <add>, %mul3A_53, %reduce_sum3A_54 [1] : vector<1000x16xf32> to vector<1000xf32>
    %broadcast_in_dim3A_56 = vector.shape_cast %reduce_sum3A_55 : vector<1000xf32> to vector<1000x1xf32>
    %get3A_57 = arith.constant 2 : index
    %get3A_58 = arith.constant 0 : index
    %get3A_59 = vector.load %arg4[%get3A_57, %get3A_58] : memref<8x16xf32, #tpu.memory_space<vmem>>, vector<1x16xf32>
    %get3A_60 = vector.shape_cast %get3A_59 : vector<1x16xf32> to vector<16xf32>
    %broadcast_in_dim3A_61 = vector.shape_cast %get3A_60 : vector<16xf32> to vector<1x16xf32>
    %mul3A_62 = vector.broadcast %broadcast_in_dim3A_61 : vector<1x16xf32> to vector<1000x16xf32>
    %mul3A_63 = arith.mulf %slice3A_46, %mul3A_62 : vector<1000x16xf32>
    %reduce_sum3A_64 = arith.constant dense<0.000000e+00> : vector<1000xf32>
    %reduce_sum3A_65 = vector.multi_reduction <add>, %mul3A_63, %reduce_sum3A_64 [1] : vector<1000x16xf32> to vector<1000xf32>
    %broadcast_in_dim3A_66 = vector.shape_cast %reduce_sum3A_65 : vector<1000xf32> to vector<1000x1xf32>
    %slice3A_67 = vector.extract_strided_slice %dot_general3A_5 {offsets = [0, 48], sizes = [1000, 16], strides = [1, 1]} : vector<1000x128xf32> to vector<1000x16xf32>
    %get3A_68 = arith.constant 3 : index
    %get3A_69 = arith.constant 0 : index
    %get3A_70 = vector.load %arg3[%get3A_68, %get3A_69] : memref<8x16xf32, #tpu.memory_space<vmem>>, vector<1x16xf32>
    %get3A_71 = vector.shape_cast %get3A_70 : vector<1x16xf32> to vector<16xf32>
    %broadcast_in_dim3A_72 = vector.shape_cast %get3A_71 : vector<16xf32> to vector<1x16xf32>
    %mul3A_73 = vector.broadcast %broadcast_in_dim3A_72 : vector<1x16xf32> to vector<1000x16xf32>
    %mul3A_74 = arith.mulf %slice3A_67, %mul3A_73 : vector<1000x16xf32>
    %reduce_sum3A_75 = arith.constant dense<0.000000e+00> : vector<1000xf32>
    %reduce_sum3A_76 = vector.multi_reduction <add>, %mul3A_74, %reduce_sum3A_75 [1] : vector<1000x16xf32> to vector<1000xf32>
    %broadcast_in_dim3A_77 = vector.shape_cast %reduce_sum3A_76 : vector<1000xf32> to vector<1000x1xf32>
    %get3A_78 = arith.constant 3 : index
    %get3A_79 = arith.constant 0 : index
    %get3A_80 = vector.load %arg4[%get3A_78, %get3A_79] : memref<8x16xf32, #tpu.memory_space<vmem>>, vector<1x16xf32>
    %get3A_81 = vector.shape_cast %get3A_80 : vector<1x16xf32> to vector<16xf32>
    %broadcast_in_dim3A_82 = vector.shape_cast %get3A_81 : vector<16xf32> to vector<1x16xf32>
    %mul3A_83 = vector.broadcast %broadcast_in_dim3A_82 : vector<1x16xf32> to vector<1000x16xf32>
    %mul3A_84 = arith.mulf %slice3A_67, %mul3A_83 : vector<1000x16xf32>
    %reduce_sum3A_85 = arith.constant dense<0.000000e+00> : vector<1000xf32>
    %reduce_sum3A_86 = vector.multi_reduction <add>, %mul3A_84, %reduce_sum3A_85 [1] : vector<1000x16xf32> to vector<1000xf32>
    %broadcast_in_dim3A_87 = vector.shape_cast %reduce_sum3A_86 : vector<1000xf32> to vector<1000x1xf32>
    %slice3A_88 = vector.extract_strided_slice %dot_general3A_5 {offsets = [0, 64], sizes = [1000, 16], strides = [1, 1]} : vector<1000x128xf32> to vector<1000x16xf32>
    %get3A_89 = arith.constant 4 : index
    %get3A_90 = arith.constant 0 : index
    %get3A_91 = vector.load %arg3[%get3A_89, %get3A_90] : memref<8x16xf32, #tpu.memory_space<vmem>>, vector<1x16xf32>
    %get3A_92 = vector.shape_cast %get3A_91 : vector<1x16xf32> to vector<16xf32>
    %broadcast_in_dim3A_93 = vector.shape_cast %get3A_92 : vector<16xf32> to vector<1x16xf32>
    %mul3A_94 = vector.broadcast %broadcast_in_dim3A_93 : vector<1x16xf32> to vector<1000x16xf32>
    %mul3A_95 = arith.mulf %slice3A_88, %mul3A_94 : vector<1000x16xf32>
    %reduce_sum3A_96 = arith.constant dense<0.000000e+00> : vector<1000xf32>
    %reduce_sum3A_97 = vector.multi_reduction <add>, %mul3A_95, %reduce_sum3A_96 [1] : vector<1000x16xf32> to vector<1000xf32>
    %broadcast_in_dim3A_98 = vector.shape_cast %reduce_sum3A_97 : vector<1000xf32> to vector<1000x1xf32>
    %get3A_99 = arith.constant 4 : index
    %get3A_100 = arith.constant 0 : index
    %get3A_101 = vector.load %arg4[%get3A_99, %get3A_100] : memref<8x16xf32, #tpu.memory_space<vmem>>, vector<1x16xf32>
    %get3A_102 = vector.shape_cast %get3A_101 : vector<1x16xf32> to vector<16xf32>
    %broadcast_in_dim3A_103 = vector.shape_cast %get3A_102 : vector<16xf32> to vector<1x16xf32>
    %mul3A_104 = vector.broadcast %broadcast_in_dim3A_103 : vector<1x16xf32> to vector<1000x16xf32>
    %mul3A_105 = arith.mulf %slice3A_88, %mul3A_104 : vector<1000x16xf32>
    %reduce_sum3A_106 = arith.constant dense<0.000000e+00> : vector<1000xf32>
    %reduce_sum3A_107 = vector.multi_reduction <add>, %mul3A_105, %reduce_sum3A_106 [1] : vector<1000x16xf32> to vector<1000xf32>
    %broadcast_in_dim3A_108 = vector.shape_cast %reduce_sum3A_107 : vector<1000xf32> to vector<1000x1xf32>
    %slice3A_109 = vector.extract_strided_slice %dot_general3A_5 {offsets = [0, 80], sizes = [1000, 16], strides = [1, 1]} : vector<1000x128xf32> to vector<1000x16xf32>
    %get3A_110 = arith.constant 5 : index
    %get3A_111 = arith.constant 0 : index
    %get3A_112 = vector.load %arg3[%get3A_110, %get3A_111] : memref<8x16xf32, #tpu.memory_space<vmem>>, vector<1x16xf32>
    %get3A_113 = vector.shape_cast %get3A_112 : vector<1x16xf32> to vector<16xf32>
    %broadcast_in_dim3A_114 = vector.shape_cast %get3A_113 : vector<16xf32> to vector<1x16xf32>
    %mul3A_115 = vector.broadcast %broadcast_in_dim3A_114 : vector<1x16xf32> to vector<1000x16xf32>
    %mul3A_116 = arith.mulf %slice3A_109, %mul3A_115 : vector<1000x16xf32>
    %reduce_sum3A_117 = arith.constant dense<0.000000e+00> : vector<1000xf32>
    %reduce_sum3A_118 = vector.multi_reduction <add>, %mul3A_116, %reduce_sum3A_117 [1] : vector<1000x16xf32> to vector<1000xf32>
    %broadcast_in_dim3A_119 = vector.shape_cast %reduce_sum3A_118 : vector<1000xf32> to vector<1000x1xf32>
    %get3A_120 = arith.constant 5 : index
    %get3A_121 = arith.constant 0 : index
    %get3A_122 = vector.load %arg4[%get3A_120, %get3A_121] : memref<8x16xf32, #tpu.memory_space<vmem>>, vector<1x16xf32>
    %get3A_123 = vector.shape_cast %get3A_122 : vector<1x16xf32> to vector<16xf32>
    %broadcast_in_dim3A_124 = vector.shape_cast %get3A_123 : vector<16xf32> to vector<1x16xf32>
    %mul3A_125 = vector.broadcast %broadcast_in_dim3A_124 : vector<1x16xf32> to vector<1000x16xf32>
    %mul3A_126 = arith.mulf %slice3A_109, %mul3A_125 : vector<1000x16xf32>
    %reduce_sum3A_127 = arith.constant dense<0.000000e+00> : vector<1000xf32>
    %reduce_sum3A_128 = vector.multi_reduction <add>, %mul3A_126, %reduce_sum3A_127 [1] : vector<1000x16xf32> to vector<1000xf32>
    %broadcast_in_dim3A_129 = vector.shape_cast %reduce_sum3A_128 : vector<1000xf32> to vector<1000x1xf32>
    %slice3A_130 = vector.extract_strided_slice %dot_general3A_5 {offsets = [0, 96], sizes = [1000, 16], strides = [1, 1]} : vector<1000x128xf32> to vector<1000x16xf32>
    %get3A_131 = arith.constant 6 : index
    %get3A_132 = arith.constant 0 : index
    %get3A_133 = vector.load %arg3[%get3A_131, %get3A_132] : memref<8x16xf32, #tpu.memory_space<vmem>>, vector<1x16xf32>
    %get3A_134 = vector.shape_cast %get3A_133 : vector<1x16xf32> to vector<16xf32>
    %broadcast_in_dim3A_135 = vector.shape_cast %get3A_134 : vector<16xf32> to vector<1x16xf32>
    %mul3A_136 = vector.broadcast %broadcast_in_dim3A_135 : vector<1x16xf32> to vector<1000x16xf32>
    %mul3A_137 = arith.mulf %slice3A_130, %mul3A_136 : vector<1000x16xf32>
    %reduce_sum3A_138 = arith.constant dense<0.000000e+00> : vector<1000xf32>
    %reduce_sum3A_139 = vector.multi_reduction <add>, %mul3A_137, %reduce_sum3A_138 [1] : vector<1000x16xf32> to vector<1000xf32>
    %broadcast_in_dim3A_140 = vector.shape_cast %reduce_sum3A_139 : vector<1000xf32> to vector<1000x1xf32>
    %get3A_141 = arith.constant 6 : index
    %get3A_142 = arith.constant 0 : index
    %get3A_143 = vector.load %arg4[%get3A_141, %get3A_142] : memref<8x16xf32, #tpu.memory_space<vmem>>, vector<1x16xf32>
    %get3A_144 = vector.shape_cast %get3A_143 : vector<1x16xf32> to vector<16xf32>
    %broadcast_in_dim3A_145 = vector.shape_cast %get3A_144 : vector<16xf32> to vector<1x16xf32>
    %mul3A_146 = vector.broadcast %broadcast_in_dim3A_145 : vector<1x16xf32> to vector<1000x16xf32>
    %mul3A_147 = arith.mulf %slice3A_130, %mul3A_146 : vector<1000x16xf32>
    %reduce_sum3A_148 = arith.constant dense<0.000000e+00> : vector<1000xf32>
    %reduce_sum3A_149 = vector.multi_reduction <add>, %mul3A_147, %reduce_sum3A_148 [1] : vector<1000x16xf32> to vector<1000xf32>
    %broadcast_in_dim3A_150 = vector.shape_cast %reduce_sum3A_149 : vector<1000xf32> to vector<1000x1xf32>
    %slice3A_151 = vector.extract_strided_slice %dot_general3A_5 {offsets = [0, 112], sizes = [1000, 16], strides = [1, 1]} : vector<1000x128xf32> to vector<1000x16xf32>
    %get3A_152 = arith.constant 7 : index
    %get3A_153 = arith.constant 0 : index
    %get3A_154 = vector.load %arg3[%get3A_152, %get3A_153] : memref<8x16xf32, #tpu.memory_space<vmem>>, vector<1x16xf32>
    %get3A_155 = vector.shape_cast %get3A_154 : vector<1x16xf32> to vector<16xf32>
    %broadcast_in_dim3A_156 = vector.shape_cast %get3A_155 : vector<16xf32> to vector<1x16xf32>
    %mul3A_157 = vector.broadcast %broadcast_in_dim3A_156 : vector<1x16xf32> to vector<1000x16xf32>
    %mul3A_158 = arith.mulf %slice3A_151, %mul3A_157 : vector<1000x16xf32>
    %reduce_sum3A_159 = arith.constant dense<0.000000e+00> : vector<1000xf32>
    %reduce_sum3A_160 = vector.multi_reduction <add>, %mul3A_158, %reduce_sum3A_159 [1] : vector<1000x16xf32> to vector<1000xf32>
    %broadcast_in_dim3A_161 = vector.shape_cast %reduce_sum3A_160 : vector<1000xf32> to vector<1000x1xf32>
    %get3A_162 = arith.constant 7 : index
    %get3A_163 = arith.constant 0 : index
    %get3A_164 = vector.load %arg4[%get3A_162, %get3A_163] : memref<8x16xf32, #tpu.memory_space<vmem>>, vector<1x16xf32>
    %get3A_165 = vector.shape_cast %get3A_164 : vector<1x16xf32> to vector<16xf32>
    %broadcast_in_dim3A_166 = vector.shape_cast %get3A_165 : vector<16xf32> to vector<1x16xf32>
    %mul3A_167 = vector.broadcast %broadcast_in_dim3A_166 : vector<1x16xf32> to vector<1000x16xf32>
    %mul3A_168 = arith.mulf %slice3A_151, %mul3A_167 : vector<1000x16xf32>
    %reduce_sum3A_169 = arith.constant dense<0.000000e+00> : vector<1000xf32>
    %reduce_sum3A_170 = vector.multi_reduction <add>, %mul3A_168, %reduce_sum3A_169 [1] : vector<1000x16xf32> to vector<1000xf32>
    %broadcast_in_dim3A_171 = vector.shape_cast %reduce_sum3A_170 : vector<1000xf32> to vector<1000x1xf32>
    %broadcast_in_dim3A_172 = arith.constant 0.000000e+00 : f32
    %broadcast_in_dim3A_173 = vector.broadcast %broadcast_in_dim3A_172 : f32 to vector<1000x8xf32>
    %concatenate3A = tpu.concatenate %broadcast_in_dim3A_14, %broadcast_in_dim3A_35, %broadcast_in_dim3A_56, %broadcast_in_dim3A_77, %broadcast_in_dim3A_98, %broadcast_in_dim3A_119, %broadcast_in_dim3A_140, %broadcast_in_dim3A_161, %broadcast_in_dim3A_173 in 1 : vector<1000x1xf32>, vector<1000x1xf32>, vector<1000x1xf32>, vector<1000x1xf32>, vector<1000x1xf32>, vector<1000x1xf32>, vector<1000x1xf32>, vector<1000x1xf32>, vector<1000x8xf32> -> vector<1000x16xf32>
    %swap3A_174 = arith.constant 0 : index
    %swap3A_175 = arith.constant 0 : index
    %swap3A_176 = vector.load %arg6[%swap3A_174, %swap3A_175] : memref<1000x16xf32, #tpu.memory_space<vmem>>, vector<1000x16xf32>
    tpu.vector_store %arg6[%swap3A_174, %swap3A_175], %concatenate3A {strides = array<i32>} : memref<1000x16xf32, #tpu.memory_space<vmem>>, vector<1000x16xf32>,
    %concatenate3A_177 = tpu.concatenate %broadcast_in_dim3A_24, %broadcast_in_dim3A_45, %broadcast_in_dim3A_66, %broadcast_in_dim3A_87, %broadcast_in_dim3A_108, %broadcast_in_dim3A_129, %broadcast_in_dim3A_150, %broadcast_in_dim3A_171, %broadcast_in_dim3A_173 in 1 : vector<1000x1xf32>, vector<1000x1xf32>, vector<1000x1xf32>, vector<1000x1xf32>, vector<1000x1xf32>, vector<1000x1xf32>, vector<1000x1xf32>, vector<1000x1xf32>, vector<1000x8xf32> -> vector<1000x16xf32>
    %swap3A_178 = arith.constant 0 : index
    %swap3A_179 = arith.constant 0 : index
    %swap3A_180 = vector.load %arg7[%swap3A_178, %swap3A_179] : memref<1000x16xf32, #tpu.memory_space<vmem>>, vector<1000x16xf32>
    tpu.vector_store %arg7[%swap3A_178, %swap3A_179], %concatenate3A_177 {strides = array<i32>} : memref<1000x16xf32, #tpu.memory_space<vmem>>, vector<1000x16xf32>,
    return
  }
  func.func @transform_0(%arg0: i32) -> (i32, i32) {
    %c0_i32 = arith.constant 0 : i32
    %c0_i32_0 = arith.constant 0 : i32
    return %arg0, %c0_i32 : i32, i32
  }
  func.func @transform_1(%arg0: i32) -> (i32, i32) {
    %c0_i32 = arith.constant 0 : i32
    %c0_i32_0 = arith.constant 0 : i32
    %c0_i32_1 = arith.constant 0 : i32
    return %c0_i32, %c0_i32_0 : i32, i32
  }
  func.func @transform_2(%arg0: i32) -> (i32, i32) {
    %c0_i32 = arith.constant 0 : i32
    %c0_i32_0 = arith.constant 0 : i32
    %c0_i32_1 = arith.constant 0 : i32
    return %c0_i32, %c0_i32_0 : i32, i32
  }
  func.func @transform_3(%arg0: i32) -> (i32, i32) {
    %c0_i32 = arith.constant 0 : i32
    %c0_i32_0 = arith.constant 0 : i32
    %c0_i32_1 = arith.constant 0 : i32
    return %c0_i32, %c0_i32_0 : i32, i32
  }
  func.func @transform_4(%arg0: i32) -> (i32, i32) {
    %c0_i32 = arith.constant 0 : i32
    %c0_i32_0 = arith.constant 0 : i32
    return %arg0, %c0_i32 : i32, i32
  }
  func.func @transform_5(%arg0: i32) -> (i32, i32) {
    %c0_i32 = arith.constant 0 : i32
    %c0_i32_0 = arith.constant 0 : i32
    return %arg0, %c0_i32 : i32, i32
  }
  func.func @transform_6(%arg0: i32) -> (i32, i32) {
    %c0_i32 = arith.constant 0 : i32
    %c0_i32_0 = arith.constant 0 : i32
    return %arg0, %c0_i32 : i32, i32
  }
}

module attributes {stable_mosaic.version = 14 : i64} {
  func.func @_tc2_body(%arg0: i32, %arg1: memref<1000x128xf32, #tpu.memory_space<vmem>>, %arg2: memref<1000x128xf32, #tpu.memory_space<vmem>>, %arg3: memref<1000x16xf32, #tpu.memory_space<vmem>>, %arg4: memref<1000x16xf32, #tpu.memory_space<vmem>>, %arg5: memref<128x64xf32, #tpu.memory_space<vmem>>, %arg6: memref<1x128xf32, #tpu.memory_space<vmem>>, %arg7: memref<1x64xf32, #tpu.memory_space<vmem>>, %arg8: memref<1x64xf32, #tpu.memory_space<vmem>>, %arg9: memref<1000x64xf32, #tpu.memory_space<vmem>>, %arg10: memref<1000x16xf32, #tpu.memory_space<vmem>>, %arg11: memref<1000x16xf32, #tpu.memory_space<vmem>>) attributes {dimension_semantics = [#tpu.dimension_semantics<arbitrary>], iteration_bounds = array<i64: 10>, scalar_prefetch = 0 : i64, scratch_operands = 0 : i64, tpu.core_type = #tpu.core_type<tc>, window_params = [{transform_indices = @transform_0, window_bounds = array<i64: 1000, 128>}, {transform_indices = @transform_1, window_bounds = array<i64: 1000, 128>}, {transform_indices = @transform_2, window_bounds = array<i64: 1000, 16>}, {transform_indices = @transform_3, window_bounds = array<i64: 1000, 16>}, {pipeline_mode = #tpu.pipeline_mode<synchronous>, transform_indices = @transform_4, window_bounds = array<i64: 128, 64>}, {pipeline_mode = #tpu.pipeline_mode<synchronous>, transform_indices = @transform_5, window_bounds = array<i64: 1, 128>}, {pipeline_mode = #tpu.pipeline_mode<synchronous>, transform_indices = @transform_6, window_bounds = array<i64: 1, 64>}, {pipeline_mode = #tpu.pipeline_mode<synchronous>, transform_indices = @transform_7, window_bounds = array<i64: 1, 64>}, {transform_indices = @transform_8, window_bounds = array<i64: 1000, 64>}, {transform_indices = @transform_9, window_bounds = array<i64: 1000, 16>}, {transform_indices = @transform_10, window_bounds = array<i64: 1000, 16>}]} {
    %get3A = arith.constant 0 : index
    %get3A_0 = arith.constant 0 : index
    %get3A_1 = vector.load %arg1[%get3A, %get3A_0] : memref<1000x128xf32, #tpu.memory_space<vmem>>, vector<1000x128xf32>
    %get3A_2 = arith.constant 0 : index
    %get3A_3 = arith.constant 0 : index
    %get3A_4 = vector.load %arg2[%get3A_2, %get3A_3] : memref<1000x128xf32, #tpu.memory_space<vmem>>, vector<1000x128xf32>
    %add3A = arith.addf %get3A_1, %get3A_4 : vector<1000x128xf32>
    %get3A_5 = arith.constant 0 : index
    %get3A_6 = arith.constant 0 : index
    %get3A_7 = vector.load %arg3[%get3A_5, %get3A_6] : memref<1000x16xf32, #tpu.memory_space<vmem>>, vector<1000x16xf32>
    %get3A_8 = arith.constant 0 : index
    %get3A_9 = arith.constant 0 : index
    %get3A_10 = vector.load %arg4[%get3A_8, %get3A_9] : memref<1000x16xf32, #tpu.memory_space<vmem>>, vector<1000x16xf32>
    %add3A_11 = arith.addf %get3A_7, %get3A_10 : vector<1000x16xf32>
    %slice3A = vector.extract_strided_slice %add3A_11 {offsets = [0, 0], sizes = [1000, 1], strides = [1, 1]} : vector<1000x16xf32> to vector<1000x1xf32>
    %add3A_12 = arith.constant 1.000000e-16 : f32
    %add3A_13 = vector.broadcast %add3A_12 : f32 to vector<1000x1xf32>
    %add3A_14 = arith.addf %slice3A, %add3A_13 : vector<1000x1xf32>
    %slice3A_15 = vector.extract_strided_slice %add3A {offsets = [0, 0], sizes = [1000, 16], strides = [1, 1]} : vector<1000x128xf32> to vector<1000x16xf32>
    %div3A = vector.broadcast %add3A_14 : vector<1000x1xf32> to vector<1000x16xf32>
    %div3A_16 = arith.divf %slice3A_15, %div3A : vector<1000x16xf32>
    %slice3A_17 = vector.extract_strided_slice %add3A_11 {offsets = [0, 1], sizes = [1000, 1], strides = [1, 1]} : vector<1000x16xf32> to vector<1000x1xf32>
    %add3A_18 = arith.constant 1.000000e-16 : f32
    %add3A_19 = vector.broadcast %add3A_18 : f32 to vector<1000x1xf32>
    %add3A_20 = arith.addf %slice3A_17, %add3A_19 : vector<1000x1xf32>
    %slice3A_21 = vector.extract_strided_slice %add3A {offsets = [0, 16], sizes = [1000, 16], strides = [1, 1]} : vector<1000x128xf32> to vector<1000x16xf32>
    %div3A_22 = vector.broadcast %add3A_20 : vector<1000x1xf32> to vector<1000x16xf32>
    %div3A_23 = arith.divf %slice3A_21, %div3A_22 : vector<1000x16xf32>
    %slice3A_24 = vector.extract_strided_slice %add3A_11 {offsets = [0, 2], sizes = [1000, 1], strides = [1, 1]} : vector<1000x16xf32> to vector<1000x1xf32>
    %add3A_25 = arith.constant 1.000000e-16 : f32
    %add3A_26 = vector.broadcast %add3A_25 : f32 to vector<1000x1xf32>
    %add3A_27 = arith.addf %slice3A_24, %add3A_26 : vector<1000x1xf32>
    %slice3A_28 = vector.extract_strided_slice %add3A {offsets = [0, 32], sizes = [1000, 16], strides = [1, 1]} : vector<1000x128xf32> to vector<1000x16xf32>
    %div3A_29 = vector.broadcast %add3A_27 : vector<1000x1xf32> to vector<1000x16xf32>
    %div3A_30 = arith.divf %slice3A_28, %div3A_29 : vector<1000x16xf32>
    %slice3A_31 = vector.extract_strided_slice %add3A_11 {offsets = [0, 3], sizes = [1000, 1], strides = [1, 1]} : vector<1000x16xf32> to vector<1000x1xf32>
    %add3A_32 = arith.constant 1.000000e-16 : f32
    %add3A_33 = vector.broadcast %add3A_32 : f32 to vector<1000x1xf32>
    %add3A_34 = arith.addf %slice3A_31, %add3A_33 : vector<1000x1xf32>
    %slice3A_35 = vector.extract_strided_slice %add3A {offsets = [0, 48], sizes = [1000, 16], strides = [1, 1]} : vector<1000x128xf32> to vector<1000x16xf32>
    %div3A_36 = vector.broadcast %add3A_34 : vector<1000x1xf32> to vector<1000x16xf32>
    %div3A_37 = arith.divf %slice3A_35, %div3A_36 : vector<1000x16xf32>
    %slice3A_38 = vector.extract_strided_slice %add3A_11 {offsets = [0, 4], sizes = [1000, 1], strides = [1, 1]} : vector<1000x16xf32> to vector<1000x1xf32>
    %add3A_39 = arith.constant 1.000000e-16 : f32
    %add3A_40 = vector.broadcast %add3A_39 : f32 to vector<1000x1xf32>
    %add3A_41 = arith.addf %slice3A_38, %add3A_40 : vector<1000x1xf32>
    %slice3A_42 = vector.extract_strided_slice %add3A {offsets = [0, 64], sizes = [1000, 16], strides = [1, 1]} : vector<1000x128xf32> to vector<1000x16xf32>
    %div3A_43 = vector.broadcast %add3A_41 : vector<1000x1xf32> to vector<1000x16xf32>
    %div3A_44 = arith.divf %slice3A_42, %div3A_43 : vector<1000x16xf32>
    %slice3A_45 = vector.extract_strided_slice %add3A_11 {offsets = [0, 5], sizes = [1000, 1], strides = [1, 1]} : vector<1000x16xf32> to vector<1000x1xf32>
    %add3A_46 = arith.constant 1.000000e-16 : f32
    %add3A_47 = vector.broadcast %add3A_46 : f32 to vector<1000x1xf32>
    %add3A_48 = arith.addf %slice3A_45, %add3A_47 : vector<1000x1xf32>
    %slice3A_49 = vector.extract_strided_slice %add3A {offsets = [0, 80], sizes = [1000, 16], strides = [1, 1]} : vector<1000x128xf32> to vector<1000x16xf32>
    %div3A_50 = vector.broadcast %add3A_48 : vector<1000x1xf32> to vector<1000x16xf32>
    %div3A_51 = arith.divf %slice3A_49, %div3A_50 : vector<1000x16xf32>
    %slice3A_52 = vector.extract_strided_slice %add3A_11 {offsets = [0, 6], sizes = [1000, 1], strides = [1, 1]} : vector<1000x16xf32> to vector<1000x1xf32>
    %add3A_53 = arith.constant 1.000000e-16 : f32
    %add3A_54 = vector.broadcast %add3A_53 : f32 to vector<1000x1xf32>
    %add3A_55 = arith.addf %slice3A_52, %add3A_54 : vector<1000x1xf32>
    %slice3A_56 = vector.extract_strided_slice %add3A {offsets = [0, 96], sizes = [1000, 16], strides = [1, 1]} : vector<1000x128xf32> to vector<1000x16xf32>
    %div3A_57 = vector.broadcast %add3A_55 : vector<1000x1xf32> to vector<1000x16xf32>
    %div3A_58 = arith.divf %slice3A_56, %div3A_57 : vector<1000x16xf32>
    %slice3A_59 = vector.extract_strided_slice %add3A_11 {offsets = [0, 7], sizes = [1000, 1], strides = [1, 1]} : vector<1000x16xf32> to vector<1000x1xf32>
    %add3A_60 = arith.constant 1.000000e-16 : f32
    %add3A_61 = vector.broadcast %add3A_60 : f32 to vector<1000x1xf32>
    %add3A_62 = arith.addf %slice3A_59, %add3A_61 : vector<1000x1xf32>
    %slice3A_63 = vector.extract_strided_slice %add3A {offsets = [0, 112], sizes = [1000, 16], strides = [1, 1]} : vector<1000x128xf32> to vector<1000x16xf32>
    %div3A_64 = vector.broadcast %add3A_62 : vector<1000x1xf32> to vector<1000x16xf32>
    %div3A_65 = arith.divf %slice3A_63, %div3A_64 : vector<1000x16xf32>
    %concatenate3A = tpu.concatenate %div3A_16, %div3A_23, %div3A_30, %div3A_37, %div3A_44, %div3A_51, %div3A_58, %div3A_65 in 1 : vector<1000x16xf32>, vector<1000x16xf32>, vector<1000x16xf32>, vector<1000x16xf32>, vector<1000x16xf32>, vector<1000x16xf32>, vector<1000x16xf32>, vector<1000x16xf32> -> vector<1000x128xf32>
    %get3A_66 = arith.constant 0 : index
    %get3A_67 = arith.constant 0 : index
    %get3A_68 = vector.load %arg6[%get3A_66, %get3A_67] : memref<1x128xf32, #tpu.memory_space<vmem>>, vector<1x128xf32>
    %add3A_69 = vector.broadcast %get3A_68 : vector<1x128xf32> to vector<1000x128xf32>
    %add3A_70 = arith.addf %concatenate3A, %add3A_69 : vector<1000x128xf32>
    %max3A = arith.constant 0.000000e+00 : f32
    %max3A_71 = vector.broadcast %max3A : f32 to vector<1000x128xf32>
    %max3A_72 = arith.maximumf %add3A_70, %max3A_71 : vector<1000x128xf32>
    %get3A_73 = arith.constant 0 : index
    %get3A_74 = arith.constant 0 : index
    %get3A_75 = vector.load %arg5[%get3A_73, %get3A_74] : memref<128x64xf32, #tpu.memory_space<vmem>>, vector<128x64xf32>
    %dot_general3A = arith.constant dense<0.000000e+00> : vector<1000x64xf32>
    %dot_general3A_76 = tpu.matmul %max3A_72, %get3A_75, %dot_general3A {dimension_numbers = #tpu.dot_dimension_numbers<[1], [0], [0], [1], [0, 0, 1, 1], [], []>, transpose_lhs_hint = false} : vector<1000x128xf32>, vector<128x64xf32>, vector<1000x64xf32> -> vector<1000x64xf32>
    %swap3A = arith.constant 0 : index
    %swap3A_77 = arith.constant 0 : index
    %swap3A_78 = vector.load %arg9[%swap3A, %swap3A_77] : memref<1000x64xf32, #tpu.memory_space<vmem>>, vector<1000x64xf32>
    tpu.vector_store %arg9[%swap3A, %swap3A_77], %dot_general3A_76 {strides = array<i32>} : memref<1000x64xf32, #tpu.memory_space<vmem>>, vector<1000x64xf32>,
    %broadcast_in_dim3A = arith.constant 0.000000e+00 : f32
    %broadcast_in_dim3A_79 = vector.broadcast %broadcast_in_dim3A : f32 to vector<1000x15xf32>
    %get3A_80 = arith.constant 0 : index
    %get3A_81 = arith.constant 0 : index
    %get3A_82 = vector.load %arg7[%get3A_80, %get3A_81] : memref<1x64xf32, #tpu.memory_space<vmem>>, vector<1x64xf32>
    %mul3A = vector.broadcast %get3A_82 : vector<1x64xf32> to vector<1000x64xf32>
    %mul3A_83 = arith.mulf %dot_general3A_76, %mul3A : vector<1000x64xf32>
    %reduce_sum3A = arith.constant dense<0.000000e+00> : vector<1000xf32>
    %reduce_sum3A_84 = vector.multi_reduction <add>, %mul3A_83, %reduce_sum3A [1] : vector<1000x64xf32> to vector<1000xf32>
    %broadcast_in_dim3A_85 = vector.shape_cast %reduce_sum3A_84 : vector<1000xf32> to vector<1000x1xf32>
    %concatenate3A_86 = tpu.concatenate %broadcast_in_dim3A_85, %broadcast_in_dim3A_79 in 1 : vector<1000x1xf32>, vector<1000x15xf32> -> vector<1000x16xf32>
    %swap3A_87 = arith.constant 0 : index
    %swap3A_88 = arith.constant 0 : index
    %swap3A_89 = vector.load %arg10[%swap3A_87, %swap3A_88] : memref<1000x16xf32, #tpu.memory_space<vmem>>, vector<1000x16xf32>
    tpu.vector_store %arg10[%swap3A_87, %swap3A_88], %concatenate3A_86 {strides = array<i32>} : memref<1000x16xf32, #tpu.memory_space<vmem>>, vector<1000x16xf32>,
    %get3A_90 = arith.constant 0 : index
    %get3A_91 = arith.constant 0 : index
    %get3A_92 = vector.load %arg8[%get3A_90, %get3A_91] : memref<1x64xf32, #tpu.memory_space<vmem>>, vector<1x64xf32>
    %mul3A_93 = vector.broadcast %get3A_92 : vector<1x64xf32> to vector<1000x64xf32>
    %mul3A_94 = arith.mulf %dot_general3A_76, %mul3A_93 : vector<1000x64xf32>
    %reduce_sum3A_95 = arith.constant dense<0.000000e+00> : vector<1000xf32>
    %reduce_sum3A_96 = vector.multi_reduction <add>, %mul3A_94, %reduce_sum3A_95 [1] : vector<1000x64xf32> to vector<1000xf32>
    %broadcast_in_dim3A_97 = vector.shape_cast %reduce_sum3A_96 : vector<1000xf32> to vector<1000x1xf32>
    %concatenate3A_98 = tpu.concatenate %broadcast_in_dim3A_97, %broadcast_in_dim3A_79 in 1 : vector<1000x1xf32>, vector<1000x15xf32> -> vector<1000x16xf32>
    %swap3A_99 = arith.constant 0 : index
    %swap3A_100 = arith.constant 0 : index
    %swap3A_101 = vector.load %arg11[%swap3A_99, %swap3A_100] : memref<1000x16xf32, #tpu.memory_space<vmem>>, vector<1000x16xf32>
    tpu.vector_store %arg11[%swap3A_99, %swap3A_100], %concatenate3A_98 {strides = array<i32>} : memref<1000x16xf32, #tpu.memory_space<vmem>>, vector<1000x16xf32>,
    return
  }
  func.func @transform_0(%arg0: i32) -> (i32, i32) {
    %c0_i32 = arith.constant 0 : i32
    %c0_i32_0 = arith.constant 0 : i32
    return %arg0, %c0_i32 : i32, i32
  }
  func.func @transform_1(%arg0: i32) -> (i32, i32) {
    %c0_i32 = arith.constant 0 : i32
    %c0_i32_0 = arith.constant 0 : i32
    return %arg0, %c0_i32 : i32, i32
  }
  func.func @transform_2(%arg0: i32) -> (i32, i32) {
    %c0_i32 = arith.constant 0 : i32
    %c0_i32_0 = arith.constant 0 : i32
    return %arg0, %c0_i32 : i32, i32
  }
  func.func @transform_3(%arg0: i32) -> (i32, i32) {
    %c0_i32 = arith.constant 0 : i32
    %c0_i32_0 = arith.constant 0 : i32
    return %arg0, %c0_i32 : i32, i32
  }
  func.func @transform_4(%arg0: i32) -> (i32, i32) {
    %c0_i32 = arith.constant 0 : i32
    %c0_i32_0 = arith.constant 0 : i32
    %c0_i32_1 = arith.constant 0 : i32
    return %c0_i32, %c0_i32_0 : i32, i32
  }
  func.func @transform_5(%arg0: i32) -> (i32, i32) {
    %c0_i32 = arith.constant 0 : i32
    %c0_i32_0 = arith.constant 0 : i32
    %c0_i32_1 = arith.constant 0 : i32
    return %c0_i32, %c0_i32_0 : i32, i32
  }
  func.func @transform_6(%arg0: i32) -> (i32, i32) {
    %c0_i32 = arith.constant 0 : i32
    %c0_i32_0 = arith.constant 0 : i32
    %c0_i32_1 = arith.constant 0 : i32
    return %c0_i32, %c0_i32_0 : i32, i32
  }
  func.func @transform_7(%arg0: i32) -> (i32, i32) {
    %c0_i32 = arith.constant 0 : i32
    %c0_i32_0 = arith.constant 0 : i32
    %c0_i32_1 = arith.constant 0 : i32
    return %c0_i32, %c0_i32_0 : i32, i32
  }
  func.func @transform_8(%arg0: i32) -> (i32, i32) {
    %c0_i32 = arith.constant 0 : i32
    %c0_i32_0 = arith.constant 0 : i32
    return %arg0, %c0_i32 : i32, i32
  }
  func.func @transform_9(%arg0: i32) -> (i32, i32) {
    %c0_i32 = arith.constant 0 : i32
    %c0_i32_0 = arith.constant 0 : i32
    return %arg0, %c0_i32 : i32, i32
  }
  func.func @transform_10(%arg0: i32) -> (i32, i32) {
    %c0_i32 = arith.constant 0 : i32
    %c0_i32_0 = arith.constant 0 : i32
    return %arg0, %c0_i32 : i32, i32
  }
}

module attributes {stable_mosaic.version = 14 : i64} {
  func.func @_tc3_body(%arg0: i32, %arg1: memref<1000x64xf32, #tpu.memory_space<vmem>>, %arg2: memref<1000x64xf32, #tpu.memory_space<vmem>>, %arg3: memref<1000x16xf32, #tpu.memory_space<vmem>>, %arg4: memref<1000x16xf32, #tpu.memory_space<vmem>>, %arg5: memref<1x64xf32, #tpu.memory_space<vmem>>, %arg6: memref<1000x64xf32, #tpu.memory_space<vmem>>) attributes {dimension_semantics = [#tpu.dimension_semantics<arbitrary>], iteration_bounds = array<i64: 10>, scalar_prefetch = 0 : i64, scratch_operands = 0 : i64, tpu.core_type = #tpu.core_type<tc>, window_params = [{transform_indices = @transform_0, window_bounds = array<i64: 1000, 64>}, {transform_indices = @transform_1, window_bounds = array<i64: 1000, 64>}, {transform_indices = @transform_2, window_bounds = array<i64: 1000, 16>}, {transform_indices = @transform_3, window_bounds = array<i64: 1000, 16>}, {pipeline_mode = #tpu.pipeline_mode<synchronous>, transform_indices = @transform_4, window_bounds = array<i64: 1, 64>}, {transform_indices = @transform_5, window_bounds = array<i64: 1000, 64>}]} {
    %get3A = arith.constant 0 : index
    %get3A_0 = arith.constant 0 : index
    %get3A_1 = vector.load %arg1[%get3A, %get3A_0] : memref<1000x64xf32, #tpu.memory_space<vmem>>, vector<1000x64xf32>
    %get3A_2 = arith.constant 0 : index
    %get3A_3 = arith.constant 0 : index
    %get3A_4 = vector.load %arg2[%get3A_2, %get3A_3] : memref<1000x64xf32, #tpu.memory_space<vmem>>, vector<1000x64xf32>
    %add3A = arith.addf %get3A_1, %get3A_4 : vector<1000x64xf32>
    %get3A_5 = arith.constant 0 : index
    %get3A_6 = arith.constant 0 : index
    %get3A_7 = vector.load %arg3[%get3A_5, %get3A_6] : memref<1000x16xf32, #tpu.memory_space<vmem>>, vector<1000x16xf32>
    %slice3A = vector.extract_strided_slice %get3A_7 {offsets = [0, 0], sizes = [1000, 1], strides = [1, 1]} : vector<1000x16xf32> to vector<1000x1xf32>
    %get3A_8 = arith.constant 0 : index
    %get3A_9 = arith.constant 0 : index
    %get3A_10 = vector.load %arg4[%get3A_8, %get3A_9] : memref<1000x16xf32, #tpu.memory_space<vmem>>, vector<1000x16xf32>
    %slice3A_11 = vector.extract_strided_slice %get3A_10 {offsets = [0, 0], sizes = [1000, 1], strides = [1, 1]} : vector<1000x16xf32> to vector<1000x1xf32>
    %add3A_12 = arith.addf %slice3A, %slice3A_11 : vector<1000x1xf32>
    %add3A_13 = arith.constant 1.000000e-16 : f32
    %add3A_14 = vector.broadcast %add3A_13 : f32 to vector<1000x1xf32>
    %add3A_15 = arith.addf %add3A_12, %add3A_14 : vector<1000x1xf32>
    %div3A = vector.broadcast %add3A_15 : vector<1000x1xf32> to vector<1000x64xf32>
    %div3A_16 = arith.divf %add3A, %div3A : vector<1000x64xf32>
    %get3A_17 = arith.constant 0 : index
    %get3A_18 = arith.constant 0 : index
    %get3A_19 = vector.load %arg5[%get3A_17, %get3A_18] : memref<1x64xf32, #tpu.memory_space<vmem>>, vector<1x64xf32>
    %add3A_20 = vector.broadcast %get3A_19 : vector<1x64xf32> to vector<1000x64xf32>
    %add3A_21 = arith.addf %div3A_16, %add3A_20 : vector<1000x64xf32>
    %swap3A = arith.constant 0 : index
    %swap3A_22 = arith.constant 0 : index
    %swap3A_23 = vector.load %arg6[%swap3A, %swap3A_22] : memref<1000x64xf32, #tpu.memory_space<vmem>>, vector<1000x64xf32>
    tpu.vector_store %arg6[%swap3A, %swap3A_22], %add3A_21 {strides = array<i32>} : memref<1000x64xf32, #tpu.memory_space<vmem>>, vector<1000x64xf32>,
    return
  }
  func.func @transform_0(%arg0: i32) -> (i32, i32) {
    %c0_i32 = arith.constant 0 : i32
    %c0_i32_0 = arith.constant 0 : i32
    return %arg0, %c0_i32 : i32, i32
  }
  func.func @transform_1(%arg0: i32) -> (i32, i32) {
    %c0_i32 = arith.constant 0 : i32
    %c0_i32_0 = arith.constant 0 : i32
    return %arg0, %c0_i32 : i32, i32
  }
  func.func @transform_2(%arg0: i32) -> (i32, i32) {
    %c0_i32 = arith.constant 0 : i32
    %c0_i32_0 = arith.constant 0 : i32
    return %arg0, %c0_i32 : i32, i32
  }
  func.func @transform_3(%arg0: i32) -> (i32, i32) {
    %c0_i32 = arith.constant 0 : i32
    %c0_i32_0 = arith.constant 0 : i32
    return %arg0, %c0_i32 : i32, i32
  }
  func.func @transform_4(%arg0: i32) -> (i32, i32) {
    %c0_i32 = arith.constant 0 : i32
    %c0_i32_0 = arith.constant 0 : i32
    %c0_i32_1 = arith.constant 0 : i32
    return %c0_i32, %c0_i32_0 : i32, i32
  }
  func.func @transform_5(%arg0: i32) -> (i32, i32) {
    %c0_i32 = arith.constant 0 : i32
    %c0_i32_0 = arith.constant 0 : i32
    return %arg0, %c0_i32 : i32, i32
  }
}

</mosaic_0001>

<sc_bundles>
// kernel: kernel.10.cloned.1.call-start
scs
__scs_entry_jumppad:
0x0: {  	(pc) =	sbr.rel $0x88, $3  }
0x1: {  	(tag) =	ssettag $0x0;
	lr =	simm.s32 $0x1  }
0x2: {  	[smem:$0x3F97] =	sst lr;
	_ =	strace $0xD0000000  }
0x3: {  	_ = 	snop  }
0x4: {  	_ = 	snop  }
0x5: {  	_ = 	snop  }
0x6: {  	_ = 	snop  }
0x7: {  	_ = 	snop  }
__scs_overlays_trampoline_lowered:
0x8: {  	[smem:$0x3FA6] =	sst s0  }
0x9: {  	[smem:$0x3FA7] =	sst s1  }
0xa: {  	[smem:$0x3FA8] =	sst s2  }
0xb: {  	[smem:$0x3FA9] =	sst s3  }
0xc: {  	[smem:$0x3FAA] =	sst s4  }
0xd: {  	[smem:$0x3FAB] =	sst s5  }
0xe: {  	[smem:$0x3FAC] =	sst s6  }
0xf: {  	[smem:$0x3FAD] =	sst s7  }
0x10: {  	[smem:$0x3FAE] =	sst s8  }
0x11: {  	[smem:$0x3FAF] =	sst s9;
	s0 =	simm.s32 @!p0 $0x0  }
0x12: {  	s1 =	sld [smem:$0x3F95];
	s0 =	simm.s32 @p0 $0x1  }
0x13: {  	[smem:$0x3FB0] =	sst s0;
	s0 =	simm.s32 @!p1 $0x0  }
0x14: {  	s2 =	sld [smem:$0x3F94];
	s0 =	simm.s32 @p1 $0x1  }
0x15: {  	[smem:$0x3FB1] =	sst s0;
	s0 =	simm.s32 @!p2 $0x0  }
0x16: {  	s3 =	sld [smem:$0x3FDB];
	s0 =	simm.s32 @p2 $0x1  }
0x17: {  	s4 =	simm.s32 $0x1BF5;
	[smem:$0x3FB3] =	sst s0  }
0x18: {  	s0 =	sld [smem:$0x3F96];
	_ =	swait.ge [sflag:s4], $0x0  }
0x19: {  	s7 =	sld [smem:$0x3F97]  }
0x1a: {  	s8 =	sadd.s32 $0xFFFFE003, lr  }
0x1b: {  	s9 =	sadd.s32 $0xFFFFFEF7, lr;
	s5 =	simm.s32 $0xFFFFFFFF;
	p2 =	slt.u32 s8, $0xFFFFF086  }
0x1c: {  	p1 =	slt.u32 s9, $0xF7A;
	s5 =	simm.s32 @!p2 $0x0  }
0x1d: {  	s5 =	simm.s32 @p1 $0x1;
	p0 =	seq.s32 s7, s2  }
0x1e: {  	s7 =	smul.u32 @!p0 $0xF7A, s2;
	p2 =	seq.s32 @!p0 s5, $0x0  }
0x1f: {  	s9 =	smul.u32 $0xF7A, s1;
	s8 =	simm.s32 @!p0 $0x1BF5;
	p2 =	por !p2, p0  }
0x20: {  	[sflag:s8] =	ssyncset.s32 @!p0 $0xFFFFF086;
	s6 =	sadd.s32 @!p0 s3, s7;
	s7 =	simm.s32 @!p0 $0x108  }
0x21: {  	s3 =	sadd.s32 s3, s9;
	s6 =	sadd.s32 @!p0 $0x88, s6;
	s7 =	simm.s32 @p2 $0x1082  }
0x22: {  	[simem:s7], [sflag:s8] =	dma.local @!p0 [hbm:s6], $0xF7A  }
0x23: {  	s9 =	sor.u32 $0xD0000000, s2;
	s6 =	simm.s32 $0x108;
	_ =	swait.ge @!p0 [sflag:s8], $0x0  }
0x24: {  	s3 =	sadd.s32 $0x88, s3;
	s6 =	simm.s32 @!p1 $0x1082;
	[sflag:s4] =	ssyncset.s32 $0xFFFFF086  }
0x25: {  	[simem:s6], [sflag:s4] =	dma.local [hbm:s3], $0xF7A  }
0x26: {  	[smem:$0x3F97] =	sst s1;
	(tag) =	ssettag s2;
	_ =	strace s9  }
0x27: {  	s1 =	sld [smem:$0x3FA7]  }
0x28: {  	s2 =	sld [smem:$0x3FA8]  }
0x29: {  	s4 =	sld [smem:$0x3FAA]  }
0x2a: {  	p0 =	seq.s32 s5, $0x0;
	s5 =	sld [smem:$0x3FAB]  }
0x2b: {  	s6 =	sld [smem:$0x3FAC]  }
0x2c: {  	s7 =	sld [smem:$0x3FAD]  }
0x2d: {  	s3 =	simm.s32 $0x108;
	s8 =	sld [smem:$0x3FAE]  }
0x2e: {  	s3 =	simm.s32 @!p0 $0x1082;
	s9 =	sld [smem:$0x3FAF]  }
0x2f: {  	lr =	sadd.s32 s0, s3;
	s0 =	sld [smem:$0x3FA6]  }
0x30: {  	s3 =	sld [smem:$0x3FA9]  }
0x31: {  	[smem:$0x3FB2] =	sst s10  }
0x32: {  	s10 =	sld [smem:$0x3FB0];
	_ =	sdelay $0x3  }
0x33: {  	p0 =	seq.s32 s10, $0x1;
	s10 =	sld [smem:$0x3FB2];
	_ =	sdelay $0x3  }
0x34: {  	[smem:$0x3FB2] =	sst s10  }
0x35: {  	s10 =	sld [smem:$0x3FB1];
	_ =	sdelay $0x3  }
0x36: {  	p1 =	seq.s32 s10, $0x1;
	s10 =	sld [smem:$0x3FB2];
	_ =	sdelay $0x3  }
0x37: {  	[smem:$0x3FB2] =	sst s10  }
0x38: {  	s10 =	sld [smem:$0x3FB3]  }
0x39: {  	_ = 	snop;
	(pc) =	sbr.ind lr, $3  }
0x3a: {  	_ = 	snop  }
0x3b: {  	_ = 	snop  }
0x3c: {  	p2 =	seq.s32 s10, $0x1;
	s10 =	sld [smem:$0x3FB2]  }
0x3d: {  	_ =	shalt  }
0x3e: {  	_ =	shalt  }
0x3f: {  	_ =	shalt  }
0x40: {  	_ =	shalt  }
0x41: {  	_ =	shalt  }
0x42: {  	_ =	shalt  }
0x43: {  	_ =	shalt  }
0x44: {  	_ =	shalt  }
0x45: {  	_ =	shalt  }
0x46: {  	_ =	shalt  }
0x47: {  	_ =	shalt  }
0x48: {  	_ =	shalt  }
0x49: {  	_ =	shalt  }
0x4a: {  	_ =	shalt  }
0x4b: {  	_ =	shalt  }
0x4c: {  	_ =	shalt  }
0x4d: {  	_ =	shalt  }
0x4e: {  	_ =	shalt  }
0x4f: {  	_ =	shalt  }
0x50: {  	_ =	shalt  }
0x51: {  	_ =	shalt  }
0x52: {  	_ =	shalt  }
0x53: {  	_ =	shalt  }
0x54: {  	_ =	shalt  }
0x55: {  	_ =	shalt  }
0x56: {  	_ =	shalt  }
0x57: {  	_ =	shalt  }
0x58: {  	_ =	shalt  }
0x59: {  	_ =	shalt  }
0x5a: {  	_ =	shalt  }
0x5b: {  	_ =	shalt  }
0x5c: {  	_ =	shalt  }
0x5d: {  	_ =	shalt  }
0x5e: {  	_ =	shalt  }
0x5f: {  	_ =	shalt  }
0x60: {  	_ =	shalt  }
0x61: {  	_ =	shalt  }
0x62: {  	_ =	shalt  }
0x63: {  	_ =	shalt  }
0x64: {  	_ =	shalt  }
0x65: {  	_ =	shalt  }
0x66: {  	_ =	shalt  }
0x67: {  	_ =	shalt  }
0x68: {  	_ =	shalt  }
0x69: {  	_ =	shalt  }
0x6a: {  	_ =	shalt  }
0x6b: {  	_ =	shalt  }
0x6c: {  	_ =	shalt  }
0x6d: {  	_ =	shalt  }
0x6e: {  	_ =	shalt  }
0x6f: {  	_ =	shalt  }
0x70: {  	_ =	shalt  }
0x71: {  	_ =	shalt  }
0x72: {  	_ =	shalt  }
0x73: {  	_ =	shalt  }
0x74: {  	_ =	shalt  }
0x75: {  	_ =	shalt  }
0x76: {  	_ =	shalt  }
0x77: {  	_ =	shalt  }
0x78: {  	_ =	shalt  }
0x79: {  	_ =	shalt  }
0x7a: {  	_ =	shalt  }
0x7b: {  	_ =	shalt  }
0x7c: {  	_ =	shalt  }
0x7d: {  	_ =	shalt  }
0x7e: {  	_ =	shalt  }
0x7f: {  	_ =	shalt  }
0x80: {  	_ =	shalt  }
0x81: {  	_ =	shalt  }
0x82: {  	_ =	shalt  }
0x83: {  	_ =	shalt  }
0x84: {  	_ =	shalt  }
0x85: {  	_ =	shalt  }
0x86: {  	_ =	shalt  }
0x87: {  	_ =	shalt  }
.Lfunc_end0:
.L_simem_size_0:
called_computation.1_lowered:
.L_overlay_start_0:
0x88: {  	s2 =	sld [smem:$0x3FD9]  }
0x89: {  	s3 =	sld [smem:$0x3FFE];
	_ =	sdelay $0x1  }
0x8a: {  	s1 =	srdreg.scid  }
0x8b: {  	s0 =	sand.u32 $0x1, s1  }
0x8c: {  	s17 =	sshll.u32 s0, $0xA;
	s2 =	sadd.s32 s3, s2  }
0x8d: {  	s2 =	sadd.s32 s2, s17  }
0x8e: {  	[smem:$0x3FBE] =	sst s2  }
0x8f: {  	_ = 	snop  }
0x90: {  	s2 =	sld [smem:$0x3FD0];
	(tm) =	ssettm $0x1  }
0x91: {  	s18 =	sld [smem:$0x3FFB];
	_ =	sdelay $0x3  }
0x92: {  	_ =	strace s18  }
0x93: {  	s3 =	sld [smem:$0x3FFC];
	_ =	sdelay $0x3  }
0x94: {  	_ =	strace s3  }
0x95: {  	s3 =	sld [smem:$0x3FFD];
	_ =	sdelay $0x3  }
0x96: {  	_ =	strace s3  }
0x97: {  	_ =	strace $0x8FFFFFFF  }
0x98: {  	s19 =	sld [smem:$0x3FDB];
	_ =	sdelay $0x1  }
0x99: {  	s4 =	simm.s32 $_scs_section_size  }
0x9a: {  	s5 =	simm.s32 $_size__tile_overlayer_lowered;
	s6 =	simm.s32 $_tile_overlayer_lowered  }
0x9b: {  	s22 =	simm.s32 $0x1BFF;
	s21 =	sshll.u32 s6, $0x1;
	s3 =	sadd.s32 s4, s19  }
0x9c: {  	s7 =	simm.s32 $0x0;
	s20 =	sshll.u32 s5, $0x1;
	s5 =	sadd.s32 s21, s3  }
0x9d: {  	[timem:s7], [sflag:s22] =	dma.local [hbm:s5], s20  }
0x9e: {  	_ =	swait.ge [sflag:s22], s20  }
0x9f: {  	s4 =	ssub.s32 $0x0, s20;
	[sflag:s22] =	ssyncset.done $0x0  }
0xa0: {  	[sflag:s22] =	ssyncadd.s32 s4;
	_ =	sdelay $0x1  }
0xa1: {  	s23 =	simm.s32 $0x1B8B  }
0xa2: {  	_ =	swait.ge [sflag:s23], $0x1  }
0xa3: {  	[sflag:s23] =	ssyncset.done $0x0  }
0xa4: {  	s25 =	simm.s32 $0x1B8E;
	s24 =	sld [smem:$0x3FFE];
	[sflag:s23] =	ssyncadd.s32 $0xFFFFFFFF  }
0xa5: {  	s26 =	simm.s32 $execute0_lowered;
	[smem:$0x3FD2] =	sst s25  }
0xa6: {  	s5 =	sshll.u32 s26, $0x1;
	_ =	strace $0x80000049;
	[dreg:$0x1] =	wrdreg $0xFFFFFFFF  }
0xa7: {  	s28 =	simm.s32 $_size_execute0_lowered;
	s3 =	sadd.s32 s3, s5;
	[dreg:$0x0] =	wrdreg $0x0  }
0xa8: {  	s5 =	sshll.u32 s28, $0x1;
	[dreg:$0x2] =	wrdreg s3  }
0xa9: {  	[dreg:$0x3] =	wrdreg s5  }
0xaa: {  	[dreg:$0x4] =	wrdreg $0xC0  }
0xab: {  	_ =	task [dreg:s7], $0x5FFFF  }
0xac: {  	[dreg:$0x1] =	wrdreg $0xFFFFFFFF  }
0xad: {  	[dreg:$0x0] =	wrdreg $0x60  }
0xae: {  	[dreg:$0x2] =	wrdreg s2  }
0xaf: {  	[dreg:$0x3] =	wrdreg s24  }
0xb0: {  	[dreg:$0x4] =	wrdreg $0x64F00  }
0xb1: {  	[dreg:$0x5] =	wrdreg $0x101300  }
0xb2: {  	[dreg:$0x6] =	wrdreg $0x9  }
0xb3: {  	_ =	task.clear_ibuf [dreg:s7], $0x7FFFF;
	_ =	strace $0x90000049  }
0xb4: {  	s29 =	simm.s32 $0x9;
	_ =	strace $0x8000004B  }
0xb5: {  	_ =	swait.ge [sflag:s29], $0x1  }
0xb6: {  	[sflag:s29] =	ssyncadd.s32 $0xFFFFFFFF  }
0xb7: {  	_ =	strace $0x9000004B  }
0xb8: {  	_ =	sfence  }
0xb9: {  	s30 =	sld [smem:$0x0];
	_ =	sdelay $0x2  }
0xba: {  	s31 =	sshll.u32 s1, $0xD;
	s1 =	sshrl.u32 s1, $0x2  }
0xbb: {  	s3 =	sand.u32 $0x4000, s31;
	s1 =	sadd.s32 s1, s30  }
0xbc: {  	s0 =	sor.u32 s3, s0;
	s1 =	sshll.u32 s1, $0x11  }
0xbd: {  	s0 =	sor.u32 s1, s0  }
0xbe: {  	s0 =	sadd.s32 $0x8F2B, s0  }
0xbf: {  	[sflag:s0] =	ssyncadd.remote.s32 $0x1  }
0xc0: {  	_ =	sfence.sel $0xFFFF  }
0xc1: {  	[dreg:$0x0] =	wrdreg $0xFFFFFFFF;
	(pc) =	sbr.abs _section_cstart, $3  }
0xc2: {  	[dreg:$0x1] =	wrdreg $0xFFFFFFFF  }
0xc3: {  	_ =	task.clear_ibuf [dreg:s7], $0x2FFFF;
	_ =	strace $0x9FFFFFFF  }
0xc4: {  	(tm) =	ssettm $0x7FFFFFFF  }
0xc5: {  	_ =	shalt  }
tec
execute0_lowered:
.L_overlay_start_1:
0x0: {  	(tag) =	ssettag $0x1  }
0x1: {  	s1 =	rddreg [dreg:$0x0]  }
0x2: {  	s0 =	rddreg [dreg:$0x1]  }
0x3: {  	s2 =	rddreg [dreg:$0x2]  }
0x4: {  	s4 =	rddreg [dreg:$0x3]  }
0x5: {  	s5 =	simm.s32 $0x0;
	s3 =	srdreg.scid;
	s12 =	stileid.u32  }
0x6: {  	s28 =	simm.s32 $0x50;
	s29 =	simm.s32 $0x1;
	s30 =	simm.s32 $0xAA0  }
0x7: {  	s31 =	simm.s32 $0xA0;
	[smem:$0x7FF] =	sst s5;
	s3 =	sand.u32 $0x1, s3  }
0x8: {  	s15 =	smul.u32 $0x2710, s12;
	s6 =	sadd.s32 $0x16800, s0;
	s7 =	sadd.s32 $0x1B800, s0  }
0x9: {  	s8 =	sadd.s32 $0xCA00, s0;
	s9 =	sadd.s32 $0x2C00, s0;
	s17 =	sadd.s32 $0x20800, s0  }
0xa: {  	s16 =	smul.u32 $0x9C40, s12;
	s12 =	sshll.u32 s12, $0x1;
	_ =	strace $0x8000004A  }
0xb: {  	s10 =	smul.u32 $0x27100, s3;
	s11 =	ssub.s32 $0x2, s3;
	s19 =	sor.u32 s3, s12  }
0xc: {  	s3 =	smul.u32 $0x9C400, s3;
	s25 =	sshrl.u32 s11, $0x1;
	s20 =	sadd.s32 $0x1F40, s16  }
0xd: {  	s21 =	sadd.s32 $0x3E80, s16;
	s22 =	sadd.s32 $0x5DC0, s16;
	s23 =	sadd.s32 $0x7D00, s16  }
0xe: {  	s10 =	sadd.s32 s15, s10;
	s18 =	ssub.s32 s11, s25;
	s11 =	sadd.s32 s20, s2  }
0xf: {  	s12 =	sadd.s32 s21, s2;
	s13 =	sadd.s32 s22, s2;
	s14 =	sadd.s32 s23, s2  }
0x10: {  	s15 =	sadd.s32 s15, s4;
	s24 =	sadd.s32 s16, s3;
	s20 =	sadd.s32 s3, s20  }
0x11: {  	s21 =	sadd.s32 s3, s21;
	s10 =	sshrl.u32 s10, $0x3;
	s26 =	sshrl.u32 s24, $0x3  }
0x12: {  	s20 =	sshrl.u32 s20, $0x3;
	s24 =	sadd.s32 s3, s22;
	s3 =	sadd.s32 s3, s23  }
0x13: {  	s0 =	sadd.s32 s10, s0;
	s10 =	sadd.s32 s16, s2;
	s16 =	smul.u32 $0x2710, s19  }
0x14: {  	s19 =	sadd.s32 s17, s26;
	s20 =	sadd.s32 s17, s20;
	s25 =	sshrl.u32 s24, $0x3  }
0x15: {  	s3 =	sshrl.u32 s3, $0x3;
	s26 =	smax.u32 s18, $0x1;
	[dreg:$0x5] =	wrdreg s19  }
0x16: {  	s24 =	simm.s32 $0x45B0;
	s18 =	simm.s32 $0x0;
	[dreg:$0x6] =	wrdreg s20  }
0x17: {  	s19 =	sshrl.u32 s21, $0x3;
	s3 =	sadd.s32 s17, s3;
	[dreg:$0xb] =	wrdreg s26  }
0x18: {  	s0 =	sadd.s32 $0x47A00, s0;
	s21 =	simm.s32 $0x1EA0;
	[dreg:$0x9] =	wrdreg s3  }
0x19: {  	s19 =	sadd.s32 s17, s19;
	[dreg:$0xa] =	wrdreg s0;
	s0 =	simm.s32 $0x5A0  }
0x1a: {  	s3 =	simm.s32 $0x2;
	[dreg:$0x7] =	wrdreg s19;
	s19 =	sadd.s32 s17, s25  }
0x1b: {  	v0 =	vimm.f32 $0.0e+00;
	s25 =	simm.s32 $0x4;
	s17 =	simm.s32 $0x3;
	[dreg:$0x8] =	wrdreg s19  }
.LBB2_1:
0x1c: {  	s19 =	simm.s32 $0x0  }
.LBB2_2:
0x1d: {  	p0 =	sne.s32 s19, $0x7C00  }
.Ltmp0:
0x1e: {  	s20 =	sshra.s32 s19, $0x2;
	(pc) =	sbr.rel @p0 .LBB2_2-.Ltmp0, $4  }
0x1f: {  	[tilespmem:s20+$0x45B0] =	vst v0  }
0x20: {  	[tilespmem:s20+$0x45C0] =	vst v0  }
0x21: {  	[tilespmem:s20+$0x45D0] =	vst v0  }
0x22: {  	s19 =	sadd.s32 $0x100, s19;
	[tilespmem:s20+$0x45E0] =	vst v0  }
0x23: {  	s19 =	simm.s32 $0x40;
	s20 =	simm.s32 $0x0  }
.LBB2_4:
0x24: {  	p0 =	sne.s32 s19, $0x9C00;
	[tilespmem:s20+$0x1EA0] =	vst v0;
	s20 =	smov.u32 s19;
	s19 =	sadd.s32 $0x40, s19  }
.Ltmp1:
0x25: {  	(pc) =	sbr.rel @p0 .LBB2_4-.Ltmp1, $2  }
0x26: {  	_ =	sdelay $0x2  }
0x27: {  	s20 =	sshra.s32 s20, $0x2  }
0x28: {  	[tilespmem:s20+$0x1EA0] =	vst v0  }
0x29: {  	[spmem:s10] =	stream.linear.scatter [tilespmem:s24], [sflag:$0x4], $0x1F40, $0x38;
	[tilespmem:$0x12840] =	vst v63  }
0x2a: {  	_ =	swait.ge [sflag:s25], $0x1F40  }
0x2b: {  	[sflag:s25] =	ssyncset.done $0x0  }
0x2c: {  	[sflag:s25] =	ssyncadd.s32 $0xFFFFE0C0  }
0x2d: {  	[spmem:s11] =	stream.linear.scatter [tilespmem:s24], [sflag:$0x4], $0x1F40, $0x38;
	[tilespmem:$0x12840] =	vst v63  }
0x2e: {  	_ =	swait.ge [sflag:s25], $0x1F40  }
0x2f: {  	[sflag:s25] =	ssyncset.done $0x0  }
0x30: {  	[sflag:s25] =	ssyncadd.s32 $0xFFFFE0C0  }
0x31: {  	[spmem:s12] =	stream.linear.scatter [tilespmem:s24], [sflag:$0x4], $0x1F40, $0x38;
	[tilespmem:$0x12840] =	vst v63  }
0x32: {  	_ =	swait.ge [sflag:s25], $0x1F40  }
0x33: {  	[sflag:s25] =	ssyncset.done $0x0  }
0x34: {  	[sflag:s25] =	ssyncadd.s32 $0xFFFFE0C0  }
0x35: {  	[spmem:s13] =	stream.linear.scatter [tilespmem:s24], [sflag:$0x4], $0x1F40, $0x38;
	[tilespmem:$0x12840] =	vst v63  }
0x36: {  	_ =	swait.ge [sflag:s25], $0x1F40  }
0x37: {  	[sflag:s25] =	ssyncset.done $0x0  }
0x38: {  	[sflag:s25] =	ssyncadd.s32 $0xFFFFE0C0  }
0x39: {  	[spmem:s14] =	stream.linear.scatter [tilespmem:s24], [sflag:$0x4], $0x1F40, $0x38;
	[tilespmem:$0x12840] =	vst v63  }
0x3a: {  	_ =	swait.ge [sflag:s25], $0x1F40  }
0x3b: {  	[sflag:s25] =	ssyncset.done $0x0  }
0x3c: {  	[sflag:s25] =	ssyncadd.s32 $0xFFFFE0C0  }
0x3d: {  	[spmem:s15] =	stream.linear.scatter [tilespmem:s21], [sflag:$0x4], $0x2710, $0x38;
	[tilespmem:$0x12840] =	vst v63  }
0x3e: {  	_ =	swait.ge [sflag:s25], $0x2710  }
0x3f: {  	[sflag:s25] =	ssyncset.done $0x0  }
0x40: {  	[sflag:s25] =	ssyncadd.s32 $0xFFFFD8F0  }
0x41: {  	s19 =	simm.s32 $0x0;
	[bflag:$0x0] =	sbarrier.arrive $0xFFFF  }
.LBB2_6:
0x42: {  	s20 =	smul.u32 $0x50, s19;
	_ =	sdelay $0x1  }
0x43: {  	s20 =	sadd.s32 s16, s20  }
0x44: {  	s20 =	sshrl.u32 s20, $0x3  }
0x45: {  	s21 =	sadd.s32 s8, s20  }
0x46: {  	[tilespmem:s5], [sflag:$0x1] =	stream.linear.gather [hbm4b:s21+s5], $0x50, $0x38;
	[tilespmem:$0x12840] =	vst v63  }
0x47: {  	s20 =	sadd.s32 s9, s20  }
0x48: {  	[tilespmem:s28], [sflag:$0x1] =	stream.linear.gather [hbm4b:s20+s5], $0x50, $0x38;
	[tilespmem:$0x12840] =	vst v63  }
0x49: {  	_ =	swait.ge [sflag:s29], $0x50  }
0x4a: {  	[sflag:s29] =	ssyncset.done $0x0  }
0x4b: {  	[sflag:s29] =	ssyncadd.s32 $0xFFFFFFB0  }
0x4c: {  	_ =	swait.ge [sflag:s29], $0x50  }
0x4d: {  	[sflag:s29] =	ssyncset.done $0x0  }
0x4e: {  	[sflag:s29] =	ssyncadd.s32 $0xFFFFFFB0  }
0x4f: {  	[tilespmem:s30], [sflag:$0x2] =	stream.indirect.gather [hbm4b:s1+s28], $0x40, s5, s28, $0xb8;
	[tilespmem:$0x12840] =	vst v63  }
0x50: {  	_ = 	snop  }
0x51: {  	[tilespmem:s31], [sflag:$0x1] =	stream.indirect.gather [hbm4b:s6+s28], $0x10, s5, s28, $0xb8;
	[tilespmem:$0x12840] =	vst v63  }
0x52: {  	_ = 	snop  }
0x53: {  	[tilespmem:s0], [sflag:$0x1] =	stream.indirect.gather [hbm4b:s7+s28], $0x10, s28, s28, $0xb8;
	[tilespmem:$0x12840] =	vst v63  }
0x54: {  	_ =	swait.ge [sflag:s29], $0x500  }
0x55: {  	[sflag:s29] =	ssyncset.done $0x0  }
0x56: {  	[sflag:s29] =	ssyncadd.s32 $0xFFFFFB00  }
0x57: {  	_ =	swait.ge [sflag:s29], $0x500  }
0x58: {  	[sflag:s29] =	ssyncset.done $0x0  }
0x59: {  	s20 =	simm.s32 $0x5C0;
	[sflag:s29] =	ssyncadd.s32 $0xFFFFFB00  }
0x5a: {  	s21 =	simm.s32 $0xC0;
	v1 =	vld [tilespmem:s20+$0xFFFFFFE0]  }
0x5b: {  	v2 =	vld [tilespmem:s21+$0xFFFFFFE0];
	_ =	sdelay $0x4  }
0x5c: {  	v1 =	vadd.f32 v1, v2;
	_ =	sdelay $0x1  }
0x5d: {  	v2 =	vmul.f32 $2.000000030e-01, v1  }
0x5e: {  	vm0 =	vgt.f32 v1, $0.0e+00  }
0x5f: {  	v1 =	vsel vm0, v1, v2  }
0x60: {  	v1 =	vmul.f32 $1.442695020e+00, v1;
	_ =	sdelay $0x1  }
0x61: {  	(erf) = vpow2.f32 v1;
	_ =	sdelay $0x8  }
0x62: {  	v1 =	vpop (erf)  }
0x63: {  	[tilespmem:s20+$0xFFFFFFE0] =	vst v1;
	v1 =	vld [tilespmem:s20+$0xFFFFFFF0]  }
0x64: {  	v2 =	vld [tilespmem:s21+$0xFFFFFFF0];
	_ =	sdelay $0x4  }
0x65: {  	v1 =	vadd.f32 v1, v2;
	_ =	sdelay $0x1  }
0x66: {  	v2 =	vmul.f32 $2.000000030e-01, v1  }
0x67: {  	vm13 =	vgt.f32 v1, $0.0e+00  }
0x68: {  	v1 =	vsel vm13, v1, v2  }
0x69: {  	v1 =	vmul.f32 $1.442695020e+00, v1;
	_ =	sdelay $0x1  }
0x6a: {  	(erf) = vpow2.f32 v1;
	_ =	sdelay $0x8  }
0x6b: {  	v1 =	vpop (erf)  }
0x6c: {  	[tilespmem:s20+$0xFFFFFFF0] =	vst v1;
	v1 =	vld [tilespmem:s20+$0x0]  }
0x6d: {  	v2 =	vld [tilespmem:s21+$0x0];
	_ =	sdelay $0x4  }
0x6e: {  	v1 =	vadd.f32 v1, v2;
	_ =	sdelay $0x1  }
0x6f: {  	v2 =	vmul.f32 $2.000000030e-01, v1  }
0x70: {  	vm14 =	vgt.f32 v1, $0.0e+00  }
0x71: {  	v1 =	vsel vm14, v1, v2  }
0x72: {  	v1 =	vmul.f32 $1.442695020e+00, v1;
	_ =	sdelay $0x1  }
0x73: {  	(erf) = vpow2.f32 v1;
	_ =	sdelay $0x8  }
0x74: {  	v1 =	vpop (erf)  }
0x75: {  	[tilespmem:s20+$0x0] =	vst v1;
	v1 =	vld [tilespmem:s20+$0x10]  }
0x76: {  	v2 =	vld [tilespmem:s21+$0x10];
	_ =	sdelay $0x4  }
0x77: {  	v1 =	vadd.f32 v1, v2;
	_ =	sdelay $0x1  }
0x78: {  	v2 =	vmul.f32 $2.000000030e-01, v1  }
0x79: {  	vm15 =	vgt.f32 v1, $0.0e+00  }
0x7a: {  	v1 =	vsel vm15, v1, v2  }
0x7b: {  	v1 =	vmul.f32 $1.442695020e+00, v1;
	_ =	sdelay $0x1  }
0x7c: {  	(erf) = vpow2.f32 v1;
	_ =	sdelay $0x8  }
0x7d: {  	s22 =	simm.s32 $0x0;
	s23 =	simm.s32 $0x600;
	v1 =	vpop (erf)  }
.LBB2_7:
0x7e: {  	v2 =	vld [tilespmem:s23+$0xFFFFFFE0];
	[tilespmem:s20+$0x10] =	vst v1;
	s21 =	sadd.s32 $0x40, s21;
	s20 =	smov.u32 s23  }
0x7f: {  	s22 =	sadd.s32 $0x4, s22;
	v1 =	vld [tilespmem:s21+$0xFFFFFFE0]  }
0x80: {  	p0 =	slt.u32 s22, $0x4C;
	_ =	sdelay $0x3  }
0x81: {  	v1 =	vadd.f32 v2, v1;
	_ =	sdelay $0x1  }
0x82: {  	v2 =	vmul.f32 $2.000000030e-01, v1  }
0x83: {  	vm0 =	vgt.f32 v1, $0.0e+00  }
0x84: {  	v1 =	vsel vm0, v1, v2  }
0x85: {  	v1 =	vmul.f32 $1.442695020e+00, v1;
	_ =	sdelay $0x1  }
0x86: {  	(erf) = vpow2.f32 v1;
	_ =	sdelay $0x8  }
0x87: {  	v1 =	vpop (erf)  }
0x88: {  	[tilespmem:s23+$0xFFFFFFE0] =	vst v1;
	v1 =	vld [tilespmem:s23+$0xFFFFFFF0]  }
0x89: {  	v2 =	vld [tilespmem:s21+$0xFFFFFFF0];
	_ =	sdelay $0x4  }
0x8a: {  	v1 =	vadd.f32 v1, v2;
	_ =	sdelay $0x1  }
0x8b: {  	v2 =	vmul.f32 $2.000000030e-01, v1  }
0x8c: {  	vm0 =	vgt.f32 v1, $0.0e+00  }
0x8d: {  	v1 =	vsel vm0, v1, v2  }
0x8e: {  	v1 =	vmul.f32 $1.442695020e+00, v1;
	_ =	sdelay $0x1  }
0x8f: {  	(erf) = vpow2.f32 v1;
	_ =	sdelay $0x8  }
0x90: {  	v1 =	vpop (erf)  }
0x91: {  	[tilespmem:s23+$0xFFFFFFF0] =	vst v1;
	v1 =	vld [tilespmem:s23+$0x0]  }
0x92: {  	v2 =	vld [tilespmem:s21+$0x0];
	_ =	sdelay $0x4  }
0x93: {  	v1 =	vadd.f32 v1, v2;
	_ =	sdelay $0x1  }
0x94: {  	v2 =	vmul.f32 $2.000000030e-01, v1  }
0x95: {  	vm0 =	vgt.f32 v1, $0.0e+00  }
0x96: {  	v1 =	vsel vm0, v1, v2  }
0x97: {  	v1 =	vmul.f32 $1.442695020e+00, v1;
	_ =	sdelay $0x1  }
0x98: {  	(erf) = vpow2.f32 v1;
	_ =	sdelay $0x8  }
0x99: {  	v1 =	vpop (erf)  }
0x9a: {  	[tilespmem:s23+$0x0] =	vst v1;
	v1 =	vld [tilespmem:s23+$0x10]  }
0x9b: {  	v2 =	vld [tilespmem:s21+$0x10];
	_ =	sdelay $0x4  }
0x9c: {  	v1 =	vadd.f32 v1, v2;
	_ =	sdelay $0x1  }
0x9d: {  	v2 =	vmul.f32 $2.000000030e-01, v1  }
0x9e: {  	vm0 =	vgt.f32 v1, $0.0e+00  }
0x9f: {  	v1 =	vsel vm0, v1, v2  }
0xa0: {  	v1 =	vmul.f32 $1.442695020e+00, v1;
	_ =	sdelay $0x1  }
0xa1: {  	(erf) = vpow2.f32 v1;
	_ =	sdelay $0x4  }
.Ltmp2:
0xa2: {  	(pc) =	sbr.rel @p0 .LBB2_7-.Ltmp2, $2  }
0xa3: {  	_ =	sdelay $0x2  }
0xa4: {  	s23 =	sadd.s32 $0x40, s23;
	v1 =	vpop (erf)  }
0xa5: {  	[tilespmem:s20+$0x10] =	vst v1  }
0xa6: {  	[spmem:s4] =	stream.indirect.scatter.add.f32 [tilespmem:s0], [sflag:$0x3], $0x10, s28, s28, $0xb8;
	[tilespmem:$0x12840] =	vst v63  }
0xa7: {  	_ =	swait.ge [sflag:s3], $0x1400  }
0xa8: {  	[sflag:s3] =	ssyncset.done $0x0  }
0xa9: {  	s20 =	simm.s32 $0xB20;
	[sflag:s3] =	ssyncadd.s32 $0xFFFFEC00  }
0xaa: {  	s21 =	simm.s32 $0x5C0;
	v1 =	vld [tilespmem:s20+$0xFFFFFF80]  }
0xab: {  	v2 =	vld.msk [tilespmem:s21+$0xFFFFFFE0 ss:$0x0], $0xffff  }
0xac: {  	v3 =	vld [tilespmem:s20+$0xFFFFFFB0]  }
0xad: {  	v4 =	vld [tilespmem:s20+$0xFFFFFF90]  }
0xae: {  	v5 =	vld [tilespmem:s20+$0xFFFFFFA0];
	_ =	sdelay $0x1  }
0xaf: {  	v1 =	vmul.f32 v2, v1  }
0xb0: {  	v3 =	vmul.f32 v3, v2  }
0xb1: {  	v4 =	vmul.f32 v4, v2;
	[tilespmem:s20+$0xFFFFFF80] =	vst v1  }
0xb2: {  	v1 =	vmul.f32 v5, v2;
	[tilespmem:s20+$0xFFFFFFB0] =	vst v3  }
0xb3: {  	[tilespmem:s20+$0xFFFFFF90] =	vst v4  }
0xb4: {  	v2 =	vld [tilespmem:s20+$0xFFFFFFC0];
	[tilespmem:s20+$0xFFFFFFA0] =	vst v1  }
0xb5: {  	v1 =	vld.msk [tilespmem:s21+$0xFFFFFFF0 ss:$0x0], $0xffff  }
0xb6: {  	v3 =	vld [tilespmem:s20+$0xFFFFFFD0]  }
0xb7: {  	v60 =	vld [tilespmem:s20+$0xFFFFFFF0]  }
0xb8: {  	v61 =	vld [tilespmem:s20+$0xFFFFFFE0];
	_ =	sdelay $0x1  }
0xb9: {  	v2 =	vmul.f32 v1, v2  }
0xba: {  	v3 =	vmul.f32 v3, v1  }
0xbb: {  	v4 =	vmul.f32 v60, v1;
	[tilespmem:s20+$0xFFFFFFC0] =	vst v2  }
0xbc: {  	v1 =	vmul.f32 v61, v1;
	[tilespmem:s20+$0xFFFFFFD0] =	vst v3  }
0xbd: {  	[tilespmem:s20+$0xFFFFFFF0] =	vst v4  }
0xbe: {  	[tilespmem:s20+$0xFFFFFFE0] =	vst v1;
	v1 =	vld [tilespmem:s20+$0x0]  }
0xbf: {  	v3 =	vld.msk [tilespmem:s21+$0x0 ss:$0x0], $0xffff  }
0xc0: {  	v2 =	vld [tilespmem:s20+$0x30]  }
0xc1: {  	v62 =	vld [tilespmem:s20+$0x10]  }
0xc2: {  	v63 =	vld [tilespmem:s20+$0x20];
	_ =	sdelay $0x1  }
0xc3: {  	v1 =	vmul.f32 v3, v1  }
0xc4: {  	v6 =	vmul.f32 v2, v3  }
0xc5: {  	v2 =	vmul.f32 v62, v3;
	[tilespmem:s20+$0x0] =	vst v1  }
0xc6: {  	s22 =	simm.s32 $0x0;
	s26 =	simm.s32 $0xB20;
	s23 =	simm.s32 $0x5C0;
	v1 =	vmul.f32 v63, v3;
	[tilespmem:s20+$0x30] =	vst v6  }
.LBB2_9:
0xc7: {  	s22 =	sadd.s32 $0x4, s22;
	[tilespmem:s20+$0x10] =	vst v2;
	v2 =	vld [tilespmem:s20+$0x70];
	s21 =	sadd.s32 $0x40, s21;
	s26 =	sadd.s32 $0x100, s26  }
0xc8: {  	p0 =	slt.u32 s22, $0x4C;
	[tilespmem:s20+$0x20] =	vst v1;
	v1 =	vld [tilespmem:s20+$0x40]  }
0xc9: {  	v3 =	vld.msk [tilespmem:s23+$0x10 ss:$0x0], $0xffff;
	s23 =	smov.u32 s21  }
0xca: {  	v4 =	vld [tilespmem:s20+$0x50]  }
0xcb: {  	v5 =	vld [tilespmem:s20+$0x60];
	_ =	sdelay $0x3  }
0xcc: {  	v1 =	vmul.f32 v3, v1;
	v4 =	vmul.f32 v4, v3  }
0xcd: {  	v2 =	vmul.f32 v2, v3;
	v5 =	vmul.f32 v5, v3  }
0xce: {  	[tilespmem:s20+$0x40] =	vst v1  }
0xcf: {  	[tilespmem:s20+$0x70] =	vst v2  }
0xd0: {  	v1 =	vld [tilespmem:s26+$0xFFFFFFB0];
	[tilespmem:s20+$0x60] =	vst v5  }
0xd1: {  	v2 =	vld [tilespmem:s26+$0xFFFFFF80];
	[tilespmem:s20+$0x50] =	vst v4;
	s20 =	smov.u32 s26  }
0xd2: {  	v3 =	vld.msk [tilespmem:s21+$0xFFFFFFE0 ss:$0x0], $0xffff  }
0xd3: {  	v4 =	vld [tilespmem:s26+$0xFFFFFFA0]  }
0xd4: {  	v5 =	vld [tilespmem:s26+$0xFFFFFF90];
	_ =	sdelay $0x3  }
0xd5: {  	v2 =	vmul.f32 v3, v2;
	v4 =	vmul.f32 v4, v3  }
0xd6: {  	v1 =	vmul.f32 v1, v3;
	v5 =	vmul.f32 v5, v3  }
0xd7: {  	[tilespmem:s26+$0xFFFFFF80] =	vst v2  }
0xd8: {  	[tilespmem:s26+$0xFFFFFFB0] =	vst v1  }
0xd9: {  	[tilespmem:s26+$0xFFFFFF90] =	vst v5;
	v1 =	vld [tilespmem:s26+$0xFFFFFFF0]  }
0xda: {  	[tilespmem:s26+$0xFFFFFFA0] =	vst v4;
	v2 =	vld [tilespmem:s26+$0xFFFFFFD0]  }
0xdb: {  	v3 =	vld.msk [tilespmem:s21+$0xFFFFFFF0 ss:$0x0], $0xffff  }
0xdc: {  	v4 =	vld [tilespmem:s26+$0xFFFFFFC0]  }
0xdd: {  	v5 =	vld [tilespmem:s26+$0xFFFFFFE0];
	_ =	sdelay $0x3  }
0xde: {  	v2 =	vmul.f32 v2, v3;
	v4 =	vmul.f32 v3, v4  }
0xdf: {  	v1 =	vmul.f32 v1, v3;
	v5 =	vmul.f32 v5, v3  }
0xe0: {  	[tilespmem:s26+$0xFFFFFFC0] =	vst v4  }
0xe1: {  	[tilespmem:s26+$0xFFFFFFD0] =	vst v2  }
0xe2: {  	[tilespmem:s26+$0xFFFFFFF0] =	vst v1;
	v3 =	vld [tilespmem:s26+$0x30]  }
0xe3: {  	[tilespmem:s26+$0xFFFFFFE0] =	vst v5;
	v1 =	vld [tilespmem:s26+$0x0]  }
0xe4: {  	v4 =	vld.msk [tilespmem:s21+$0x0 ss:$0x0], $0xffff  }
0xe5: {  	v2 =	vld [tilespmem:s26+$0x10]  }
0xe6: {  	v5 =	vld [tilespmem:s26+$0x20];
	_ =	sdelay $0x2  }
.Ltmp3:
0xe7: {  	(pc) =	sbr.rel @p0 .LBB2_9-.Ltmp3, $4  }
0xe8: {  	v6 =	vmul.f32 v4, v1;
	v2 =	vmul.f32 v2, v4  }
0xe9: {  	v3 =	vmul.f32 v3, v4;
	v1 =	vmul.f32 v5, v4  }
0xea: {  	[tilespmem:s26+$0x0] =	vst v6  }
0xeb: {  	[tilespmem:s26+$0x30] =	vst v3  }
0xec: {  	[tilespmem:s20+$0x10] =	vst v2  }
0xed: {  	[tilespmem:s20+$0x20] =	vst v1;
	v1 =	vld [tilespmem:s20+$0x40]  }
0xee: {  	v2 =	vld.msk [tilespmem:s23+$0x10 ss:$0x0], $0xffff  }
0xef: {  	v3 =	vld [tilespmem:s20+$0x70]  }
0xf0: {  	v4 =	vld [tilespmem:s20+$0x60]  }
0xf1: {  	v5 =	vld [tilespmem:s20+$0x50];
	_ =	sdelay $0x1  }
0xf2: {  	v1 =	vmul.f32 v2, v1  }
0xf3: {  	v3 =	vmul.f32 v3, v2  }
0xf4: {  	v4 =	vmul.f32 v4, v2;
	[tilespmem:s20+$0x40] =	vst v1  }
0xf5: {  	v1 =	vmul.f32 v5, v2;
	[tilespmem:s20+$0x70] =	vst v3  }
0xf6: {  	[tilespmem:s20+$0x60] =	vst v4  }
0xf7: {  	s19 =	sadd.s32 $0x1, s19;
	[tilespmem:s20+$0x50] =	vst v1  }
0xf8: {  	[spmem:s2] =	stream.indirect.scatter.add.f32 [tilespmem:s30], [sflag:$0x3], $0x40, s28, s28, $0xb8;
	[tilespmem:$0x12840] =	vst v63  }
0xf9: {  	p0 =	sne.s32 s19, $0x7D;
	_ =	swait.ge [sflag:s17], $0x500  }
.Ltmp4:
0xfa: {  	[sflag:s17] =	ssyncset.done $0x0;
	(pc) =	sbr.rel @p0 .LBB2_6-.Ltmp4, $4  }
0xfb: {  	[sflag:s17] =	ssyncadd.s32 $0xFFFFFB00  }
0xfc: {  	_ =	swait.ge [sflag:s17], $0x1400  }
0xfd: {  	[sflag:s17] =	ssyncset.done $0x0  }
0xfe: {  	[sflag:s17] =	ssyncadd.s32 $0xFFFFEC00  }
0xff: {  	[bflag:$0x0] =	sbarrier.arrive $0xFFFF  }
0x100: {  	[tilespmem:s24], [sflag:$0x4] =	stream.linear.gather [spmem:s10], $0x1F40, $0x38;
	[tilespmem:$0x12840] =	vst v63  }
0x101: {  	_ =	swait.ge [sflag:s25], $0x1F40  }
0x102: {  	[sflag:s25] =	ssyncset.done $0x0  }
0x103: {  	s19 =	rddreg [dreg:$0x5];
	[sflag:s25] =	ssyncadd.s32 $0xFFFFE0C0  }
0x104: {  	[hbm4b:s19+s5] =	stream.linear.scatter [tilespmem:s24], [sflag:$0x4], $0x1F40, $0x38;
	[tilespmem:$0x12840] =	vst v63  }
0x105: {  	_ =	swait.ge [sflag:s25], $0x1F40  }
0x106: {  	[sflag:s25] =	ssyncset.done $0x0  }
0x107: {  	[sflag:s25] =	ssyncadd.s32 $0xFFFFE0C0  }
0x108: {  	[tilespmem:s24], [sflag:$0x4] =	stream.linear.gather [spmem:s11], $0x1F40, $0x38;
	[tilespmem:$0x12840] =	vst v63  }
0x109: {  	_ =	swait.ge [sflag:s25], $0x1F40  }
0x10a: {  	[sflag:s25] =	ssyncset.done $0x0  }
0x10b: {  	s26 =	rddreg [dreg:$0x6];
	[sflag:s25] =	ssyncadd.s32 $0xFFFFE0C0  }
0x10c: {  	[hbm4b:s26+s5] =	stream.linear.scatter [tilespmem:s24], [sflag:$0x4], $0x1F40, $0x38;
	[tilespmem:$0x12840] =	vst v63  }
0x10d: {  	_ =	swait.ge [sflag:s25], $0x1F40  }
0x10e: {  	[sflag:s25] =	ssyncset.done $0x0  }
0x10f: {  	[sflag:s25] =	ssyncadd.s32 $0xFFFFE0C0  }
0x110: {  	[tilespmem:s24], [sflag:$0x4] =	stream.linear.gather [spmem:s12], $0x1F40, $0x38;
	[tilespmem:$0x12840] =	vst v63  }
0x111: {  	_ =	swait.ge [sflag:s25], $0x1F40  }
0x112: {  	[sflag:s25] =	ssyncset.done $0x0  }
0x113: {  	s20 =	rddreg [dreg:$0x7];
	[sflag:s25] =	ssyncadd.s32 $0xFFFFE0C0  }
0x114: {  	[hbm4b:s20+s5] =	stream.linear.scatter [tilespmem:s24], [sflag:$0x4], $0x1F40, $0x38;
	[tilespmem:$0x12840] =	vst v63  }
0x115: {  	_ =	swait.ge [sflag:s25], $0x1F40  }
0x116: {  	[sflag:s25] =	ssyncset.done $0x0  }
0x117: {  	[sflag:s25] =	ssyncadd.s32 $0xFFFFE0C0  }
0x118: {  	[tilespmem:s24], [sflag:$0x4] =	stream.linear.gather [spmem:s13], $0x1F40, $0x38;
	[tilespmem:$0x12840] =	vst v63  }
0x119: {  	_ =	swait.ge [sflag:s25], $0x1F40  }
0x11a: {  	[sflag:s25] =	ssyncset.done $0x0  }
0x11b: {  	s21 =	rddreg [dreg:$0x8];
	[sflag:s25] =	ssyncadd.s32 $0xFFFFE0C0  }
0x11c: {  	[hbm4b:s21+s5] =	stream.linear.scatter [tilespmem:s24], [sflag:$0x4], $0x1F40, $0x38;
	[tilespmem:$0x12840] =	vst v63  }
0x11d: {  	_ =	swait.ge [sflag:s25], $0x1F40  }
0x11e: {  	[sflag:s25] =	ssyncset.done $0x0  }
0x11f: {  	[sflag:s25] =	ssyncadd.s32 $0xFFFFE0C0  }
0x120: {  	[tilespmem:s24], [sflag:$0x4] =	stream.linear.gather [spmem:s14], $0x1F40, $0x38;
	[tilespmem:$0x12840] =	vst v63  }
0x121: {  	_ =	swait.ge [sflag:s25], $0x1F40  }
0x122: {  	[sflag:s25] =	ssyncset.done $0x0  }
0x123: {  	s22 =	rddreg [dreg:$0x9];
	[sflag:s25] =	ssyncadd.s32 $0xFFFFE0C0  }
0x124: {  	[hbm4b:s22+s5] =	stream.linear.scatter [tilespmem:s24], [sflag:$0x4], $0x1F40, $0x38;
	[tilespmem:$0x12840] =	vst v63  }
0x125: {  	_ =	swait.ge [sflag:s25], $0x1F40  }
0x126: {  	[sflag:s25] =	ssyncset.done $0x0  }
0x127: {  	s21 =	simm.s32 $0x1EA0;
	[sflag:s25] =	ssyncadd.s32 $0xFFFFE0C0  }
0x128: {  	[tilespmem:s21], [sflag:$0x4] =	stream.linear.gather [spmem:s15], $0x2710, $0x38;
	[tilespmem:$0x12840] =	vst v63  }
0x129: {  	_ =	swait.ge [sflag:s25], $0x2710  }
0x12a: {  	[sflag:s25] =	ssyncset.done $0x0  }
0x12b: {  	s23 =	rddreg [dreg:$0xa];
	[sflag:s25] =	ssyncadd.s32 $0xFFFFD8F0  }
0x12c: {  	[hbm4b:s23+s5] =	stream.linear.scatter [tilespmem:s21], [sflag:$0x4], $0x2710, $0x38;
	[tilespmem:$0x12840] =	vst v63  }
0x12d: {  	_ =	swait.ge [sflag:s25], $0x2710  }
0x12e: {  	s18 =	sadd.s32 $0x1, s18;
	s26 =	rddreg [dreg:$0xb]  }
0x12f: {  	p0 =	sne.s32 s18, s26  }
.Ltmp5:
0x130: {  	_ = 	snop;
	(pc) =	sbr.rel @p0 .LBB2_1-.Ltmp5, $3  }
0x131: {  	_ =	sdelay $0x1  }
0x132: {  	[sflag:s25] =	ssyncset.done $0x0  }
0x133: {  	[sflag:s25] =	ssyncadd.s32 $0xFFFFD8F0  }
0x134: {  	_ =	sfence.sel $0x180000  }
0x135: {  	[bflag:$0x0] =	sbarrier.arrive $0xFFFF  }
0x136: {  	_ =	strace $0x9000004A  }
0x137: {  	s0 =	stileid.u32;
	[bflag:$0x2] =	sbarrier.arrive $0xFFFF  }
0x138: {  	p0 =	sne.s32 s0, $0x0;
	s0 =	rddreg [dreg:$0x4]  }
0x139: {  	s0 =	sadd.s32 @!p0 $0x100000, s0  }
0x13a: {  	[sflag:s0] =	ssyncadd.tile.s32 @!p0 $0x1;
	_ =	shalt  }
.Lfunc_end2:
_tile_overlayer_lowered:
.L_overlay_start_2:
0x13b: {  	(tag) =	ssettag $0x2  }
0x13c: {  	s0 =	rddreg [dreg:$0x0];
	s2 =	stileid.u32  }
0x13d: {  	s1 =	rddreg [dreg:$0x1];
	p0 =	sne.s32 s2, $0x0  }
0x13e: {  	s3 =	rddreg [dreg:$0x2];
	[bflag:$0x3] =	sbarrier.arrive $0xFFFF;
	s2 =	simm.s32 @!p0 $0x1C04  }
0x13f: {  	[timem:s3], [sflag:s2] =	dma.local @!p0 [hbm:s0], s1  }
0x140: {  	s0 =	simm.s32 @!p0 $0x4  }
0x141: {  	_ =	swait.ge @!p0 [sflag:s0], s1  }
0x142: {  	s1 =	ssub.s32 @!p0 $0x0, s1;
	[sflag:s0] =	ssyncset.done @!p0 $0x0  }
0x143: {  	[sflag:s0] =	ssyncadd.s32 @!p0 s1  }
0x144: {  	[bflag:$0x3] =	sbarrier.arrive $0xFFFF  }
0x145: {  	_ =	shalt  }

// kernel: kernel.7.cloned.1.call-start
scs
__scs_entry_jumppad:
0x0: {  	(pc) =	sbr.rel $0x88, $3  }
0x1: {  	(tag) =	ssettag $0x0;
	lr =	simm.s32 $0x1  }
0x2: {  	[smem:$0x3F97] =	sst lr;
	_ =	strace $0xD0000000  }
0x3: {  	_ = 	snop  }
0x4: {  	_ = 	snop  }
0x5: {  	_ = 	snop  }
0x6: {  	_ = 	snop  }
0x7: {  	_ = 	snop  }
__scs_overlays_trampoline_lowered:
0x8: {  	[smem:$0x3FA6] =	sst s0  }
0x9: {  	[smem:$0x3FA7] =	sst s1  }
0xa: {  	[smem:$0x3FA8] =	sst s2  }
0xb: {  	[smem:$0x3FA9] =	sst s3  }
0xc: {  	[smem:$0x3FAA] =	sst s4  }
0xd: {  	[smem:$0x3FAB] =	sst s5  }
0xe: {  	[smem:$0x3FAC] =	sst s6  }
0xf: {  	[smem:$0x3FAD] =	sst s7  }
0x10: {  	[smem:$0x3FAE] =	sst s8  }
0x11: {  	[smem:$0x3FAF] =	sst s9;
	s0 =	simm.s32 @!p0 $0x0  }
0x12: {  	s1 =	sld [smem:$0x3F95];
	s0 =	simm.s32 @p0 $0x1  }
0x13: {  	[smem:$0x3FB0] =	sst s0;
	s0 =	simm.s32 @!p1 $0x0  }
0x14: {  	s2 =	sld [smem:$0x3F94];
	s0 =	simm.s32 @p1 $0x1  }
0x15: {  	[smem:$0x3FB1] =	sst s0;
	s0 =	simm.s32 @!p2 $0x0  }
0x16: {  	s3 =	sld [smem:$0x3FDB];
	s0 =	simm.s32 @p2 $0x1  }
0x17: {  	s4 =	simm.s32 $0x1BF5;
	[smem:$0x3FB3] =	sst s0  }
0x18: {  	s0 =	sld [smem:$0x3F96];
	_ =	swait.ge [sflag:s4], $0x0  }
0x19: {  	s7 =	sld [smem:$0x3F97]  }
0x1a: {  	s8 =	sadd.s32 $0xFFFFE003, lr  }
0x1b: {  	s9 =	sadd.s32 $0xFFFFFEF7, lr;
	s5 =	simm.s32 $0xFFFFFFFF;
	p2 =	slt.u32 s8, $0xFFFFF086  }
0x1c: {  	p1 =	slt.u32 s9, $0xF7A;
	s5 =	simm.s32 @!p2 $0x0  }
0x1d: {  	s5 =	simm.s32 @p1 $0x1;
	p0 =	seq.s32 s7, s2  }
0x1e: {  	s7 =	smul.u32 @!p0 $0xF7A, s2;
	p2 =	seq.s32 @!p0 s5, $0x0  }
0x1f: {  	s9 =	smul.u32 $0xF7A, s1;
	s8 =	simm.s32 @!p0 $0x1BF5;
	p2 =	por !p2, p0  }
0x20: {  	[sflag:s8] =	ssyncset.s32 @!p0 $0xFFFFF086;
	s6 =	sadd.s32 @!p0 s3, s7;
	s7 =	simm.s32 @!p0 $0x108  }
0x21: {  	s3 =	sadd.s32 s3, s9;
	s6 =	sadd.s32 @!p0 $0x88, s6;
	s7 =	simm.s32 @p2 $0x1082  }
0x22: {  	[simem:s7], [sflag:s8] =	dma.local @!p0 [hbm:s6], $0xF7A  }
0x23: {  	s9 =	sor.u32 $0xD0000000, s2;
	s6 =	simm.s32 $0x108;
	_ =	swait.ge @!p0 [sflag:s8], $0x0  }
0x24: {  	s3 =	sadd.s32 $0x88, s3;
	s6 =	simm.s32 @!p1 $0x1082;
	[sflag:s4] =	ssyncset.s32 $0xFFFFF086  }
0x25: {  	[simem:s6], [sflag:s4] =	dma.local [hbm:s3], $0xF7A  }
0x26: {  	[smem:$0x3F97] =	sst s1;
	(tag) =	ssettag s2;
	_ =	strace s9  }
0x27: {  	s1 =	sld [smem:$0x3FA7]  }
0x28: {  	s2 =	sld [smem:$0x3FA8]  }
0x29: {  	s4 =	sld [smem:$0x3FAA]  }
0x2a: {  	p0 =	seq.s32 s5, $0x0;
	s5 =	sld [smem:$0x3FAB]  }
0x2b: {  	s6 =	sld [smem:$0x3FAC]  }
0x2c: {  	s7 =	sld [smem:$0x3FAD]  }
0x2d: {  	s3 =	simm.s32 $0x108;
	s8 =	sld [smem:$0x3FAE]  }
0x2e: {  	s3 =	simm.s32 @!p0 $0x1082;
	s9 =	sld [smem:$0x3FAF]  }
0x2f: {  	lr =	sadd.s32 s0, s3;
	s0 =	sld [smem:$0x3FA6]  }
0x30: {  	s3 =	sld [smem:$0x3FA9]  }
0x31: {  	[smem:$0x3FB2] =	sst s10  }
0x32: {  	s10 =	sld [smem:$0x3FB0];
	_ =	sdelay $0x3  }
0x33: {  	p0 =	seq.s32 s10, $0x1;
	s10 =	sld [smem:$0x3FB2];
	_ =	sdelay $0x3  }
0x34: {  	[smem:$0x3FB2] =	sst s10  }
0x35: {  	s10 =	sld [smem:$0x3FB1];
	_ =	sdelay $0x3  }
0x36: {  	p1 =	seq.s32 s10, $0x1;
	s10 =	sld [smem:$0x3FB2];
	_ =	sdelay $0x3  }
0x37: {  	[smem:$0x3FB2] =	sst s10  }
0x38: {  	s10 =	sld [smem:$0x3FB3]  }
0x39: {  	_ = 	snop;
	(pc) =	sbr.ind lr, $3  }
0x3a: {  	_ = 	snop  }
0x3b: {  	_ = 	snop  }
0x3c: {  	p2 =	seq.s32 s10, $0x1;
	s10 =	sld [smem:$0x3FB2]  }
0x3d: {  	_ =	shalt  }
0x3e: {  	_ =	shalt  }
0x3f: {  	_ =	shalt  }
0x40: {  	_ =	shalt  }
0x41: {  	_ =	shalt  }
0x42: {  	_ =	shalt  }
0x43: {  	_ =	shalt  }
0x44: {  	_ =	shalt  }
0x45: {  	_ =	shalt  }
0x46: {  	_ =	shalt  }
0x47: {  	_ =	shalt  }
0x48: {  	_ =	shalt  }
0x49: {  	_ =	shalt  }
0x4a: {  	_ =	shalt  }
0x4b: {  	_ =	shalt  }
0x4c: {  	_ =	shalt  }
0x4d: {  	_ =	shalt  }
0x4e: {  	_ =	shalt  }
0x4f: {  	_ =	shalt  }
0x50: {  	_ =	shalt  }
0x51: {  	_ =	shalt  }
0x52: {  	_ =	shalt  }
0x53: {  	_ =	shalt  }
0x54: {  	_ =	shalt  }
0x55: {  	_ =	shalt  }
0x56: {  	_ =	shalt  }
0x57: {  	_ =	shalt  }
0x58: {  	_ =	shalt  }
0x59: {  	_ =	shalt  }
0x5a: {  	_ =	shalt  }
0x5b: {  	_ =	shalt  }
0x5c: {  	_ =	shalt  }
0x5d: {  	_ =	shalt  }
0x5e: {  	_ =	shalt  }
0x5f: {  	_ =	shalt  }
0x60: {  	_ =	shalt  }
0x61: {  	_ =	shalt  }
0x62: {  	_ =	shalt  }
0x63: {  	_ =	shalt  }
0x64: {  	_ =	shalt  }
0x65: {  	_ =	shalt  }
0x66: {  	_ =	shalt  }
0x67: {  	_ =	shalt  }
0x68: {  	_ =	shalt  }
0x69: {  	_ =	shalt  }
0x6a: {  	_ =	shalt  }
0x6b: {  	_ =	shalt  }
0x6c: {  	_ =	shalt  }
0x6d: {  	_ =	shalt  }
0x6e: {  	_ =	shalt  }
0x6f: {  	_ =	shalt  }
0x70: {  	_ =	shalt  }
0x71: {  	_ =	shalt  }
0x72: {  	_ =	shalt  }
0x73: {  	_ =	shalt  }
0x74: {  	_ =	shalt  }
0x75: {  	_ =	shalt  }
0x76: {  	_ =	shalt  }
0x77: {  	_ =	shalt  }
0x78: {  	_ =	shalt  }
0x79: {  	_ =	shalt  }
0x7a: {  	_ =	shalt  }
0x7b: {  	_ =	shalt  }
0x7c: {  	_ =	shalt  }
0x7d: {  	_ =	shalt  }
0x7e: {  	_ =	shalt  }
0x7f: {  	_ =	shalt  }
0x80: {  	_ =	shalt  }
0x81: {  	_ =	shalt  }
0x82: {  	_ =	shalt  }
0x83: {  	_ =	shalt  }
0x84: {  	_ =	shalt  }
0x85: {  	_ =	shalt  }
0x86: {  	_ =	shalt  }
0x87: {  	_ =	shalt  }
.Lfunc_end0:
.L_simem_size_0:
called_computation_lowered:
.L_overlay_start_0:
0x88: {  	s2 =	sld [smem:$0x3FD9]  }
0x89: {  	s3 =	sld [smem:$0x3FFE];
	_ =	sdelay $0x1  }
0x8a: {  	s1 =	srdreg.scid  }
0x8b: {  	s0 =	sand.u32 $0x1, s1  }
0x8c: {  	s17 =	sshll.u32 s0, $0xA;
	s2 =	sadd.s32 s3, s2  }
0x8d: {  	s2 =	sadd.s32 s2, s17  }
0x8e: {  	[smem:$0x3FBE] =	sst s2  }
0x8f: {  	_ = 	snop  }
0x90: {  	s2 =	sld [smem:$0x3FD0];
	(tm) =	ssettm $0x1  }
0x91: {  	s18 =	sld [smem:$0x3FFB];
	_ =	sdelay $0x3  }
0x92: {  	_ =	strace s18  }
0x93: {  	s3 =	sld [smem:$0x3FFC];
	_ =	sdelay $0x3  }
0x94: {  	_ =	strace s3  }
0x95: {  	s3 =	sld [smem:$0x3FFD];
	_ =	sdelay $0x3  }
0x96: {  	_ =	strace s3  }
0x97: {  	_ =	strace $0x8FFFFFFF  }
0x98: {  	s19 =	sld [smem:$0x3FDB];
	_ =	sdelay $0x1  }
0x99: {  	s4 =	simm.s32 $_scs_section_size  }
0x9a: {  	s5 =	simm.s32 $_size__tile_overlayer_lowered;
	s6 =	simm.s32 $_tile_overlayer_lowered  }
0x9b: {  	s22 =	simm.s32 $0x1BFF;
	s21 =	sshll.u32 s6, $0x1;
	s3 =	sadd.s32 s4, s19  }
0x9c: {  	s7 =	simm.s32 $0x0;
	s20 =	sshll.u32 s5, $0x1;
	s5 =	sadd.s32 s21, s3  }
0x9d: {  	[timem:s7], [sflag:s22] =	dma.local [hbm:s5], s20  }
0x9e: {  	_ =	swait.ge [sflag:s22], s20  }
0x9f: {  	s4 =	ssub.s32 $0x0, s20;
	[sflag:s22] =	ssyncset.done $0x0  }
0xa0: {  	[sflag:s22] =	ssyncadd.s32 s4;
	_ =	sdelay $0x1  }
0xa1: {  	s23 =	simm.s32 $0x1B8B  }
0xa2: {  	_ =	swait.ge [sflag:s23], $0x1  }
0xa3: {  	[sflag:s23] =	ssyncset.done $0x0  }
0xa4: {  	s25 =	simm.s32 $0x1B8E;
	s24 =	sld [smem:$0x3FFE];
	[sflag:s23] =	ssyncadd.s32 $0xFFFFFFFF  }
0xa5: {  	s26 =	simm.s32 $execute0_lowered;
	[smem:$0x3FD2] =	sst s25  }
0xa6: {  	s5 =	sshll.u32 s26, $0x1;
	_ =	strace $0x80000046;
	[dreg:$0x1] =	wrdreg $0xFFFFFFFF  }
0xa7: {  	s28 =	simm.s32 $_size_execute0_lowered;
	s3 =	sadd.s32 s3, s5;
	[dreg:$0x0] =	wrdreg $0x0  }
0xa8: {  	s5 =	sshll.u32 s28, $0x1;
	[dreg:$0x2] =	wrdreg s3  }
0xa9: {  	[dreg:$0x3] =	wrdreg s5  }
0xaa: {  	[dreg:$0x4] =	wrdreg $0xC0  }
0xab: {  	_ =	task [dreg:s7], $0x5FFFF  }
0xac: {  	[dreg:$0x1] =	wrdreg $0xFFFFFFFF  }
0xad: {  	[dreg:$0x0] =	wrdreg $0x60  }
0xae: {  	[dreg:$0x2] =	wrdreg s24  }
0xaf: {  	[dreg:$0x3] =	wrdreg s2  }
0xb0: {  	[dreg:$0x4] =	wrdreg $0x98300  }
0xb1: {  	[dreg:$0x5] =	wrdreg $0x1D0B00  }
0xb2: {  	[dreg:$0x6] =	wrdreg $0x9  }
0xb3: {  	_ =	task.clear_ibuf [dreg:s7], $0x7FFFF;
	_ =	strace $0x90000046  }
0xb4: {  	s29 =	simm.s32 $0x9;
	_ =	strace $0x80000048  }
0xb5: {  	_ =	swait.ge [sflag:s29], $0x1  }
0xb6: {  	[sflag:s29] =	ssyncadd.s32 $0xFFFFFFFF  }
0xb7: {  	_ =	strace $0x90000048  }
0xb8: {  	_ =	sfence  }
0xb9: {  	s30 =	sld [smem:$0x0];
	_ =	sdelay $0x2  }
0xba: {  	s31 =	sshll.u32 s1, $0xD;
	s1 =	sshrl.u32 s1, $0x2  }
0xbb: {  	s3 =	sand.u32 $0x4000, s31;
	s1 =	sadd.s32 s1, s30  }
0xbc: {  	s0 =	sor.u32 s3, s0;
	s1 =	sshll.u32 s1, $0x11  }
0xbd: {  	s0 =	sor.u32 s1, s0  }
0xbe: {  	s0 =	sadd.s32 $0x8F2B, s0  }
0xbf: {  	[sflag:s0] =	ssyncadd.remote.s32 $0x1  }
0xc0: {  	_ =	sfence.sel $0xFFFF  }
0xc1: {  	[dreg:$0x0] =	wrdreg $0xFFFFFFFF;
	(pc) =	sbr.abs _section_cstart, $3  }
0xc2: {  	[dreg:$0x1] =	wrdreg $0xFFFFFFFF  }
0xc3: {  	_ =	task.clear_ibuf [dreg:s7], $0x2FFFF;
	_ =	strace $0x9FFFFFFF  }
0xc4: {  	(tm) =	ssettm $0x7FFFFFFF  }
0xc5: {  	_ =	shalt  }
tec
execute0_lowered:
.L_overlay_start_1:
0x0: {  	(tag) =	ssettag $0x1  }
0x1: {  	s0 =	rddreg [dreg:$0x0]  }
0x2: {  	s5 =	rddreg [dreg:$0x1]  }
0x3: {  	s1 =	rddreg [dreg:$0x2]  }
0x4: {  	s2 =	rddreg [dreg:$0x3]  }
0x5: {  	s3 =	simm.s32 $0x0;
	s8 =	srdreg.scid;
	s23 =	stileid.u32  }
0x6: {  	s28 =	simm.s32 $0x50;
	s29 =	simm.s32 $0x1;
	s30 =	simm.s32 $0xAA0  }
0x7: {  	s31 =	simm.s32 $0xA0;
	[smem:$0x7FF] =	sst s3;
	s4 =	sadd.s32 $0x16800, s0  }
0x8: {  	s6 =	sadd.s32 $0x3DA00, s0;
	s7 =	sadd.s32 $0x42A00, s0;
	s14 =	sand.u32 $0x1, s8  }
0x9: {  	s8 =	sadd.s32 $0xCA00, s0;
	s9 =	sadd.s32 $0x2C00, s0;
	s15 =	smul.u32 $0x13880, s23  }
0xa: {  	s0 =	sadd.s32 $0x47A00, s0;
	s25 =	sshll.u32 s23, $0x1;
	s23 =	smul.u32 $0x2710, s23  }
0xb: {  	_ =	strace $0x80000047;
	s10 =	ssub.s32 $0x2, s14;
	s21 =	smul.u32 $0x138800, s14  }
0xc: {  	s16 =	sor.u32 s14, s25;
	s26 =	smul.u32 $0x27100, s14;
	s11 =	sshrl.u32 s10, $0x1  }
0xd: {  	s18 =	sadd.s32 $0x3E80, s15;
	s19 =	sadd.s32 $0x7D00, s15;
	s20 =	sadd.s32 $0xBB80, s15  }
0xe: {  	s22 =	sadd.s32 $0xFA00, s15;
	s16 =	smul.u32 $0x2710, s16;
	s17 =	ssub.s32 s10, s11  }
0xf: {  	s10 =	sadd.s32 s15, s1;
	s11 =	sadd.s32 s18, s1;
	s12 =	sadd.s32 s19, s1  }
0x10: {  	s13 =	sadd.s32 s20, s1;
	s24 =	sadd.s32 s15, s21;
	s18 =	sadd.s32 s21, s18  }
0x11: {  	s19 =	sadd.s32 s21, s19;
	s20 =	sadd.s32 s21, s20;
	s21 =	sadd.s32 s21, s22  }
0x12: {  	s14 =	sadd.s32 s22, s1;
	s25 =	sadd.s32 s23, s26;
	s15 =	sadd.s32 s23, s2  }
0x13: {  	s26 =	sshrl.u32 s24, $0x3;
	s18 =	sshrl.u32 s18, $0x3;
	s19 =	sshrl.u32 s19, $0x3  }
0x14: {  	s20 =	sshrl.u32 s20, $0x3;
	s24 =	sshrl.u32 s25, $0x3;
	s23 =	sadd.s32 s0, s26  }
0x15: {  	s18 =	sadd.s32 s0, s18;
	s19 =	sadd.s32 s0, s19;
	[dreg:$0x5] =	wrdreg s23  }
0x16: {  	s25 =	sadd.s32 s5, s24;
	s26 =	smax.u32 s17, $0x1;
	[dreg:$0x6] =	wrdreg s18  }
0x17: {  	s24 =	simm.s32 $0x59B0;
	s5 =	simm.s32 $0x2;
	[dreg:$0x7] =	wrdreg s19  }
0x18: {  	s17 =	simm.s32 $0x3;
	s23 =	sshrl.u32 s21, $0x3;
	[dreg:$0xa] =	wrdreg s25  }
0x19: {  	s18 =	sadd.s32 s0, s20;
	[dreg:$0xb] =	wrdreg s26;
	s25 =	simm.s32 $0x4  }
0x1a: {  	s21 =	simm.s32 $0x32A0;
	[dreg:$0x8] =	wrdreg s18;
	s0 =	sadd.s32 s0, s23  }
0x1b: {  	v0 =	vimm.f32 $0.0e+00;
	s18 =	simm.s32 $0x0;
	[dreg:$0x9] =	wrdreg s0;
	s0 =	simm.s32 $0x5A0  }
.LBB2_1:
0x1c: {  	s19 =	simm.s32 $0x0;
	s20 =	simm.s32 $0x200  }
.LBB2_2:
0x1d: {  	p0 =	sne.s32 s20, $0xF800;
	[tilespmem:s19+$0x5A20] =	vst v0  }
0x1e: {  	[tilespmem:s19+$0x59B0] =	vst v0  }
0x1f: {  	[tilespmem:s19+$0x59C0] =	vst v0  }
.Ltmp0:
0x20: {  	[tilespmem:s19+$0x59D0] =	vst v0;
	(pc) =	sbr.rel @p0 .LBB2_2-.Ltmp0, $4  }
0x21: {  	[tilespmem:s19+$0x59E0] =	vst v0  }
0x22: {  	[tilespmem:s19+$0x59F0] =	vst v0  }
0x23: {  	[tilespmem:s19+$0x5A00] =	vst v0  }
0x24: {  	[tilespmem:s19+$0x5A10] =	vst v0;
	s19 =	sshra.s32 s20, $0x2;
	s20 =	sadd.s32 $0x200, s20  }
0x25: {  	[tilespmem:s19+$0x5A20] =	vst v0  }
0x26: {  	[tilespmem:s19+$0x59B0] =	vst v0  }
0x27: {  	[tilespmem:s19+$0x59C0] =	vst v0  }
0x28: {  	[tilespmem:s19+$0x59D0] =	vst v0  }
0x29: {  	[tilespmem:s19+$0x59E0] =	vst v0  }
0x2a: {  	[tilespmem:s19+$0x59F0] =	vst v0  }
0x2b: {  	[tilespmem:s19+$0x5A00] =	vst v0  }
0x2c: {  	[tilespmem:s19+$0x5A10] =	vst v0;
	s19 =	simm.s32 $0x40;
	s20 =	simm.s32 $0x0  }
.LBB2_4:
0x2d: {  	p0 =	sne.s32 s19, $0x9C00;
	[tilespmem:s20+$0x32A0] =	vst v0;
	s20 =	smov.u32 s19;
	s19 =	sadd.s32 $0x40, s19  }
.Ltmp1:
0x2e: {  	(pc) =	sbr.rel @p0 .LBB2_4-.Ltmp1, $2  }
0x2f: {  	_ =	sdelay $0x2  }
0x30: {  	s20 =	sshra.s32 s20, $0x2  }
0x31: {  	[tilespmem:s20+$0x32A0] =	vst v0  }
0x32: {  	[spmem:s10] =	stream.linear.scatter [tilespmem:s24], [sflag:$0x4], $0x3E80, $0x38;
	[tilespmem:$0x1F7C0] =	vst v63  }
0x33: {  	_ =	swait.ge [sflag:s25], $0x3E80  }
0x34: {  	[sflag:s25] =	ssyncset.done $0x0  }
0x35: {  	[sflag:s25] =	ssyncadd.s32 $0xFFFFC180  }
0x36: {  	[spmem:s11] =	stream.linear.scatter [tilespmem:s24], [sflag:$0x4], $0x3E80, $0x38;
	[tilespmem:$0x1F7C0] =	vst v63  }
0x37: {  	_ =	swait.ge [sflag:s25], $0x3E80  }
0x38: {  	[sflag:s25] =	ssyncset.done $0x0  }
0x39: {  	[sflag:s25] =	ssyncadd.s32 $0xFFFFC180  }
0x3a: {  	[spmem:s12] =	stream.linear.scatter [tilespmem:s24], [sflag:$0x4], $0x3E80, $0x38;
	[tilespmem:$0x1F7C0] =	vst v63  }
0x3b: {  	_ =	swait.ge [sflag:s25], $0x3E80  }
0x3c: {  	[sflag:s25] =	ssyncset.done $0x0  }
0x3d: {  	[sflag:s25] =	ssyncadd.s32 $0xFFFFC180  }
0x3e: {  	[spmem:s13] =	stream.linear.scatter [tilespmem:s24], [sflag:$0x4], $0x3E80, $0x38;
	[tilespmem:$0x1F7C0] =	vst v63  }
0x3f: {  	_ =	swait.ge [sflag:s25], $0x3E80  }
0x40: {  	[sflag:s25] =	ssyncset.done $0x0  }
0x41: {  	[sflag:s25] =	ssyncadd.s32 $0xFFFFC180  }
0x42: {  	[spmem:s14] =	stream.linear.scatter [tilespmem:s24], [sflag:$0x4], $0x3E80, $0x38;
	[tilespmem:$0x1F7C0] =	vst v63  }
0x43: {  	_ =	swait.ge [sflag:s25], $0x3E80  }
0x44: {  	[sflag:s25] =	ssyncset.done $0x0  }
0x45: {  	[sflag:s25] =	ssyncadd.s32 $0xFFFFC180  }
0x46: {  	[spmem:s15] =	stream.linear.scatter [tilespmem:s21], [sflag:$0x4], $0x2710, $0x38;
	[tilespmem:$0x1F7C0] =	vst v63  }
0x47: {  	_ =	swait.ge [sflag:s25], $0x2710  }
0x48: {  	[sflag:s25] =	ssyncset.done $0x0  }
0x49: {  	[sflag:s25] =	ssyncadd.s32 $0xFFFFD8F0  }
0x4a: {  	s19 =	simm.s32 $0x0;
	[bflag:$0x0] =	sbarrier.arrive $0xFFFF  }
.LBB2_6:
0x4b: {  	s20 =	smul.u32 $0x50, s19;
	_ =	sdelay $0x1  }
0x4c: {  	s20 =	sadd.s32 s16, s20  }
0x4d: {  	s20 =	sshrl.u32 s20, $0x3  }
0x4e: {  	s21 =	sadd.s32 s8, s20  }
0x4f: {  	[tilespmem:s3], [sflag:$0x1] =	stream.linear.gather [hbm4b:s21+s3], $0x50, $0x38;
	[tilespmem:$0x1F7C0] =	vst v63  }
0x50: {  	s20 =	sadd.s32 s9, s20  }
0x51: {  	[tilespmem:s28], [sflag:$0x1] =	stream.linear.gather [hbm4b:s20+s3], $0x50, $0x38;
	[tilespmem:$0x1F7C0] =	vst v63  }
0x52: {  	_ =	swait.ge [sflag:s29], $0x50  }
0x53: {  	[sflag:s29] =	ssyncset.done $0x0  }
0x54: {  	[sflag:s29] =	ssyncadd.s32 $0xFFFFFFB0  }
0x55: {  	_ =	swait.ge [sflag:s29], $0x50  }
0x56: {  	[sflag:s29] =	ssyncset.done $0x0  }
0x57: {  	[sflag:s29] =	ssyncadd.s32 $0xFFFFFFB0  }
0x58: {  	[tilespmem:s30], [sflag:$0x2] =	stream.indirect.gather [hbm4b:s4+s28], $0x80, s3, s28, $0xb8;
	[tilespmem:$0x1F7C0] =	vst v63  }
0x59: {  	_ = 	snop  }
0x5a: {  	[tilespmem:s31], [sflag:$0x1] =	stream.indirect.gather [hbm4b:s6+s28], $0x10, s3, s28, $0xb8;
	[tilespmem:$0x1F7C0] =	vst v63  }
0x5b: {  	_ = 	snop  }
0x5c: {  	[tilespmem:s0], [sflag:$0x1] =	stream.indirect.gather [hbm4b:s7+s28], $0x10, s28, s28, $0xb8;
	[tilespmem:$0x1F7C0] =	vst v63  }
0x5d: {  	_ =	swait.ge [sflag:s29], $0x500  }
0x5e: {  	[sflag:s29] =	ssyncset.done $0x0  }
0x5f: {  	[sflag:s29] =	ssyncadd.s32 $0xFFFFFB00  }
0x60: {  	_ =	swait.ge [sflag:s29], $0x500  }
0x61: {  	[sflag:s29] =	ssyncset.done $0x0  }
0x62: {  	s20 =	simm.s32 $0x5C0;
	[sflag:s29] =	ssyncadd.s32 $0xFFFFFB00  }
0x63: {  	s21 =	simm.s32 $0xC0;
	v1 =	vld [tilespmem:s20+$0xFFFFFFE0]  }
0x64: {  	v2 =	vld [tilespmem:s21+$0xFFFFFFE0];
	_ =	sdelay $0x4  }
0x65: {  	v1 =	vadd.f32 v1, v2;
	_ =	sdelay $0x1  }
0x66: {  	v2 =	vmul.f32 $2.000000030e-01, v1  }
0x67: {  	vm0 =	vgt.f32 v1, $0.0e+00  }
0x68: {  	v1 =	vsel vm0, v1, v2  }
0x69: {  	v1 =	vmul.f32 $1.442695020e+00, v1;
	_ =	sdelay $0x1  }
0x6a: {  	(erf) = vpow2.f32 v1;
	_ =	sdelay $0x8  }
0x6b: {  	v1 =	vpop (erf)  }
0x6c: {  	[tilespmem:s20+$0xFFFFFFE0] =	vst v1;
	v1 =	vld [tilespmem:s20+$0xFFFFFFF0]  }
0x6d: {  	v2 =	vld [tilespmem:s21+$0xFFFFFFF0];
	_ =	sdelay $0x4  }
0x6e: {  	v1 =	vadd.f32 v1, v2;
	_ =	sdelay $0x1  }
0x6f: {  	v2 =	vmul.f32 $2.000000030e-01, v1  }
0x70: {  	vm13 =	vgt.f32 v1, $0.0e+00  }
0x71: {  	v1 =	vsel vm13, v1, v2  }
0x72: {  	v1 =	vmul.f32 $1.442695020e+00, v1;
	_ =	sdelay $0x1  }
0x73: {  	(erf) = vpow2.f32 v1;
	_ =	sdelay $0x8  }
0x74: {  	v1 =	vpop (erf)  }
0x75: {  	[tilespmem:s20+$0xFFFFFFF0] =	vst v1;
	v1 =	vld [tilespmem:s20+$0x0]  }
0x76: {  	v2 =	vld [tilespmem:s21+$0x0];
	_ =	sdelay $0x4  }
0x77: {  	v1 =	vadd.f32 v1, v2;
	_ =	sdelay $0x1  }
0x78: {  	v2 =	vmul.f32 $2.000000030e-01, v1  }
0x79: {  	vm14 =	vgt.f32 v1, $0.0e+00  }
0x7a: {  	v1 =	vsel vm14, v1, v2  }
0x7b: {  	v1 =	vmul.f32 $1.442695020e+00, v1;
	_ =	sdelay $0x1  }
0x7c: {  	(erf) = vpow2.f32 v1;
	_ =	sdelay $0x8  }
0x7d: {  	v1 =	vpop (erf)  }
0x7e: {  	[tilespmem:s20+$0x0] =	vst v1;
	v1 =	vld [tilespmem:s20+$0x10]  }
0x7f: {  	v2 =	vld [tilespmem:s21+$0x10];
	_ =	sdelay $0x4  }
0x80: {  	v1 =	vadd.f32 v1, v2;
	_ =	sdelay $0x1  }
0x81: {  	v2 =	vmul.f32 $2.000000030e-01, v1  }
0x82: {  	vm15 =	vgt.f32 v1, $0.0e+00  }
0x83: {  	v1 =	vsel vm15, v1, v2  }
0x84: {  	v1 =	vmul.f32 $1.442695020e+00, v1;
	_ =	sdelay $0x1  }
0x85: {  	(erf) = vpow2.f32 v1;
	_ =	sdelay $0x8  }
0x86: {  	s22 =	simm.s32 $0x0;
	s23 =	simm.s32 $0x600;
	v1 =	vpop (erf)  }
.LBB2_7:
0x87: {  	v2 =	vld [tilespmem:s23+$0xFFFFFFE0];
	[tilespmem:s20+$0x10] =	vst v1;
	s21 =	sadd.s32 $0x40, s21;
	s20 =	smov.u32 s23  }
0x88: {  	s22 =	sadd.s32 $0x4, s22;
	v1 =	vld [tilespmem:s21+$0xFFFFFFE0]  }
0x89: {  	p0 =	slt.u32 s22, $0x4C;
	_ =	sdelay $0x3  }
0x8a: {  	v1 =	vadd.f32 v2, v1;
	_ =	sdelay $0x1  }
0x8b: {  	v2 =	vmul.f32 $2.000000030e-01, v1  }
0x8c: {  	vm0 =	vgt.f32 v1, $0.0e+00  }
0x8d: {  	v1 =	vsel vm0, v1, v2  }
0x8e: {  	v1 =	vmul.f32 $1.442695020e+00, v1;
	_ =	sdelay $0x1  }
0x8f: {  	(erf) = vpow2.f32 v1;
	_ =	sdelay $0x8  }
0x90: {  	v1 =	vpop (erf)  }
0x91: {  	[tilespmem:s23+$0xFFFFFFE0] =	vst v1;
	v1 =	vld [tilespmem:s23+$0xFFFFFFF0]  }
0x92: {  	v2 =	vld [tilespmem:s21+$0xFFFFFFF0];
	_ =	sdelay $0x4  }
0x93: {  	v1 =	vadd.f32 v1, v2;
	_ =	sdelay $0x1  }
0x94: {  	v2 =	vmul.f32 $2.000000030e-01, v1  }
0x95: {  	vm0 =	vgt.f32 v1, $0.0e+00  }
0x96: {  	v1 =	vsel vm0, v1, v2  }
0x97: {  	v1 =	vmul.f32 $1.442695020e+00, v1;
	_ =	sdelay $0x1  }
0x98: {  	(erf) = vpow2.f32 v1;
	_ =	sdelay $0x8  }
0x99: {  	v1 =	vpop (erf)  }
0x9a: {  	[tilespmem:s23+$0xFFFFFFF0] =	vst v1;
	v1 =	vld [tilespmem:s23+$0x0]  }
0x9b: {  	v2 =	vld [tilespmem:s21+$0x0];
	_ =	sdelay $0x4  }
0x9c: {  	v1 =	vadd.f32 v1, v2;
	_ =	sdelay $0x1  }
0x9d: {  	v2 =	vmul.f32 $2.000000030e-01, v1  }
0x9e: {  	vm0 =	vgt.f32 v1, $0.0e+00  }
0x9f: {  	v1 =	vsel vm0, v1, v2  }
0xa0: {  	v1 =	vmul.f32 $1.442695020e+00, v1;
	_ =	sdelay $0x1  }
0xa1: {  	(erf) = vpow2.f32 v1;
	_ =	sdelay $0x8  }
0xa2: {  	v1 =	vpop (erf)  }
0xa3: {  	[tilespmem:s23+$0x0] =	vst v1;
	v1 =	vld [tilespmem:s23+$0x10]  }
0xa4: {  	v2 =	vld [tilespmem:s21+$0x10];
	_ =	sdelay $0x4  }
0xa5: {  	v1 =	vadd.f32 v1, v2;
	_ =	sdelay $0x1  }
0xa6: {  	v2 =	vmul.f32 $2.000000030e-01, v1  }
0xa7: {  	vm0 =	vgt.f32 v1, $0.0e+00  }
0xa8: {  	v1 =	vsel vm0, v1, v2  }
0xa9: {  	v1 =	vmul.f32 $1.442695020e+00, v1;
	_ =	sdelay $0x1  }
0xaa: {  	(erf) = vpow2.f32 v1;
	_ =	sdelay $0x4  }
.Ltmp2:
0xab: {  	(pc) =	sbr.rel @p0 .LBB2_7-.Ltmp2, $2  }
0xac: {  	_ =	sdelay $0x2  }
0xad: {  	s23 =	sadd.s32 $0x40, s23;
	v1 =	vpop (erf)  }
0xae: {  	[tilespmem:s20+$0x10] =	vst v1  }
0xaf: {  	[spmem:s2] =	stream.indirect.scatter.add.f32 [tilespmem:s0], [sflag:$0x3], $0x10, s28, s28, $0xb8;
	[tilespmem:$0x1F7C0] =	vst v63  }
0xb0: {  	_ =	swait.ge [sflag:s5], $0x2800  }
0xb1: {  	[sflag:s5] =	ssyncset.done $0x0  }
0xb2: {  	s21 =	simm.s32 $0x5C0;
	[sflag:s5] =	ssyncadd.s32 $0xFFFFD800  }
0xb3: {  	v1 =	vld [tilespmem:s21+$0xFFFFFFE0]  }
0xb4: {  	s20 =	simm.s32 $0xBA0  }
0xb5: {  	v3 =	vld [tilespmem:s20+$0xFFFFFF00]  }
0xb6: {  	v4 =	vld [tilespmem:s20+$0xFFFFFF20]  }
0xb7: {  	v5 =	vld [tilespmem:s20+$0xFFFFFF70]  }
0xb8: {  	v2 =	vld [tilespmem:s20+$0xFFFFFF50];
	v6 =	vbroadcast v1, $0x0  }
0xb9: {  	v7 =	vld [tilespmem:s20+$0xFFFFFF40];
	v9 =	vbroadcast v1, $0x2  }
0xba: {  	v8 =	vld [tilespmem:s20+$0xFFFFFF60];
	v10 =	vbroadcast v1, $0x7;
	v3 =	vmul.f32 v6, v3  }
0xbb: {  	v12 =	vld [tilespmem:s20+$0xFFFFFF10];
	v57 =	vbroadcast v1, $0x5;
	v4 =	vmul.f32 v4, v9  }
0xbc: {  	v11 =	vld [tilespmem:s20+$0xFFFFFF30];
	v6 =	vbroadcast v1, $0x4;
	v5 =	vmul.f32 v5, v10;
	[tilespmem:s20+$0xFFFFFF00] =	vst v3  }
0xbd: {  	v2 =	vmul.f32 v2, v57;
	v3 =	vbroadcast v1, $0x6;
	[tilespmem:s20+$0xFFFFFF20] =	vst v4  }
0xbe: {  	v4 =	vmul.f32 v7, v6;
	v6 =	vbroadcast v1, $0x1;
	[tilespmem:s20+$0xFFFFFF70] =	vst v5  }
0xbf: {  	v1 =	vbroadcast v1, $0x3;
	[tilespmem:s20+$0xFFFFFF50] =	vst v2;
	v3 =	vmul.f32 v8, v3  }
0xc0: {  	[tilespmem:s20+$0xFFFFFF40] =	vst v4;
	v4 =	vmul.f32 v12, v6  }
0xc1: {  	v1 =	vmul.f32 v11, v1;
	[tilespmem:s20+$0xFFFFFF60] =	vst v3  }
0xc2: {  	[tilespmem:s20+$0xFFFFFF10] =	vst v4  }
0xc3: {  	[tilespmem:s20+$0xFFFFFF30] =	vst v1  }
0xc4: {  	v2 =	vld [tilespmem:s21+$0xFFFFFFF0];
	_ =	sdelay $0x1  }
0xc5: {  	v3 =	vld [tilespmem:s20+$0xFFFFFF80]  }
0xc6: {  	v4 =	vld [tilespmem:s20+$0xFFFFFFF0]  }
0xc7: {  	v5 =	vld [tilespmem:s20+$0xFFFFFFD0]  }
0xc8: {  	v7 =	vld [tilespmem:s20+$0xFFFFFF90];
	v6 =	vbroadcast v2, $0x0  }
0xc9: {  	v58 =	vld [tilespmem:s20+$0xFFFFFFB0];
	v59 =	vbroadcast v2, $0x7  }
0xca: {  	v60 =	vld [tilespmem:s20+$0xFFFFFFA0];
	v61 =	vbroadcast v2, $0x5;
	v3 =	vmul.f32 v6, v3  }
0xcb: {  	v62 =	vld [tilespmem:s20+$0xFFFFFFC0];
	v6 =	vbroadcast v2, $0x1;
	v4 =	vmul.f32 v4, v59  }
0xcc: {  	v63 =	vld [tilespmem:s20+$0xFFFFFFE0];
	v13 =	vbroadcast v2, $0x3;
	[tilespmem:s20+$0xFFFFFF80] =	vst v3;
	v3 =	vmul.f32 v5, v61  }
0xcd: {  	v5 =	vbroadcast v2, $0x2;
	v6 =	vmul.f32 v7, v6;
	[tilespmem:s20+$0xFFFFFFF0] =	vst v4  }
0xce: {  	v4 =	vbroadcast v2, $0x4;
	v7 =	vmul.f32 v58, v13;
	[tilespmem:s20+$0xFFFFFFD0] =	vst v3  }
0xcf: {  	v2 =	vbroadcast v2, $0x6;
	v3 =	vmul.f32 v60, v5;
	[tilespmem:s20+$0xFFFFFF90] =	vst v6  }
0xd0: {  	v4 =	vmul.f32 v62, v4;
	[tilespmem:s20+$0xFFFFFFB0] =	vst v7  }
0xd1: {  	v2 =	vmul.f32 v63, v2;
	[tilespmem:s20+$0xFFFFFFA0] =	vst v3  }
0xd2: {  	[tilespmem:s20+$0xFFFFFFC0] =	vst v4  }
0xd3: {  	v1 =	vld [tilespmem:s20+$0x20];
	[tilespmem:s20+$0xFFFFFFE0] =	vst v2  }
0xd4: {  	v3 =	vld [tilespmem:s21+$0x0]  }
0xd5: {  	v2 =	vld [tilespmem:s20+$0x30]  }
0xd6: {  	s23 =	simm.s32 $0x0;
	s26 =	simm.s32 $0xBA0;
	s22 =	simm.s32 $0x5C0;
	v4 =	vld [tilespmem:s20+$0x50]  }
.LBB2_9:
0xd7: {  	s23 =	sadd.s32 $0x4, s23;
	v5 =	vld [tilespmem:s20+$0x0];
	s21 =	sadd.s32 $0x40, s21;
	s26 =	sadd.s32 $0x200, s26  }
0xd8: {  	p0 =	slt.u32 s23, $0x4C;
	v6 =	vld [tilespmem:s20+$0x40]  }
0xd9: {  	v7 =	vbroadcast v3, $0x0;
	v8 =	vld [tilespmem:s20+$0x10];
	v9 =	vbroadcast v3, $0x5  }
0xda: {  	v10 =	vbroadcast v3, $0x2;
	v11 =	vbroadcast v3, $0x6;
	v12 =	vld [tilespmem:s20+$0x70]  }
0xdb: {  	v13 =	vbroadcast v3, $0x4;
	v4 =	vmul.f32 v4, v9;
	v9 =	vld [tilespmem:s20+$0x60]  }
0xdc: {  	v14 =	vbroadcast v3, $0x1;
	v1 =	vmul.f32 v1, v10  }
0xdd: {  	v6 =	vmul.f32 v6, v13;
	[tilespmem:s20+$0x50] =	vst v4;
	v4 =	vbroadcast v3, $0x7  }
0xde: {  	v8 =	vmul.f32 v8, v14;
	[tilespmem:s20+$0x20] =	vst v1;
	v1 =	vbroadcast v3, $0x3  }
0xdf: {  	v3 =	vmul.f32 v7, v5;
	[tilespmem:s20+$0x40] =	vst v6;
	v4 =	vmul.f32 v12, v4  }
0xe0: {  	[tilespmem:s20+$0x10] =	vst v8;
	v2 =	vmul.f32 v2, v1;
	v5 =	vmul.f32 v9, v11  }
0xe1: {  	[tilespmem:s20+$0x0] =	vst v3  }
0xe2: {  	v1 =	vld [tilespmem:s26+$0x20];
	[tilespmem:s20+$0x30] =	vst v2  }
0xe3: {  	[tilespmem:s20+$0x60] =	vst v5  }
0xe4: {  	[tilespmem:s20+$0x70] =	vst v4;
	v2 =	vld [tilespmem:s20+$0x80]  }
0xe5: {  	v3 =	vld [tilespmem:s22+$0x10];
	s22 =	smov.u32 s21  }
0xe6: {  	v4 =	vld [tilespmem:s20+$0xD0]  }
0xe7: {  	v5 =	vld [tilespmem:s20+$0xA0]  }
0xe8: {  	v6 =	vld [tilespmem:s20+$0xB0]  }
0xe9: {  	v7 =	vld [tilespmem:s20+$0xC0]  }
0xea: {  	v8 =	vbroadcast v3, $0x0;
	v9 =	vbroadcast v3, $0x1;
	v10 =	vld [tilespmem:s20+$0xE0]  }
0xeb: {  	v11 =	vbroadcast v3, $0x2;
	v12 =	vbroadcast v3, $0x3;
	v13 =	vld [tilespmem:s20+$0xF0]  }
0xec: {  	v15 =	vbroadcast v3, $0x4;
	v16 =	vbroadcast v3, $0x5;
	v14 =	vld [tilespmem:s20+$0x90]  }
0xed: {  	v6 =	vmul.f32 v6, v12;
	v12 =	vbroadcast v3, $0x6  }
0xee: {  	v3 =	vbroadcast v3, $0x7;
	v7 =	vmul.f32 v7, v15  }
0xef: {  	v4 =	vmul.f32 v4, v16;
	[tilespmem:s20+$0xB0] =	vst v6;
	v6 =	vmul.f32 v10, v12  }
0xf0: {  	v2 =	vmul.f32 v8, v2;
	[tilespmem:s20+$0xC0] =	vst v7;
	v3 =	vmul.f32 v13, v3  }
0xf1: {  	v5 =	vmul.f32 v5, v11;
	v7 =	vmul.f32 v14, v9;
	[tilespmem:s20+$0xD0] =	vst v4  }
0xf2: {  	[tilespmem:s20+$0xF0] =	vst v3  }
0xf3: {  	[tilespmem:s20+$0x80] =	vst v2  }
0xf4: {  	[tilespmem:s20+$0xE0] =	vst v6  }
0xf5: {  	[tilespmem:s20+$0xA0] =	vst v5  }
0xf6: {  	v2 =	vld [tilespmem:s26+$0xFFFFFF50];
	[tilespmem:s20+$0x90] =	vst v7;
	s20 =	smov.u32 s26  }
0xf7: {  	v3 =	vld [tilespmem:s21+$0xFFFFFFE0]  }
0xf8: {  	v4 =	vld [tilespmem:s26+$0xFFFFFF60]  }
0xf9: {  	v5 =	vld [tilespmem:s26+$0xFFFFFF00]  }
0xfa: {  	v6 =	vld [tilespmem:s26+$0xFFFFFF20]  }
0xfb: {  	v7 =	vld [tilespmem:s26+$0xFFFFFF70]  }
0xfc: {  	v8 =	vbroadcast v3, $0x0;
	v9 =	vld [tilespmem:s26+$0xFFFFFF40];
	v10 =	vbroadcast v3, $0x7  }
0xfd: {  	v11 =	vbroadcast v3, $0x2;
	v13 =	vbroadcast v3, $0x4;
	v12 =	vld [tilespmem:s26+$0xFFFFFF30]  }
0xfe: {  	v14 =	vbroadcast v3, $0x5;
	v5 =	vmul.f32 v8, v5;
	v8 =	vld [tilespmem:s26+$0xFFFFFF10]  }
0xff: {  	v6 =	vmul.f32 v6, v11;
	v11 =	vbroadcast v3, $0x3  }
0x100: {  	[tilespmem:s26+$0xFFFFFF00] =	vst v5;
	v5 =	vbroadcast v3, $0x6;
	v7 =	vmul.f32 v7, v10  }
0x101: {  	v3 =	vbroadcast v3, $0x1;
	[tilespmem:s26+$0xFFFFFF20] =	vst v6;
	v6 =	vmul.f32 v9, v13  }
0x102: {  	v9 =	vmul.f32 v12, v11;
	v4 =	vmul.f32 v4, v5;
	[tilespmem:s26+$0xFFFFFF70] =	vst v7  }
0x103: {  	v2 =	vmul.f32 v2, v14;
	v3 =	vmul.f32 v8, v3;
	[tilespmem:s26+$0xFFFFFF40] =	vst v6  }
0x104: {  	[tilespmem:s26+$0xFFFFFF60] =	vst v4  }
0x105: {  	[tilespmem:s26+$0xFFFFFF50] =	vst v2  }
0x106: {  	[tilespmem:s26+$0xFFFFFF10] =	vst v3  }
0x107: {  	[tilespmem:s26+$0xFFFFFF30] =	vst v9;
	v2 =	vld [tilespmem:s26+$0xFFFFFFB0]  }
0x108: {  	v3 =	vld [tilespmem:s21+$0xFFFFFFF0]  }
0x109: {  	v4 =	vld [tilespmem:s26+$0xFFFFFFD0]  }
0x10a: {  	v5 =	vld [tilespmem:s26+$0xFFFFFFF0]  }
0x10b: {  	v6 =	vld [tilespmem:s26+$0xFFFFFFA0]  }
0x10c: {  	v7 =	vld [tilespmem:s26+$0xFFFFFF80]  }
0x10d: {  	v8 =	vbroadcast v3, $0x0;
	v9 =	vbroadcast v3, $0x1;
	v10 =	vld [tilespmem:s26+$0xFFFFFFE0]  }
0x10e: {  	v11 =	vbroadcast v3, $0x2;
	v12 =	vbroadcast v3, $0x3;
	v13 =	vld [tilespmem:s26+$0xFFFFFFC0]  }
0x10f: {  	v15 =	vbroadcast v3, $0x4;
	v16 =	vbroadcast v3, $0x5;
	v14 =	vld [tilespmem:s26+$0xFFFFFF90]  }
0x110: {  	v17 =	vbroadcast v3, $0x6;
	v3 =	vbroadcast v3, $0x7  }
0x111: {  	v6 =	vmul.f32 v6, v11;
	v7 =	vmul.f32 v8, v7  }
0x112: {  	v3 =	vmul.f32 v5, v3;
	v8 =	vmul.f32 v10, v17  }
0x113: {  	v4 =	vmul.f32 v4, v16;
	[tilespmem:s26+$0xFFFFFF80] =	vst v7;
	v5 =	vmul.f32 v13, v15  }
0x114: {  	v2 =	vmul.f32 v2, v12;
	v7 =	vmul.f32 v14, v9;
	[tilespmem:s26+$0xFFFFFFF0] =	vst v3  }
0x115: {  	[tilespmem:s26+$0xFFFFFFD0] =	vst v4  }
0x116: {  	[tilespmem:s26+$0xFFFFFF90] =	vst v7  }
0x117: {  	[tilespmem:s26+$0xFFFFFFB0] =	vst v2  }
0x118: {  	[tilespmem:s26+$0xFFFFFFA0] =	vst v6  }
.Ltmp3:
0x119: {  	[tilespmem:s26+$0xFFFFFFC0] =	vst v5;
	(pc) =	sbr.rel @p0 .LBB2_9-.Ltmp3, $4  }
0x11a: {  	[tilespmem:s26+$0xFFFFFFE0] =	vst v8  }
0x11b: {  	v3 =	vld [tilespmem:s21+$0x0]  }
0x11c: {  	v2 =	vld [tilespmem:s26+$0x30]  }
0x11d: {  	v4 =	vld [tilespmem:s26+$0x50]  }
0x11e: {  	_ = 	snop  }
0x11f: {  	v5 =	vld [tilespmem:s20+$0x40]  }
0x120: {  	v6 =	vld [tilespmem:s20+$0x10];
	v7 =	vbroadcast v3, $0x5  }
0x121: {  	v8 =	vld [tilespmem:s20+$0x0];
	v9 =	vbroadcast v3, $0x2  }
0x122: {  	v11 =	vbroadcast v3, $0x4;
	v4 =	vmul.f32 v4, v7  }
0x123: {  	v45 =	vld [tilespmem:s20+$0x60];
	v12 =	vbroadcast v3, $0x1;
	v1 =	vmul.f32 v1, v9  }
0x124: {  	v10 =	vld [tilespmem:s20+$0x70];
	v46 =	vbroadcast v3, $0x0;
	v5 =	vmul.f32 v5, v11;
	[tilespmem:s20+$0x50] =	vst v4  }
0x125: {  	v47 =	vmul.f32 v6, v12;
	[tilespmem:s20+$0x20] =	vst v1;
	v1 =	vbroadcast v3, $0x3  }
0x126: {  	v48 =	vbroadcast v3, $0x6;
	v8 =	vmul.f32 v46, v8;
	[tilespmem:s20+$0x40] =	vst v5  }
0x127: {  	v3 =	vbroadcast v3, $0x7;
	[tilespmem:s20+$0x10] =	vst v47;
	v1 =	vmul.f32 v2, v1  }
0x128: {  	[tilespmem:s20+$0x0] =	vst v8;
	v2 =	vmul.f32 v45, v48  }
0x129: {  	v3 =	vmul.f32 v10, v3;
	[tilespmem:s20+$0x30] =	vst v1  }
0x12a: {  	[tilespmem:s20+$0x60] =	vst v2  }
0x12b: {  	[tilespmem:s20+$0x70] =	vst v3  }
0x12c: {  	v1 =	vld [tilespmem:s22+$0x10];
	_ =	sdelay $0x1  }
0x12d: {  	v3 =	vld [tilespmem:s20+$0xB0]  }
0x12e: {  	v49 =	vld [tilespmem:s20+$0xC0]  }
0x12f: {  	v52 =	vld [tilespmem:s20+$0xF0]  }
0x130: {  	v2 =	vld [tilespmem:s20+$0x80];
	v51 =	vbroadcast v1, $0x3  }
0x131: {  	v53 =	vld [tilespmem:s20+$0xA0];
	v54 =	vbroadcast v1, $0x4;
	v56 =	vbroadcast v1, $0x5  }
0x132: {  	v50 =	vld [tilespmem:s20+$0xD0];
	v58 =	vbroadcast v1, $0x7;
	v3 =	vmul.f32 v3, v51  }
0x133: {  	v57 =	vld [tilespmem:s20+$0x90];
	v59 =	vbroadcast v1, $0x0;
	v4 =	vmul.f32 v49, v54  }
0x134: {  	v55 =	vld [tilespmem:s20+$0xE0];
	v62 =	vbroadcast v1, $0x2;
	v61 =	vmul.f32 v52, v58;
	[tilespmem:s20+$0xB0] =	vst v3  }
0x135: {  	v60 =	vbroadcast v1, $0x6;
	v2 =	vmul.f32 v59, v2;
	[tilespmem:s20+$0xC0] =	vst v4  }
0x136: {  	v1 =	vbroadcast v1, $0x1;
	v63 =	vmul.f32 v53, v62;
	[tilespmem:s20+$0xF0] =	vst v61  }
0x137: {  	v3 =	vmul.f32 v50, v56;
	[tilespmem:s20+$0x80] =	vst v2  }
0x138: {  	v1 =	vmul.f32 v57, v1;
	[tilespmem:s20+$0xA0] =	vst v63  }
0x139: {  	[tilespmem:s20+$0xD0] =	vst v3;
	v3 =	vmul.f32 v55, v60  }
0x13a: {  	[tilespmem:s20+$0x90] =	vst v1  }
0x13b: {  	s19 =	sadd.s32 $0x1, s19;
	[tilespmem:s20+$0xE0] =	vst v3  }
0x13c: {  	[spmem:s1] =	stream.indirect.scatter.add.f32 [tilespmem:s30], [sflag:$0x3], $0x80, s28, s28, $0xb8;
	[tilespmem:$0x1F7C0] =	vst v63  }
0x13d: {  	p0 =	sne.s32 s19, $0x7D;
	_ =	swait.ge [sflag:s17], $0x500  }
.Ltmp4:
0x13e: {  	[sflag:s17] =	ssyncset.done $0x0;
	(pc) =	sbr.rel @p0 .LBB2_6-.Ltmp4, $4  }
0x13f: {  	[sflag:s17] =	ssyncadd.s32 $0xFFFFFB00  }
0x140: {  	_ =	swait.ge [sflag:s17], $0x2800  }
0x141: {  	[sflag:s17] =	ssyncset.done $0x0  }
0x142: {  	[sflag:s17] =	ssyncadd.s32 $0xFFFFD800  }
0x143: {  	[bflag:$0x0] =	sbarrier.arrive $0xFFFF  }
0x144: {  	[tilespmem:s24], [sflag:$0x4] =	stream.linear.gather [spmem:s10], $0x3E80, $0x38;
	[tilespmem:$0x1F7C0] =	vst v63  }
0x145: {  	_ =	swait.ge [sflag:s25], $0x3E80  }
0x146: {  	[sflag:s25] =	ssyncset.done $0x0  }
0x147: {  	s19 =	rddreg [dreg:$0x5];
	[sflag:s25] =	ssyncadd.s32 $0xFFFFC180  }
0x148: {  	[hbm4b:s19+s3] =	stream.linear.scatter [tilespmem:s24], [sflag:$0x4], $0x3E80, $0x38;
	[tilespmem:$0x1F7C0] =	vst v63  }
0x149: {  	_ =	swait.ge [sflag:s25], $0x3E80  }
0x14a: {  	[sflag:s25] =	ssyncset.done $0x0  }
0x14b: {  	[sflag:s25] =	ssyncadd.s32 $0xFFFFC180  }
0x14c: {  	[tilespmem:s24], [sflag:$0x4] =	stream.linear.gather [spmem:s11], $0x3E80, $0x38;
	[tilespmem:$0x1F7C0] =	vst v63  }
0x14d: {  	_ =	swait.ge [sflag:s25], $0x3E80  }
0x14e: {  	[sflag:s25] =	ssyncset.done $0x0  }
0x14f: {  	s26 =	rddreg [dreg:$0x6];
	[sflag:s25] =	ssyncadd.s32 $0xFFFFC180  }
0x150: {  	[hbm4b:s26+s3] =	stream.linear.scatter [tilespmem:s24], [sflag:$0x4], $0x3E80, $0x38;
	[tilespmem:$0x1F7C0] =	vst v63  }
0x151: {  	_ =	swait.ge [sflag:s25], $0x3E80  }
0x152: {  	[sflag:s25] =	ssyncset.done $0x0  }
0x153: {  	[sflag:s25] =	ssyncadd.s32 $0xFFFFC180  }
0x154: {  	[tilespmem:s24], [sflag:$0x4] =	stream.linear.gather [spmem:s12], $0x3E80, $0x38;
	[tilespmem:$0x1F7C0] =	vst v63  }
0x155: {  	_ =	swait.ge [sflag:s25], $0x3E80  }
0x156: {  	[sflag:s25] =	ssyncset.done $0x0  }
0x157: {  	s20 =	rddreg [dreg:$0x7];
	[sflag:s25] =	ssyncadd.s32 $0xFFFFC180  }
0x158: {  	[hbm4b:s20+s3] =	stream.linear.scatter [tilespmem:s24], [sflag:$0x4], $0x3E80, $0x38;
	[tilespmem:$0x1F7C0] =	vst v63  }
0x159: {  	_ =	swait.ge [sflag:s25], $0x3E80  }
0x15a: {  	[sflag:s25] =	ssyncset.done $0x0  }
0x15b: {  	[sflag:s25] =	ssyncadd.s32 $0xFFFFC180  }
0x15c: {  	[tilespmem:s24], [sflag:$0x4] =	stream.linear.gather [spmem:s13], $0x3E80, $0x38;
	[tilespmem:$0x1F7C0] =	vst v63  }
0x15d: {  	_ =	swait.ge [sflag:s25], $0x3E80  }
0x15e: {  	[sflag:s25] =	ssyncset.done $0x0  }
0x15f: {  	s21 =	rddreg [dreg:$0x8];
	[sflag:s25] =	ssyncadd.s32 $0xFFFFC180  }
0x160: {  	[hbm4b:s21+s3] =	stream.linear.scatter [tilespmem:s24], [sflag:$0x4], $0x3E80, $0x38;
	[tilespmem:$0x1F7C0] =	vst v63  }
0x161: {  	_ =	swait.ge [sflag:s25], $0x3E80  }
0x162: {  	[sflag:s25] =	ssyncset.done $0x0  }
0x163: {  	[sflag:s25] =	ssyncadd.s32 $0xFFFFC180  }
0x164: {  	[tilespmem:s24], [sflag:$0x4] =	stream.linear.gather [spmem:s14], $0x3E80, $0x38;
	[tilespmem:$0x1F7C0] =	vst v63  }
0x165: {  	_ =	swait.ge [sflag:s25], $0x3E80  }
0x166: {  	[sflag:s25] =	ssyncset.done $0x0  }
0x167: {  	s22 =	rddreg [dreg:$0x9];
	[sflag:s25] =	ssyncadd.s32 $0xFFFFC180  }
0x168: {  	[hbm4b:s22+s3] =	stream.linear.scatter [tilespmem:s24], [sflag:$0x4], $0x3E80, $0x38;
	[tilespmem:$0x1F7C0] =	vst v63  }
0x169: {  	_ =	swait.ge [sflag:s25], $0x3E80  }
0x16a: {  	[sflag:s25] =	ssyncset.done $0x0  }
0x16b: {  	s21 =	simm.s32 $0x32A0;
	[sflag:s25] =	ssyncadd.s32 $0xFFFFC180  }
0x16c: {  	[tilespmem:s21], [sflag:$0x4] =	stream.linear.gather [spmem:s15], $0x2710, $0x38;
	[tilespmem:$0x1F7C0] =	vst v63  }
0x16d: {  	_ =	swait.ge [sflag:s25], $0x2710  }
0x16e: {  	[sflag:s25] =	ssyncset.done $0x0  }
0x16f: {  	s23 =	rddreg [dreg:$0xa];
	[sflag:s25] =	ssyncadd.s32 $0xFFFFD8F0  }
0x170: {  	[hbm4b:s23+s3] =	stream.linear.scatter [tilespmem:s21], [sflag:$0x4], $0x2710, $0x38;
	[tilespmem:$0x1F7C0] =	vst v63  }
0x171: {  	_ =	swait.ge [sflag:s25], $0x2710  }
0x172: {  	s18 =	sadd.s32 $0x1, s18;
	s26 =	rddreg [dreg:$0xb]  }
0x173: {  	p0 =	sne.s32 s18, s26  }
.Ltmp5:
0x174: {  	_ = 	snop;
	(pc) =	sbr.rel @p0 .LBB2_1-.Ltmp5, $3  }
0x175: {  	_ =	sdelay $0x1  }
0x176: {  	[sflag:s25] =	ssyncset.done $0x0  }
0x177: {  	[sflag:s25] =	ssyncadd.s32 $0xFFFFD8F0  }
0x178: {  	_ =	sfence.sel $0x180000  }
0x179: {  	[bflag:$0x0] =	sbarrier.arrive $0xFFFF  }
0x17a: {  	_ =	strace $0x90000047  }
0x17b: {  	s0 =	stileid.u32;
	[bflag:$0x2] =	sbarrier.arrive $0xFFFF  }
0x17c: {  	p0 =	sne.s32 s0, $0x0;
	s0 =	rddreg [dreg:$0x4]  }
0x17d: {  	s0 =	sadd.s32 @!p0 $0x100000, s0  }
0x17e: {  	[sflag:s0] =	ssyncadd.tile.s32 @!p0 $0x1;
	_ =	shalt  }
.Lfunc_end2:
_tile_overlayer_lowered:
.L_overlay_start_2:
0x17f: {  	(tag) =	ssettag $0x2  }
0x180: {  	s0 =	rddreg [dreg:$0x0];
	s2 =	stileid.u32  }
0x181: {  	s1 =	rddreg [dreg:$0x1];
	p0 =	sne.s32 s2, $0x0  }
0x182: {  	s3 =	rddreg [dreg:$0x2];
	[bflag:$0x3] =	sbarrier.arrive $0xFFFF;
	s2 =	simm.s32 @!p0 $0x1C04  }
0x183: {  	[timem:s3], [sflag:s2] =	dma.local @!p0 [hbm:s0], s1  }
0x184: {  	s0 =	simm.s32 @!p0 $0x4  }
0x185: {  	_ =	swait.ge @!p0 [sflag:s0], s1  }
0x186: {  	s1 =	ssub.s32 @!p0 $0x0, s1;
	[sflag:s0] =	ssyncset.done @!p0 $0x0  }
0x187: {  	[sflag:s0] =	ssyncadd.s32 @!p0 s1  }
0x188: {  	[bflag:$0x3] =	sbarrier.arrive $0xFFFF  }
0x189: {  	_ =	shalt  }

</sc_bundles>
